<compile_context>
chip_gen: v7x
topology: tpu7x:2x2x1
jax: 0.10.2.dev20260603
libtpu: 0.0.44.dev20260713+nightly
codegen_flags: <defaults>
</compile_context>

<pallas_src>
import functools

import jax
import jax.numpy as jnp
from jax import lax
from jax.experimental import pallas as pl
from jax.experimental.pallas import tpu as pltpu
from jax.experimental.pallas import tpu_sc as plsc

N = 10000
E = 160000
D = 256
H = 128
NC = 2
NS = 16
CHK = 128

EPT = E // NS
EPT_PAD = 10240
GCHK = 2 * CHK
NCHUNK = EPT_PAD // GCHK
EPW = E // (NC * NS)
EPW_PAD = 5120
NCHUNK_D = EPW_PAD // CHK
NPAD = 10240
DUMP = 10048
RPT = NPAD // NS


@functools.cache
def _sc_kernels():
    mesh = plsc.VectorSubcoreMesh(core_axis_name="c", subcore_axis_name="s",
                                  num_cores=NC, num_subcores=NS)

    scatter_kernel = functools.partial(
        pl.kernel,
        out_type=(jax.ShapeDtypeStruct((NPAD, H), jnp.float32),
                  jax.ShapeDtypeStruct((NPAD, H), jnp.float32)),
        mesh=mesh,
        scratch_types=[
            pltpu.VMEM((EPT_PAD // 2,), jnp.int32),
            pltpu.VMEM((EPT_PAD,), jnp.int32),
            pltpu.VMEM((GCHK, H), jnp.float32),
            pltpu.VMEM_SHARED((NPAD, H), jnp.float32),
            pltpu.SemaphoreType.DMA,
        ],
    )(_scatter_body)

    deg_kernel = functools.partial(
        pl.kernel,
        out_type=(jax.ShapeDtypeStruct((NPAD, H), jnp.float32),
                  jax.ShapeDtypeStruct((NPAD, H), jnp.float32)),
        mesh=mesh,
        scratch_types=[
            pltpu.VMEM((NCHUNK_D, CHK), jnp.int32),
            pltpu.VMEM((CHK, H), jnp.float32),
            pltpu.VMEM_SHARED((NPAD, H), jnp.float32),
        ],
    )(_deg_body)
    return scatter_kernel, deg_kernel


def _scatter_body(y0_hbm, y1_hbm, srcp_hbm, dstp_hbm, z0_hbm, z1_hbm,
                  src_v, dst_v, rows_v, z_sh, sem0):
    c = lax.axis_index("c")
    s = lax.axis_index("s")

    def run(y_hbm, z_hbm):
        pltpu.sync_copy(y_hbm.at[pl.ds(s * RPT, RPT)],
                        z_sh.at[pl.ds(s * RPT, RPT)])
        plsc.subcore_barrier()

        half = NCHUNK // 2
        ehalf = EPT_PAD // 2
        pltpu.sync_copy(dstp_hbm.at[s], dst_v)

        def outer(p, carry):
            pltpu.sync_copy(srcp_hbm.at[s, pl.ds(p * ehalf, ehalf)], src_v)

            def body(j, carry2):
                h = pltpu.async_copy(
                    y_hbm.at[src_v.at[pl.ds(j * GCHK, GCHK)]], rows_v, sem0)
                h.wait()
                pltpu.sync_copy(
                    rows_v,
                    z_sh.at[dst_v.at[pl.ds((p * half + j) * GCHK, GCHK)]],
                    add=True)
                return carry2

            lax.fori_loop(0, half, body, 0)
            return carry

        lax.fori_loop(0, 2, outer, 0)
        plsc.subcore_barrier()
        pltpu.sync_copy(z_sh.at[pl.ds(s * RPT, RPT)],
                        z_hbm.at[pl.ds(s * RPT, RPT)])

    @pl.when(c == 0)
    def _():
        run(y0_hbm, z0_hbm)

    @pl.when(c == 1)
    def _():
        run(y1_hbm, z1_hbm)


def _deg_body(ones_hbm, zeros_hbm, dst0_hbm, dst1_hbm, p0_hbm, p1_hbm,
              dst_v, ones_v, t_sh):
    c = lax.axis_index("c")
    s = lax.axis_index("s")
    pltpu.sync_copy(ones_hbm, ones_v)
    pltpu.sync_copy(zeros_hbm, t_sh.at[pl.ds(s * RPT, RPT)])

    def run(dst_hbm, p_hbm):
        pltpu.sync_copy(dst_hbm.at[s], dst_v)
        plsc.subcore_barrier()

        def body(j, carry):
            pltpu.sync_copy(ones_v, t_sh.at[dst_v.at[j]], add=True)
            return carry

        lax.fori_loop(0, NCHUNK_D, body, 0)
        plsc.subcore_barrier()
        pltpu.sync_copy(t_sh.at[pl.ds(s * RPT, RPT)],
                        p_hbm.at[pl.ds(s * RPT, RPT)])

    @pl.when(c == 0)
    def _():
        run(dst0_hbm, p0_hbm)

    @pl.when(c == 1)
    def _():
        run(dst1_hbm, p1_hbm)


_R = 1000


def _dinv_block(d0_ref, d1_ref):
    return lax.rsqrt(d0_ref[:, 0:1] + d1_ref[:, 0:1] + 1.0)


def _tc_first_body(x_ref, w_ref, d0_ref, d1_ref, y0_ref, y1_ref):
    dinv = _dinv_block(d0_ref, d1_ref)
    y = jnp.dot(x_ref[...], w_ref[...],
                preferred_element_type=jnp.float32) * dinv
    y0_ref[...] = y[:, :H]
    y1_ref[...] = y[:, H:]


def _tc_mid_body(z0_ref, z1_ref, w_ref, b_ref, d0_ref, d1_ref,
                 y0_ref, y1_ref):
    dinv = _dinv_block(d0_ref, d1_ref)
    z = jnp.concatenate([z0_ref[...], z1_ref[...]], axis=1)
    h = jnp.maximum(z * dinv + b_ref[...], 0.0)
    y = jnp.dot(h, w_ref[...], preferred_element_type=jnp.float32) * dinv
    y0_ref[...] = y[:, :H]
    y1_ref[...] = y[:, H:]


def _tc_last_body(z0_ref, z1_ref, b_ref, d0_ref, d1_ref, out_ref):
    dinv = _dinv_block(d0_ref, d1_ref)
    z = jnp.concatenate([z0_ref[...], z1_ref[...]], axis=1)
    out_ref[...] = z * dinv + b_ref[...]


_half_spec = pl.BlockSpec((_R, H), lambda i: (i, 0))
_full_spec = pl.BlockSpec((_R, D), lambda i: (i, 0))
_w_spec = pl.BlockSpec((D, D), lambda i: (0, 0))
_b_spec = pl.BlockSpec((1, D), lambda i: (0, 0))
_deg_spec = pl.BlockSpec((_R, H), lambda i: (i, 0))
_GRID = (N // _R,)

_y_shape = (jax.ShapeDtypeStruct((NPAD, H), jnp.float32),
            jax.ShapeDtypeStruct((NPAD, H), jnp.float32))

_tc_first = pl.pallas_call(
    _tc_first_body,
    grid=_GRID,
    in_specs=[_full_spec, _w_spec, _deg_spec, _deg_spec],
    out_specs=[_half_spec, _half_spec],
    out_shape=_y_shape,
)

_tc_mid = pl.pallas_call(
    _tc_mid_body,
    grid=_GRID,
    in_specs=[_half_spec, _half_spec, _w_spec, _b_spec, _deg_spec, _deg_spec],
    out_specs=[_half_spec, _half_spec],
    out_shape=_y_shape,
)

_tc_last = pl.pallas_call(
    _tc_last_body,
    grid=_GRID,
    in_specs=[_half_spec, _half_spec, _b_spec, _deg_spec, _deg_spec],
    out_specs=_full_spec,
    out_shape=jax.ShapeDtypeStruct((N, D), jnp.float32),
)


def kernel(x, edge_index, W1, b1, W2, b2, W3, b3):
    src = edge_index[0]
    dst = edge_index[1]
    srcp = jnp.pad(src.reshape(NS, EPT), ((0, 0), (0, EPT_PAD - EPT)))
    dstp = jnp.pad(dst.reshape(NS, EPT), ((0, 0), (0, EPT_PAD - EPT)),
                   constant_values=DUMP)
    dst_halves = jnp.pad(dst.reshape(NC * NS, EPW),
                         ((0, 0), (0, EPW_PAD - EPW)),
                         constant_values=DUMP)
    dst0 = dst_halves[:NS].reshape(NS, NCHUNK_D, CHK)
    dst1 = dst_halves[NS:].reshape(NS, NCHUNK_D, CHK)
    ones_rows = jnp.ones((CHK, H), jnp.float32)
    zero_rows = jnp.zeros((RPT, H), jnp.float32)

    _scatter_kernel, _deg_kernel = _sc_kernels()
    p0, p1 = _deg_kernel(ones_rows, zero_rows, dst0, dst1)

    y0, y1 = _tc_first(x, W1, p0, p1)
    z0, z1 = _scatter_kernel(y0, y1, srcp, dstp)

    y0, y1 = _tc_mid(z0, z1, W2, b1.reshape(1, D), p0, p1)
    z0, z1 = _scatter_kernel(y0, y1, srcp, dstp)

    y0, y1 = _tc_mid(z0, z1, W3, b2.reshape(1, D), p0, p1)
    z0, z1 = _scatter_kernel(y0, y1, srcp, dstp)

    return _tc_last(z0, z1, b3.reshape(1, D), p0, p1)

# --- scband reference (transcript-rebuilt; emitter-appended) ---
"""Pipeline reference for scband-gtm-gcn-59974923321611 (READ-ONLY COPY).

The authoritative reference and input builder live on the scoring server;
editing this copy changes nothing except your own understanding.
"""

import jax, jax.numpy as jnp
import numpy as np

N_NODES = 10000
N_EDGES = 160000
D_IN = 256
D_MID = 256
D_OUT = 256


def glorot(key, shape):
    limit = float(np.sqrt(6.0 / (shape[0] + shape[1])))
    return jax.random.uniform(key, shape, dtype=jnp.float32, minval=-limit, maxval=limit)


def setup_inputs(seed: int = 0) -> dict:
    key = jax.random.key(seed)
    ks = jax.random.split(key, 8)
    x = jax.random.normal(ks[0], (N_NODES, D_IN), dtype=jnp.float32)
    edge_index = jax.random.randint(ks[1], (2, N_EDGES), 0, N_NODES, dtype=jnp.int64 if jax.config.read('jax_enable_x64') else jnp.int32).astype(jnp.int32)
    W1 = glorot(ks[2], (D_IN, D_MID))
    b1 = jnp.zeros((D_MID,), dtype=jnp.float32)
    W2 = glorot(ks[3], (D_MID, D_MID))
    b2 = jnp.zeros((D_MID,), dtype=jnp.float32)
    W3 = glorot(ks[4], (D_MID, D_OUT))
    b3 = jnp.zeros((D_OUT,), dtype=jnp.float32)
    return {"x": x, "edge_index": edge_index, "W1": W1, "b1": b1, "W2": W2, "b2": b2, "W3": W3, "b3": b3}


def gcn_conv(x, src, dst, W, b):
    # PyG GCNConv: x' = D^{-1/2} (A + I) D^{-1/2} (x W) + b
    n = x.shape[0]
    loop = jnp.arange(n, dtype=src.dtype)
    s = jnp.concatenate([src, loop])
    d = jnp.concatenate([dst, loop])
    ew = jnp.ones(s.shape[0], dtype=x.dtype)
    deg = jnp.zeros((n,), dtype=x.dtype).at[d].add(ew)
    dinv = jnp.where(deg > 0, deg ** -0.5, 0.0)
    norm = dinv[s] * ew * dinv[d]
    xw = x @ W
    msg = xw[s] * norm[:, None]
    out = jnp.zeros((n, W.shape[1]), dtype=x.dtype).at[d].add(msg)
    return out + b


def reference(x, edge_index, W1, b1, W2, b2, W3, b3):
    src = edge_index[0]
    dst = edge_index[1]
    h = jax.nn.relu(gcn_conv(x, src, dst, W1, b1))
    h = jax.nn.relu(gcn_conv(h, src, dst, W2, b2))
    h = gcn_conv(h, src, dst, W3, b3)
    return h

if __name__ == "__main__":
    import jax
    _d = setup_inputs()
    print(jax.jit(kernel)(*tuple(_d.values())))

</pallas_src>

<mosaic_0001>
#map = affine_map<(d0, d1) -> (0, 0)>
#map1 = affine_map<(d0, d1) -> (0, 0, 0)>
module attributes {stable_mosaic.version = 14 : i64} {
  func.func @_deg_body(%arg0: i32, %arg1: i32, %arg2: memref<128x128xf32, #tpu.memory_space<hbm>>, %arg3: memref<640x128xf32, #tpu.memory_space<hbm>>, %arg4: memref<16x40x128xi32, #tpu.memory_space<hbm>>, %arg5: memref<16x40x128xi32, #tpu.memory_space<hbm>>, %arg6: memref<10240x128xf32, #tpu.memory_space<hbm>>, %arg7: memref<10240x128xf32, #tpu.memory_space<hbm>>, %arg8: memref<40x128xi32, #tpu.memory_space<vmem>>, %arg9: memref<128x128xf32, #tpu.memory_space<vmem>>, %arg10: memref<10240x128xf32, #tpu.memory_space<vmem_shared>>) attributes {dimension_semantics = [#tpu.dimension_semantics<core_parallel>, #tpu.dimension_semantics<subcore_parallel>], iteration_bounds = array<i64: 2, 16>, scalar_prefetch = 0 : i64, scratch_operands = 3 : i64, tpu.core_type = #tpu.core_type<sc_vector_subcore>, window_params = [{transform_indices = #map}, {transform_indices = #map}, {transform_indices = #map1}, {transform_indices = #map1}, {transform_indices = #map}, {transform_indices = #map}]} {
    "tpu.region"() ({
      %run_scoped3A = tpu.sem_alloc : memref<!tpu.dma_semaphore, #tpu.memory_space<semaphore_mem>>
      tpu.enqueue_dma source(%arg2 : memref<128x128xf32, #tpu.memory_space<hbm>>) target(%arg9 : memref<128x128xf32, #tpu.memory_space<vmem>>) target_semaphore(%run_scoped3A : memref<!tpu.dma_semaphore, #tpu.memory_space<semaphore_mem>>)
      tpu.wait_dma2 semaphore(%run_scoped3A : memref<!tpu.dma_semaphore, #tpu.memory_space<semaphore_mem>>) src(%arg2 : memref<128x128xf32, #tpu.memory_space<hbm>>) dst(%arg9 : memref<128x128xf32, #tpu.memory_space<vmem>>)
      tpu.yield
    }) : () -> ()
    %mul3A = arith.constant 640 : i32
    %mul3A_0 = arith.muli %arg1, %mul3A : i32
    "tpu.region"() ({
      %run_scoped3A = tpu.sem_alloc : memref<!tpu.dma_semaphore, #tpu.memory_space<semaphore_mem>>
      %dma_start3A = arith.constant 0 : i32
      %dma_start3A_8 = tpu.memref_slice %arg10[%mul3A_0, %dma_start3A] : memref<10240x128xf32, #tpu.memory_space<vmem_shared>> -> memref<640x128xf32, #tpu.memory_space<vmem_shared>>
      tpu.enqueue_dma source(%arg3 : memref<640x128xf32, #tpu.memory_space<hbm>>) target(%dma_start3A_8 : memref<640x128xf32, #tpu.memory_space<vmem_shared>>) target_semaphore(%run_scoped3A : memref<!tpu.dma_semaphore, #tpu.memory_space<semaphore_mem>>)
      %dma_wait3A = arith.constant 0 : i32
      %dma_wait3A_9 = tpu.memref_slice %arg10[%mul3A_0, %dma_wait3A] : memref<10240x128xf32, #tpu.memory_space<vmem_shared>> -> memref<640x128xf32, #tpu.memory_space<vmem_shared>>
      tpu.wait_dma2 semaphore(%run_scoped3A : memref<!tpu.dma_semaphore, #tpu.memory_space<semaphore_mem>>) src(%arg3 : memref<640x128xf32, #tpu.memory_space<hbm>>) dst(%dma_wait3A_9 : memref<640x128xf32, #tpu.memory_space<vmem_shared>>)
      tpu.yield
    }) : () -> ()
    %eq3A = arith.constant 0 : i32
    %eq3A_1 = arith.cmpi eq, %arg0, %eq3A : i32
    %convert_element_type3A = arith.extui %eq3A_1 : i1 to i32
    %cond3A = arith.constant 0 : i32
    %cond3A_2 = arith.cmpi ne, %convert_element_type3A, %cond3A : i32
    scf.if %cond3A_2 {
      "tpu.region"() ({
        %run_scoped3A = tpu.sem_alloc : memref<!tpu.dma_semaphore, #tpu.memory_space<semaphore_mem>>
        %dma_start3A = arith.constant 0 : i32
        %dma_start3A_18 = arith.constant 0 : i32
        %dma_start3A_19 = tpu.memref_slice %arg4[%arg1, %dma_start3A, %dma_start3A_18] : memref<16x40x128xi32, #tpu.memory_space<hbm>> -> memref<1x40x128xi32, #tpu.memory_space<hbm>>
        %dma_start3A_20 = tpu.memref_squeeze %dma_start3A_19 : memref<1x40x128xi32, #tpu.memory_space<hbm>> -> memref<40x128xi32, #tpu.memory_space<hbm>>
        %dma_start3A_21 = arith.constant 0 : i32
        %dma_start3A_22 = arith.constant 0 : i32
        %dma_start3A_23 = tpu.memref_slice %arg4[%arg1, %dma_start3A_21, %dma_start3A_22] : memref<16x40x128xi32, #tpu.memory_space<hbm>> -> memref<1x40x128xi32, #tpu.memory_space<hbm>>
        %dma_start3A_24 = tpu.memref_squeeze %dma_start3A_23 : memref<1x40x128xi32, #tpu.memory_space<hbm>> -> memref<40x128xi32, #tpu.memory_space<hbm>>
        tpu.enqueue_dma source(%dma_start3A_24 : memref<40x128xi32, #tpu.memory_space<hbm>>) target(%arg8 : memref<40x128xi32, #tpu.memory_space<vmem>>) target_semaphore(%run_scoped3A : memref<!tpu.dma_semaphore, #tpu.memory_space<semaphore_mem>>)
        %dma_wait3A = arith.constant 0 : i32
        %dma_wait3A_25 = arith.constant 0 : i32
        %dma_wait3A_26 = tpu.memref_slice %arg4[%arg1, %dma_wait3A, %dma_wait3A_25] : memref<16x40x128xi32, #tpu.memory_space<hbm>> -> memref<1x40x128xi32, #tpu.memory_space<hbm>>
        %dma_wait3A_27 = tpu.memref_squeeze %dma_wait3A_26 : memref<1x40x128xi32, #tpu.memory_space<hbm>> -> memref<40x128xi32, #tpu.memory_space<hbm>>
        %dma_wait3A_28 = arith.constant 0 : i32
        %dma_wait3A_29 = arith.constant 0 : i32
        %dma_wait3A_30 = tpu.memref_slice %arg4[%arg1, %dma_wait3A_28, %dma_wait3A_29] : memref<16x40x128xi32, #tpu.memory_space<hbm>> -> memref<1x40x128xi32, #tpu.memory_space<hbm>>
        %dma_wait3A_31 = tpu.memref_squeeze %dma_wait3A_30 : memref<1x40x128xi32, #tpu.memory_space<hbm>> -> memref<40x128xi32, #tpu.memory_space<hbm>>
        tpu.wait_dma2 semaphore(%run_scoped3A : memref<!tpu.dma_semaphore, #tpu.memory_space<semaphore_mem>>) src(%dma_wait3A_31 : memref<40x128xi32, #tpu.memory_space<hbm>>) dst(%arg8 : memref<40x128xi32, #tpu.memory_space<vmem>>)
        tpu.yield
      }) : () -> ()
      %barrier3A = arith.constant 0 : index
      tpu.barrier barrier_id(%barrier3A)
      %scan3A = arith.constant 0 : i32
      %scan3A_8 = arith.constant 0 : i32
      %scan3A_9 = arith.constant 40 : i32
      %scan3A_10 = arith.addi %scan3A_8, %scan3A_9 : i32
      %scan3A_11 = arith.constant 1 : i32
      scf.for %scan3A_18 = %scan3A_8 to %scan3A_10 step %scan3A_11  : i32 {
        "tpu.region"() ({
          %run_scoped3A = tpu.sem_alloc : memref<!tpu.dma_semaphore, #tpu.memory_space<semaphore_mem>>
          %dma_start3A = arith.constant 0 : i32
          %dma_start3A_19 = tpu.memref_slice %arg8[%scan3A_18, %dma_start3A] : memref<40x128xi32, #tpu.memory_space<vmem>> -> memref<1x128xi32, #tpu.memory_space<vmem>>
          %dma_start3A_20 = tpu.memref_squeeze %dma_start3A_19 : memref<1x128xi32, #tpu.memory_space<vmem>> -> memref<128xi32, #tpu.memory_space<vmem>>
          %dma_start3A_21 = arith.constant 0 : i32
          %dma_start3A_22 = arith.constant 0 : i32
          %dma_start3A_23 = tpu.memref_slice %arg10[%dma_start3A_21, %dma_start3A_22] : memref<10240x128xf32, #tpu.memory_space<vmem_shared>> -> memref<10240x128xf32, #tpu.memory_space<vmem_shared>>
          tpu.enqueue_indirect_dma source(%arg9 : memref<128x128xf32, #tpu.memory_space<vmem>>) target(%dma_start3A_23 : memref<10240x128xf32, #tpu.memory_space<vmem_shared>>) offsets(%dma_start3A_20 : memref<128xi32, #tpu.memory_space<vmem>>) semaphore(%run_scoped3A : memref<!tpu.dma_semaphore, #tpu.memory_space<semaphore_mem>>) {add = true}
          %dma_wait3A = arith.constant 0 : i32
          %dma_wait3A_24 = tpu.memref_slice %arg8[%scan3A_18, %dma_wait3A] : memref<40x128xi32, #tpu.memory_space<vmem>> -> memref<1x128xi32, #tpu.memory_space<vmem>>
          %dma_wait3A_25 = tpu.memref_squeeze %dma_wait3A_24 : memref<1x128xi32, #tpu.memory_space<vmem>> -> memref<128xi32, #tpu.memory_space<vmem>>
          %dma_wait3A_26 = arith.constant 0 : i32
          %dma_wait3A_27 = arith.constant 0 : i32
          %dma_wait3A_28 = tpu.memref_slice %arg10[%dma_wait3A_26, %dma_wait3A_27] : memref<10240x128xf32, #tpu.memory_space<vmem_shared>> -> memref<10240x128xf32, #tpu.memory_space<vmem_shared>>
          tpu.wait_indirect_dma semaphore(%run_scoped3A : memref<!tpu.dma_semaphore, #tpu.memory_space<semaphore_mem>>) src(%arg9 : memref<128x128xf32, #tpu.memory_space<vmem>>) dst(%dma_wait3A_28 : memref<10240x128xf32, #tpu.memory_space<vmem_shared>>)
          tpu.yield
        }) : () -> ()
      }
      %scan3A_12 = arith.constant 40 : i32
      %barrier3A_13 = arith.constant 0 : index
      tpu.barrier barrier_id(%barrier3A_13)
      %mul3A_14 = arith.constant 640 : i32
      %mul3A_15 = arith.muli %arg1, %mul3A_14 : i32
      %mul3A_16 = arith.constant 640 : i32
      %mul3A_17 = arith.muli %arg1, %mul3A_16 : i32
      "tpu.region"() ({
        %run_scoped3A = tpu.sem_alloc : memref<!tpu.dma_semaphore, #tpu.memory_space<semaphore_mem>>
        %dma_start3A = arith.constant 0 : i32
        %dma_start3A_18 = tpu.memref_slice %arg6[%mul3A_17, %dma_start3A] : memref<10240x128xf32, #tpu.memory_space<hbm>> -> memref<640x128xf32, #tpu.memory_space<hbm>>
        %dma_start3A_19 = arith.constant 0 : i32
        %dma_start3A_20 = tpu.memref_slice %arg10[%mul3A_15, %dma_start3A_19] : memref<10240x128xf32, #tpu.memory_space<vmem_shared>> -> memref<640x128xf32, #tpu.memory_space<vmem_shared>>
        tpu.enqueue_dma source(%dma_start3A_20 : memref<640x128xf32, #tpu.memory_space<vmem_shared>>) target(%dma_start3A_18 : memref<640x128xf32, #tpu.memory_space<hbm>>) target_semaphore(%run_scoped3A : memref<!tpu.dma_semaphore, #tpu.memory_space<semaphore_mem>>)
        %dma_wait3A = arith.constant 0 : i32
        %dma_wait3A_21 = tpu.memref_slice %arg6[%mul3A_17, %dma_wait3A] : memref<10240x128xf32, #tpu.memory_space<hbm>> -> memref<640x128xf32, #tpu.memory_space<hbm>>
        %dma_wait3A_22 = arith.constant 0 : i32
        %dma_wait3A_23 = tpu.memref_slice %arg10[%mul3A_15, %dma_wait3A_22] : memref<10240x128xf32, #tpu.memory_space<vmem_shared>> -> memref<640x128xf32, #tpu.memory_space<vmem_shared>>
        tpu.wait_dma2 semaphore(%run_scoped3A : memref<!tpu.dma_semaphore, #tpu.memory_space<semaphore_mem>>) src(%dma_wait3A_23 : memref<640x128xf32, #tpu.memory_space<vmem_shared>>) dst(%dma_wait3A_21 : memref<640x128xf32, #tpu.memory_space<hbm>>)
        tpu.yield
      }) : () -> ()
    } else {
    }
    %eq3A_3 = arith.constant 1 : i32
    %eq3A_4 = arith.cmpi eq, %arg0, %eq3A_3 : i32
    %convert_element_type3A_5 = arith.extui %eq3A_4 : i1 to i32
    %cond3A_6 = arith.constant 0 : i32
    %cond3A_7 = arith.cmpi ne, %convert_element_type3A_5, %cond3A_6 : i32
    scf.if %cond3A_7 {
      "tpu.region"() ({
        %run_scoped3A = tpu.sem_alloc : memref<!tpu.dma_semaphore, #tpu.memory_space<semaphore_mem>>
        %dma_start3A = arith.constant 0 : i32
        %dma_start3A_18 = arith.constant 0 : i32
        %dma_start3A_19 = tpu.memref_slice %arg5[%arg1, %dma_start3A, %dma_start3A_18] : memref<16x40x128xi32, #tpu.memory_space<hbm>> -> memref<1x40x128xi32, #tpu.memory_space<hbm>>
        %dma_start3A_20 = tpu.memref_squeeze %dma_start3A_19 : memref<1x40x128xi32, #tpu.memory_space<hbm>> -> memref<40x128xi32, #tpu.memory_space<hbm>>
        %dma_start3A_21 = arith.constant 0 : i32
        %dma_start3A_22 = arith.constant 0 : i32
        %dma_start3A_23 = tpu.memref_slice %arg5[%arg1, %dma_start3A_21, %dma_start3A_22] : memref<16x40x128xi32, #tpu.memory_space<hbm>> -> memref<1x40x128xi32, #tpu.memory_space<hbm>>
        %dma_start3A_24 = tpu.memref_squeeze %dma_start3A_23 : memref<1x40x128xi32, #tpu.memory_space<hbm>> -> memref<40x128xi32, #tpu.memory_space<hbm>>
        tpu.enqueue_dma source(%dma_start3A_24 : memref<40x128xi32, #tpu.memory_space<hbm>>) target(%arg8 : memref<40x128xi32, #tpu.memory_space<vmem>>) target_semaphore(%run_scoped3A : memref<!tpu.dma_semaphore, #tpu.memory_space<semaphore_mem>>)
        %dma_wait3A = arith.constant 0 : i32
        %dma_wait3A_25 = arith.constant 0 : i32
        %dma_wait3A_26 = tpu.memref_slice %arg5[%arg1, %dma_wait3A, %dma_wait3A_25] : memref<16x40x128xi32, #tpu.memory_space<hbm>> -> memref<1x40x128xi32, #tpu.memory_space<hbm>>
        %dma_wait3A_27 = tpu.memref_squeeze %dma_wait3A_26 : memref<1x40x128xi32, #tpu.memory_space<hbm>> -> memref<40x128xi32, #tpu.memory_space<hbm>>
        %dma_wait3A_28 = arith.constant 0 : i32
        %dma_wait3A_29 = arith.constant 0 : i32
        %dma_wait3A_30 = tpu.memref_slice %arg5[%arg1, %dma_wait3A_28, %dma_wait3A_29] : memref<16x40x128xi32, #tpu.memory_space<hbm>> -> memref<1x40x128xi32, #tpu.memory_space<hbm>>
        %dma_wait3A_31 = tpu.memref_squeeze %dma_wait3A_30 : memref<1x40x128xi32, #tpu.memory_space<hbm>> -> memref<40x128xi32, #tpu.memory_space<hbm>>
        tpu.wait_dma2 semaphore(%run_scoped3A : memref<!tpu.dma_semaphore, #tpu.memory_space<semaphore_mem>>) src(%dma_wait3A_31 : memref<40x128xi32, #tpu.memory_space<hbm>>) dst(%arg8 : memref<40x128xi32, #tpu.memory_space<vmem>>)
        tpu.yield
      }) : () -> ()
      %barrier3A = arith.constant 0 : index
      tpu.barrier barrier_id(%barrier3A)
      %scan3A = arith.constant 0 : i32
      %scan3A_8 = arith.constant 0 : i32
      %scan3A_9 = arith.constant 40 : i32
      %scan3A_10 = arith.addi %scan3A_8, %scan3A_9 : i32
      %scan3A_11 = arith.constant 1 : i32
      scf.for %scan3A_18 = %scan3A_8 to %scan3A_10 step %scan3A_11  : i32 {
        "tpu.region"() ({
          %run_scoped3A = tpu.sem_alloc : memref<!tpu.dma_semaphore, #tpu.memory_space<semaphore_mem>>
          %dma_start3A = arith.constant 0 : i32
          %dma_start3A_19 = tpu.memref_slice %arg8[%scan3A_18, %dma_start3A] : memref<40x128xi32, #tpu.memory_space<vmem>> -> memref<1x128xi32, #tpu.memory_space<vmem>>
          %dma_start3A_20 = tpu.memref_squeeze %dma_start3A_19 : memref<1x128xi32, #tpu.memory_space<vmem>> -> memref<128xi32, #tpu.memory_space<vmem>>
          %dma_start3A_21 = arith.constant 0 : i32
          %dma_start3A_22 = arith.constant 0 : i32
          %dma_start3A_23 = tpu.memref_slice %arg10[%dma_start3A_21, %dma_start3A_22] : memref<10240x128xf32, #tpu.memory_space<vmem_shared>> -> memref<10240x128xf32, #tpu.memory_space<vmem_shared>>
          tpu.enqueue_indirect_dma source(%arg9 : memref<128x128xf32, #tpu.memory_space<vmem>>) target(%dma_start3A_23 : memref<10240x128xf32, #tpu.memory_space<vmem_shared>>) offsets(%dma_start3A_20 : memref<128xi32, #tpu.memory_space<vmem>>) semaphore(%run_scoped3A : memref<!tpu.dma_semaphore, #tpu.memory_space<semaphore_mem>>) {add = true}
          %dma_wait3A = arith.constant 0 : i32
          %dma_wait3A_24 = tpu.memref_slice %arg8[%scan3A_18, %dma_wait3A] : memref<40x128xi32, #tpu.memory_space<vmem>> -> memref<1x128xi32, #tpu.memory_space<vmem>>
          %dma_wait3A_25 = tpu.memref_squeeze %dma_wait3A_24 : memref<1x128xi32, #tpu.memory_space<vmem>> -> memref<128xi32, #tpu.memory_space<vmem>>
          %dma_wait3A_26 = arith.constant 0 : i32
          %dma_wait3A_27 = arith.constant 0 : i32
          %dma_wait3A_28 = tpu.memref_slice %arg10[%dma_wait3A_26, %dma_wait3A_27] : memref<10240x128xf32, #tpu.memory_space<vmem_shared>> -> memref<10240x128xf32, #tpu.memory_space<vmem_shared>>
          tpu.wait_indirect_dma semaphore(%run_scoped3A : memref<!tpu.dma_semaphore, #tpu.memory_space<semaphore_mem>>) src(%arg9 : memref<128x128xf32, #tpu.memory_space<vmem>>) dst(%dma_wait3A_28 : memref<10240x128xf32, #tpu.memory_space<vmem_shared>>)
          tpu.yield
        }) : () -> ()
      }
      %scan3A_12 = arith.constant 40 : i32
      %barrier3A_13 = arith.constant 0 : index
      tpu.barrier barrier_id(%barrier3A_13)
      %mul3A_14 = arith.constant 640 : i32
      %mul3A_15 = arith.muli %arg1, %mul3A_14 : i32
      %mul3A_16 = arith.constant 640 : i32
      %mul3A_17 = arith.muli %arg1, %mul3A_16 : i32
      "tpu.region"() ({
        %run_scoped3A = tpu.sem_alloc : memref<!tpu.dma_semaphore, #tpu.memory_space<semaphore_mem>>
        %dma_start3A = arith.constant 0 : i32
        %dma_start3A_18 = tpu.memref_slice %arg7[%mul3A_17, %dma_start3A] : memref<10240x128xf32, #tpu.memory_space<hbm>> -> memref<640x128xf32, #tpu.memory_space<hbm>>
        %dma_start3A_19 = arith.constant 0 : i32
        %dma_start3A_20 = tpu.memref_slice %arg10[%mul3A_15, %dma_start3A_19] : memref<10240x128xf32, #tpu.memory_space<vmem_shared>> -> memref<640x128xf32, #tpu.memory_space<vmem_shared>>
        tpu.enqueue_dma source(%dma_start3A_20 : memref<640x128xf32, #tpu.memory_space<vmem_shared>>) target(%dma_start3A_18 : memref<640x128xf32, #tpu.memory_space<hbm>>) target_semaphore(%run_scoped3A : memref<!tpu.dma_semaphore, #tpu.memory_space<semaphore_mem>>)
        %dma_wait3A = arith.constant 0 : i32
        %dma_wait3A_21 = tpu.memref_slice %arg7[%mul3A_17, %dma_wait3A] : memref<10240x128xf32, #tpu.memory_space<hbm>> -> memref<640x128xf32, #tpu.memory_space<hbm>>
        %dma_wait3A_22 = arith.constant 0 : i32
        %dma_wait3A_23 = tpu.memref_slice %arg10[%mul3A_15, %dma_wait3A_22] : memref<10240x128xf32, #tpu.memory_space<vmem_shared>> -> memref<640x128xf32, #tpu.memory_space<vmem_shared>>
        tpu.wait_dma2 semaphore(%run_scoped3A : memref<!tpu.dma_semaphore, #tpu.memory_space<semaphore_mem>>) src(%dma_wait3A_23 : memref<640x128xf32, #tpu.memory_space<vmem_shared>>) dst(%dma_wait3A_21 : memref<640x128xf32, #tpu.memory_space<hbm>>)
        tpu.yield
      }) : () -> ()
    } else {
    }
    return
  }
}

#map = affine_map<(d0, d1) -> (0, 0)>
module attributes {stable_mosaic.version = 14 : i64} {
  func.func @_scatter_body(%arg0: i32, %arg1: i32, %arg2: memref<10240x128xf32, #tpu.memory_space<hbm>>, %arg3: memref<10240x128xf32, #tpu.memory_space<hbm>>, %arg4: memref<16x10240xi32, #tpu.memory_space<hbm>>, %arg5: memref<16x10240xi32, #tpu.memory_space<hbm>>, %arg6: memref<10240x128xf32, #tpu.memory_space<hbm>>, %arg7: memref<10240x128xf32, #tpu.memory_space<hbm>>, %arg8: memref<5120xi32, #tpu.memory_space<vmem>>, %arg9: memref<10240xi32, #tpu.memory_space<vmem>>, %arg10: memref<256x128xf32, #tpu.memory_space<vmem>>, %arg11: memref<10240x128xf32, #tpu.memory_space<vmem_shared>>, %arg12: memref<!tpu.dma_semaphore, #tpu.memory_space<semaphore_mem>>) attributes {dimension_semantics = [#tpu.dimension_semantics<core_parallel>, #tpu.dimension_semantics<subcore_parallel>], iteration_bounds = array<i64: 2, 16>, scalar_prefetch = 0 : i64, scratch_operands = 5 : i64, tpu.core_type = #tpu.core_type<sc_vector_subcore>, window_params = [{transform_indices = #map}, {transform_indices = #map}, {transform_indices = #map}, {transform_indices = #map}, {transform_indices = #map}, {transform_indices = #map}]} {
    %eq3A = arith.constant 0 : i32
    %eq3A_0 = arith.cmpi eq, %arg0, %eq3A : i32
    %convert_element_type3A = arith.extui %eq3A_0 : i1 to i32
    %cond3A = arith.constant 0 : i32
    %cond3A_1 = arith.cmpi ne, %convert_element_type3A, %cond3A : i32
    scf.if %cond3A_1 {
      %mul3A = arith.constant 640 : i32
      %mul3A_7 = arith.muli %arg1, %mul3A : i32
      %mul3A_8 = arith.constant 640 : i32
      %mul3A_9 = arith.muli %arg1, %mul3A_8 : i32
      "tpu.region"() ({
        %run_scoped3A = tpu.sem_alloc : memref<!tpu.dma_semaphore, #tpu.memory_space<semaphore_mem>>
        %dma_start3A = arith.constant 0 : i32
        %dma_start3A_20 = tpu.memref_slice %arg11[%mul3A_9, %dma_start3A] : memref<10240x128xf32, #tpu.memory_space<vmem_shared>> -> memref<640x128xf32, #tpu.memory_space<vmem_shared>>
        %dma_start3A_21 = arith.constant 0 : i32
        %dma_start3A_22 = tpu.memref_slice %arg2[%mul3A_7, %dma_start3A_21] : memref<10240x128xf32, #tpu.memory_space<hbm>> -> memref<640x128xf32, #tpu.memory_space<hbm>>
        tpu.enqueue_dma source(%dma_start3A_22 : memref<640x128xf32, #tpu.memory_space<hbm>>) target(%dma_start3A_20 : memref<640x128xf32, #tpu.memory_space<vmem_shared>>) target_semaphore(%run_scoped3A : memref<!tpu.dma_semaphore, #tpu.memory_space<semaphore_mem>>)
        %dma_wait3A = arith.constant 0 : i32
        %dma_wait3A_23 = tpu.memref_slice %arg11[%mul3A_9, %dma_wait3A] : memref<10240x128xf32, #tpu.memory_space<vmem_shared>> -> memref<640x128xf32, #tpu.memory_space<vmem_shared>>
        %dma_wait3A_24 = arith.constant 0 : i32
        %dma_wait3A_25 = tpu.memref_slice %arg2[%mul3A_7, %dma_wait3A_24] : memref<10240x128xf32, #tpu.memory_space<hbm>> -> memref<640x128xf32, #tpu.memory_space<hbm>>
        tpu.wait_dma2 semaphore(%run_scoped3A : memref<!tpu.dma_semaphore, #tpu.memory_space<semaphore_mem>>) src(%dma_wait3A_25 : memref<640x128xf32, #tpu.memory_space<hbm>>) dst(%dma_wait3A_23 : memref<640x128xf32, #tpu.memory_space<vmem_shared>>)
        tpu.yield
      }) : () -> ()
      %barrier3A = arith.constant 0 : index
      tpu.barrier barrier_id(%barrier3A)
      "tpu.region"() ({
        %run_scoped3A = tpu.sem_alloc : memref<!tpu.dma_semaphore, #tpu.memory_space<semaphore_mem>>
        %dma_start3A = arith.constant 0 : i32
        %dma_start3A_20 = tpu.memref_slice %arg5[%arg1, %dma_start3A] : memref<16x10240xi32, #tpu.memory_space<hbm>> -> memref<1x10240xi32, #tpu.memory_space<hbm>>
        %dma_start3A_21 = tpu.memref_squeeze %dma_start3A_20 : memref<1x10240xi32, #tpu.memory_space<hbm>> -> memref<10240xi32, #tpu.memory_space<hbm>>
        %dma_start3A_22 = arith.constant 0 : i32
        %dma_start3A_23 = tpu.memref_slice %arg5[%arg1, %dma_start3A_22] : memref<16x10240xi32, #tpu.memory_space<hbm>> -> memref<1x10240xi32, #tpu.memory_space<hbm>>
        %dma_start3A_24 = tpu.memref_squeeze %dma_start3A_23 : memref<1x10240xi32, #tpu.memory_space<hbm>> -> memref<10240xi32, #tpu.memory_space<hbm>>
        tpu.enqueue_dma source(%dma_start3A_24 : memref<10240xi32, #tpu.memory_space<hbm>>) target(%arg9 : memref<10240xi32, #tpu.memory_space<vmem>>) target_semaphore(%run_scoped3A : memref<!tpu.dma_semaphore, #tpu.memory_space<semaphore_mem>>)
        %dma_wait3A = arith.constant 0 : i32
        %dma_wait3A_25 = tpu.memref_slice %arg5[%arg1, %dma_wait3A] : memref<16x10240xi32, #tpu.memory_space<hbm>> -> memref<1x10240xi32, #tpu.memory_space<hbm>>
        %dma_wait3A_26 = tpu.memref_squeeze %dma_wait3A_25 : memref<1x10240xi32, #tpu.memory_space<hbm>> -> memref<10240xi32, #tpu.memory_space<hbm>>
        %dma_wait3A_27 = arith.constant 0 : i32
        %dma_wait3A_28 = tpu.memref_slice %arg5[%arg1, %dma_wait3A_27] : memref<16x10240xi32, #tpu.memory_space<hbm>> -> memref<1x10240xi32, #tpu.memory_space<hbm>>
        %dma_wait3A_29 = tpu.memref_squeeze %dma_wait3A_28 : memref<1x10240xi32, #tpu.memory_space<hbm>> -> memref<10240xi32, #tpu.memory_space<hbm>>
        tpu.wait_dma2 semaphore(%run_scoped3A : memref<!tpu.dma_semaphore, #tpu.memory_space<semaphore_mem>>) src(%dma_wait3A_29 : memref<10240xi32, #tpu.memory_space<hbm>>) dst(%arg9 : memref<10240xi32, #tpu.memory_space<vmem>>)
        tpu.yield
      }) : () -> ()
      %scan3A = arith.constant 0 : i32
      %scan3A_10 = arith.constant 0 : i32
      %scan3A_11 = arith.constant 2 : i32
      %scan3A_12 = arith.addi %scan3A_10, %scan3A_11 : i32
      %scan3A_13 = arith.constant 1 : i32
      scf.for %scan3A_20 = %scan3A_10 to %scan3A_12 step %scan3A_13  : i32 {
        %mul3A_21 = arith.constant 5120 : i32
        %mul3A_22 = arith.muli %scan3A_20, %mul3A_21 : i32
        "tpu.region"() ({
          %run_scoped3A = tpu.sem_alloc : memref<!tpu.dma_semaphore, #tpu.memory_space<semaphore_mem>>
          %dma_start3A = tpu.memref_slice %arg4[%arg1, %mul3A_22] : memref<16x10240xi32, #tpu.memory_space<hbm>> -> memref<1x5120xi32, #tpu.memory_space<hbm>>
          %dma_start3A_29 = tpu.memref_squeeze %dma_start3A : memref<1x5120xi32, #tpu.memory_space<hbm>> -> memref<5120xi32, #tpu.memory_space<hbm>>
          %dma_start3A_30 = tpu.memref_slice %arg4[%arg1, %mul3A_22] : memref<16x10240xi32, #tpu.memory_space<hbm>> -> memref<1x5120xi32, #tpu.memory_space<hbm>>
          %dma_start3A_31 = tpu.memref_squeeze %dma_start3A_30 : memref<1x5120xi32, #tpu.memory_space<hbm>> -> memref<5120xi32, #tpu.memory_space<hbm>>
          tpu.enqueue_dma source(%dma_start3A_31 : memref<5120xi32, #tpu.memory_space<hbm>>) target(%arg8 : memref<5120xi32, #tpu.memory_space<vmem>>) target_semaphore(%run_scoped3A : memref<!tpu.dma_semaphore, #tpu.memory_space<semaphore_mem>>)
          %dma_wait3A = tpu.memref_slice %arg4[%arg1, %mul3A_22] : memref<16x10240xi32, #tpu.memory_space<hbm>> -> memref<1x5120xi32, #tpu.memory_space<hbm>>
          %dma_wait3A_32 = tpu.memref_squeeze %dma_wait3A : memref<1x5120xi32, #tpu.memory_space<hbm>> -> memref<5120xi32, #tpu.memory_space<hbm>>
          %dma_wait3A_33 = tpu.memref_slice %arg4[%arg1, %mul3A_22] : memref<16x10240xi32, #tpu.memory_space<hbm>> -> memref<1x5120xi32, #tpu.memory_space<hbm>>
          %dma_wait3A_34 = tpu.memref_squeeze %dma_wait3A_33 : memref<1x5120xi32, #tpu.memory_space<hbm>> -> memref<5120xi32, #tpu.memory_space<hbm>>
          tpu.wait_dma2 semaphore(%run_scoped3A : memref<!tpu.dma_semaphore, #tpu.memory_space<semaphore_mem>>) src(%dma_wait3A_34 : memref<5120xi32, #tpu.memory_space<hbm>>) dst(%arg8 : memref<5120xi32, #tpu.memory_space<vmem>>)
          tpu.yield
        }) : () -> ()
        %scan3A_23 = arith.constant 0 : i32
        %scan3A_24 = arith.constant 0 : i32
        %scan3A_25 = arith.constant 20 : i32
        %scan3A_26 = arith.addi %scan3A_24, %scan3A_25 : i32
        %scan3A_27 = arith.constant 1 : i32
        scf.for %scan3A_29 = %scan3A_24 to %scan3A_26 step %scan3A_27  : i32 {
          %mul3A_30 = arith.constant 256 : i32
          %mul3A_31 = arith.muli %scan3A_29, %mul3A_30 : i32
          %dma_start3A = tpu.memref_slice %arg8[%mul3A_31] : memref<5120xi32, #tpu.memory_space<vmem>> -> memref<256xi32, #tpu.memory_space<vmem>>
          %dma_start3A_32 = arith.constant 0 : i32
          %dma_start3A_33 = arith.constant 0 : i32
          %dma_start3A_34 = tpu.memref_slice %arg2[%dma_start3A_32, %dma_start3A_33] : memref<10240x128xf32, #tpu.memory_space<hbm>> -> memref<10240x128xf32, #tpu.memory_space<hbm>>
          tpu.enqueue_indirect_dma source(%dma_start3A_34 : memref<10240x128xf32, #tpu.memory_space<hbm>>) target(%arg10 : memref<256x128xf32, #tpu.memory_space<vmem>>) offsets(%dma_start3A : memref<256xi32, #tpu.memory_space<vmem>>) semaphore(%arg12 : memref<!tpu.dma_semaphore, #tpu.memory_space<semaphore_mem>>)
          %dma_wait3A = tpu.memref_slice %arg8[%mul3A_31] : memref<5120xi32, #tpu.memory_space<vmem>> -> memref<256xi32, #tpu.memory_space<vmem>>
          %dma_wait3A_35 = arith.constant 0 : i32
          %dma_wait3A_36 = arith.constant 0 : i32
          %dma_wait3A_37 = tpu.memref_slice %arg2[%dma_wait3A_35, %dma_wait3A_36] : memref<10240x128xf32, #tpu.memory_space<hbm>> -> memref<10240x128xf32, #tpu.memory_space<hbm>>
          tpu.wait_indirect_dma semaphore(%arg12 : memref<!tpu.dma_semaphore, #tpu.memory_space<semaphore_mem>>) src(%dma_wait3A_37 : memref<10240x128xf32, #tpu.memory_space<hbm>>) dst(%arg10 : memref<256x128xf32, #tpu.memory_space<vmem>>)
          %mul3A_38 = arith.constant 20 : i32
          %mul3A_39 = arith.muli %scan3A_20, %mul3A_38 : i32
          %add3A = arith.addi %mul3A_39, %scan3A_29 : i32
          %mul3A_40 = arith.constant 256 : i32
          %mul3A_41 = arith.muli %add3A, %mul3A_40 : i32
          "tpu.region"() ({
            %run_scoped3A = tpu.sem_alloc : memref<!tpu.dma_semaphore, #tpu.memory_space<semaphore_mem>>
            %dma_start3A_42 = tpu.memref_slice %arg9[%mul3A_41] : memref<10240xi32, #tpu.memory_space<vmem>> -> memref<256xi32, #tpu.memory_space<vmem>>
            %dma_start3A_43 = arith.constant 0 : i32
            %dma_start3A_44 = arith.constant 0 : i32
            %dma_start3A_45 = tpu.memref_slice %arg11[%dma_start3A_43, %dma_start3A_44] : memref<10240x128xf32, #tpu.memory_space<vmem_shared>> -> memref<10240x128xf32, #tpu.memory_space<vmem_shared>>
            tpu.enqueue_indirect_dma source(%arg10 : memref<256x128xf32, #tpu.memory_space<vmem>>) target(%dma_start3A_45 : memref<10240x128xf32, #tpu.memory_space<vmem_shared>>) offsets(%dma_start3A_42 : memref<256xi32, #tpu.memory_space<vmem>>) semaphore(%run_scoped3A : memref<!tpu.dma_semaphore, #tpu.memory_space<semaphore_mem>>) {add = true}
            %dma_wait3A_46 = tpu.memref_slice %arg9[%mul3A_41] : memref<10240xi32, #tpu.memory_space<vmem>> -> memref<256xi32, #tpu.memory_space<vmem>>
            %dma_wait3A_47 = arith.constant 0 : i32
            %dma_wait3A_48 = arith.constant 0 : i32
            %dma_wait3A_49 = tpu.memref_slice %arg11[%dma_wait3A_47, %dma_wait3A_48] : memref<10240x128xf32, #tpu.memory_space<vmem_shared>> -> memref<10240x128xf32, #tpu.memory_space<vmem_shared>>
            tpu.wait_indirect_dma semaphore(%run_scoped3A : memref<!tpu.dma_semaphore, #tpu.memory_space<semaphore_mem>>) src(%arg10 : memref<256x128xf32, #tpu.memory_space<vmem>>) dst(%dma_wait3A_49 : memref<10240x128xf32, #tpu.memory_space<vmem_shared>>)
            tpu.yield
          }) : () -> ()
        }
        %scan3A_28 = arith.constant 20 : i32
      }
      %scan3A_14 = arith.constant 2 : i32
      %barrier3A_15 = arith.constant 0 : index
      tpu.barrier barrier_id(%barrier3A_15)
      %mul3A_16 = arith.constant 640 : i32
      %mul3A_17 = arith.muli %arg1, %mul3A_16 : i32
      %mul3A_18 = arith.constant 640 : i32
      %mul3A_19 = arith.muli %arg1, %mul3A_18 : i32
      "tpu.region"() ({
        %run_scoped3A = tpu.sem_alloc : memref<!tpu.dma_semaphore, #tpu.memory_space<semaphore_mem>>
        %dma_start3A = arith.constant 0 : i32
        %dma_start3A_20 = tpu.memref_slice %arg6[%mul3A_19, %dma_start3A] : memref<10240x128xf32, #tpu.memory_space<hbm>> -> memref<640x128xf32, #tpu.memory_space<hbm>>
        %dma_start3A_21 = arith.constant 0 : i32
        %dma_start3A_22 = tpu.memref_slice %arg11[%mul3A_17, %dma_start3A_21] : memref<10240x128xf32, #tpu.memory_space<vmem_shared>> -> memref<640x128xf32, #tpu.memory_space<vmem_shared>>
        tpu.enqueue_dma source(%dma_start3A_22 : memref<640x128xf32, #tpu.memory_space<vmem_shared>>) target(%dma_start3A_20 : memref<640x128xf32, #tpu.memory_space<hbm>>) target_semaphore(%run_scoped3A : memref<!tpu.dma_semaphore, #tpu.memory_space<semaphore_mem>>)
        %dma_wait3A = arith.constant 0 : i32
        %dma_wait3A_23 = tpu.memref_slice %arg6[%mul3A_19, %dma_wait3A] : memref<10240x128xf32, #tpu.memory_space<hbm>> -> memref<640x128xf32, #tpu.memory_space<hbm>>
        %dma_wait3A_24 = arith.constant 0 : i32
        %dma_wait3A_25 = tpu.memref_slice %arg11[%mul3A_17, %dma_wait3A_24] : memref<10240x128xf32, #tpu.memory_space<vmem_shared>> -> memref<640x128xf32, #tpu.memory_space<vmem_shared>>
        tpu.wait_dma2 semaphore(%run_scoped3A : memref<!tpu.dma_semaphore, #tpu.memory_space<semaphore_mem>>) src(%dma_wait3A_25 : memref<640x128xf32, #tpu.memory_space<vmem_shared>>) dst(%dma_wait3A_23 : memref<640x128xf32, #tpu.memory_space<hbm>>)
        tpu.yield
      }) : () -> ()
    } else {
    }
    %eq3A_2 = arith.constant 1 : i32
    %eq3A_3 = arith.cmpi eq, %arg0, %eq3A_2 : i32
    %convert_element_type3A_4 = arith.extui %eq3A_3 : i1 to i32
    %cond3A_5 = arith.constant 0 : i32
    %cond3A_6 = arith.cmpi ne, %convert_element_type3A_4, %cond3A_5 : i32
    scf.if %cond3A_6 {
      %mul3A = arith.constant 640 : i32
      %mul3A_7 = arith.muli %arg1, %mul3A : i32
      %mul3A_8 = arith.constant 640 : i32
      %mul3A_9 = arith.muli %arg1, %mul3A_8 : i32
      "tpu.region"() ({
        %run_scoped3A = tpu.sem_alloc : memref<!tpu.dma_semaphore, #tpu.memory_space<semaphore_mem>>
        %dma_start3A = arith.constant 0 : i32
        %dma_start3A_20 = tpu.memref_slice %arg11[%mul3A_9, %dma_start3A] : memref<10240x128xf32, #tpu.memory_space<vmem_shared>> -> memref<640x128xf32, #tpu.memory_space<vmem_shared>>
        %dma_start3A_21 = arith.constant 0 : i32
        %dma_start3A_22 = tpu.memref_slice %arg3[%mul3A_7, %dma_start3A_21] : memref<10240x128xf32, #tpu.memory_space<hbm>> -> memref<640x128xf32, #tpu.memory_space<hbm>>
        tpu.enqueue_dma source(%dma_start3A_22 : memref<640x128xf32, #tpu.memory_space<hbm>>) target(%dma_start3A_20 : memref<640x128xf32, #tpu.memory_space<vmem_shared>>) target_semaphore(%run_scoped3A : memref<!tpu.dma_semaphore, #tpu.memory_space<semaphore_mem>>)
        %dma_wait3A = arith.constant 0 : i32
        %dma_wait3A_23 = tpu.memref_slice %arg11[%mul3A_9, %dma_wait3A] : memref<10240x128xf32, #tpu.memory_space<vmem_shared>> -> memref<640x128xf32, #tpu.memory_space<vmem_shared>>
        %dma_wait3A_24 = arith.constant 0 : i32
        %dma_wait3A_25 = tpu.memref_slice %arg3[%mul3A_7, %dma_wait3A_24] : memref<10240x128xf32, #tpu.memory_space<hbm>> -> memref<640x128xf32, #tpu.memory_space<hbm>>
        tpu.wait_dma2 semaphore(%run_scoped3A : memref<!tpu.dma_semaphore, #tpu.memory_space<semaphore_mem>>) src(%dma_wait3A_25 : memref<640x128xf32, #tpu.memory_space<hbm>>) dst(%dma_wait3A_23 : memref<640x128xf32, #tpu.memory_space<vmem_shared>>)
        tpu.yield
      }) : () -> ()
      %barrier3A = arith.constant 0 : index
      tpu.barrier barrier_id(%barrier3A)
      "tpu.region"() ({
        %run_scoped3A = tpu.sem_alloc : memref<!tpu.dma_semaphore, #tpu.memory_space<semaphore_mem>>
        %dma_start3A = arith.constant 0 : i32
        %dma_start3A_20 = tpu.memref_slice %arg5[%arg1, %dma_start3A] : memref<16x10240xi32, #tpu.memory_space<hbm>> -> memref<1x10240xi32, #tpu.memory_space<hbm>>
        %dma_start3A_21 = tpu.memref_squeeze %dma_start3A_20 : memref<1x10240xi32, #tpu.memory_space<hbm>> -> memref<10240xi32, #tpu.memory_space<hbm>>
        %dma_start3A_22 = arith.constant 0 : i32
        %dma_start3A_23 = tpu.memref_slice %arg5[%arg1, %dma_start3A_22] : memref<16x10240xi32, #tpu.memory_space<hbm>> -> memref<1x10240xi32, #tpu.memory_space<hbm>>
        %dma_start3A_24 = tpu.memref_squeeze %dma_start3A_23 : memref<1x10240xi32, #tpu.memory_space<hbm>> -> memref<10240xi32, #tpu.memory_space<hbm>>
        tpu.enqueue_dma source(%dma_start3A_24 : memref<10240xi32, #tpu.memory_space<hbm>>) target(%arg9 : memref<10240xi32, #tpu.memory_space<vmem>>) target_semaphore(%run_scoped3A : memref<!tpu.dma_semaphore, #tpu.memory_space<semaphore_mem>>)
        %dma_wait3A = arith.constant 0 : i32
        %dma_wait3A_25 = tpu.memref_slice %arg5[%arg1, %dma_wait3A] : memref<16x10240xi32, #tpu.memory_space<hbm>> -> memref<1x10240xi32, #tpu.memory_space<hbm>>
        %dma_wait3A_26 = tpu.memref_squeeze %dma_wait3A_25 : memref<1x10240xi32, #tpu.memory_space<hbm>> -> memref<10240xi32, #tpu.memory_space<hbm>>
        %dma_wait3A_27 = arith.constant 0 : i32
        %dma_wait3A_28 = tpu.memref_slice %arg5[%arg1, %dma_wait3A_27] : memref<16x10240xi32, #tpu.memory_space<hbm>> -> memref<1x10240xi32, #tpu.memory_space<hbm>>
        %dma_wait3A_29 = tpu.memref_squeeze %dma_wait3A_28 : memref<1x10240xi32, #tpu.memory_space<hbm>> -> memref<10240xi32, #tpu.memory_space<hbm>>
        tpu.wait_dma2 semaphore(%run_scoped3A : memref<!tpu.dma_semaphore, #tpu.memory_space<semaphore_mem>>) src(%dma_wait3A_29 : memref<10240xi32, #tpu.memory_space<hbm>>) dst(%arg9 : memref<10240xi32, #tpu.memory_space<vmem>>)
        tpu.yield
      }) : () -> ()
      %scan3A = arith.constant 0 : i32
      %scan3A_10 = arith.constant 0 : i32
      %scan3A_11 = arith.constant 2 : i32
      %scan3A_12 = arith.addi %scan3A_10, %scan3A_11 : i32
      %scan3A_13 = arith.constant 1 : i32
      scf.for %scan3A_20 = %scan3A_10 to %scan3A_12 step %scan3A_13  : i32 {
        %mul3A_21 = arith.constant 5120 : i32
        %mul3A_22 = arith.muli %scan3A_20, %mul3A_21 : i32
        "tpu.region"() ({
          %run_scoped3A = tpu.sem_alloc : memref<!tpu.dma_semaphore, #tpu.memory_space<semaphore_mem>>
          %dma_start3A = tpu.memref_slice %arg4[%arg1, %mul3A_22] : memref<16x10240xi32, #tpu.memory_space<hbm>> -> memref<1x5120xi32, #tpu.memory_space<hbm>>
          %dma_start3A_29 = tpu.memref_squeeze %dma_start3A : memref<1x5120xi32, #tpu.memory_space<hbm>> -> memref<5120xi32, #tpu.memory_space<hbm>>
          %dma_start3A_30 = tpu.memref_slice %arg4[%arg1, %mul3A_22] : memref<16x10240xi32, #tpu.memory_space<hbm>> -> memref<1x5120xi32, #tpu.memory_space<hbm>>
          %dma_start3A_31 = tpu.memref_squeeze %dma_start3A_30 : memref<1x5120xi32, #tpu.memory_space<hbm>> -> memref<5120xi32, #tpu.memory_space<hbm>>
          tpu.enqueue_dma source(%dma_start3A_31 : memref<5120xi32, #tpu.memory_space<hbm>>) target(%arg8 : memref<5120xi32, #tpu.memory_space<vmem>>) target_semaphore(%run_scoped3A : memref<!tpu.dma_semaphore, #tpu.memory_space<semaphore_mem>>)
          %dma_wait3A = tpu.memref_slice %arg4[%arg1, %mul3A_22] : memref<16x10240xi32, #tpu.memory_space<hbm>> -> memref<1x5120xi32, #tpu.memory_space<hbm>>
          %dma_wait3A_32 = tpu.memref_squeeze %dma_wait3A : memref<1x5120xi32, #tpu.memory_space<hbm>> -> memref<5120xi32, #tpu.memory_space<hbm>>
          %dma_wait3A_33 = tpu.memref_slice %arg4[%arg1, %mul3A_22] : memref<16x10240xi32, #tpu.memory_space<hbm>> -> memref<1x5120xi32, #tpu.memory_space<hbm>>
          %dma_wait3A_34 = tpu.memref_squeeze %dma_wait3A_33 : memref<1x5120xi32, #tpu.memory_space<hbm>> -> memref<5120xi32, #tpu.memory_space<hbm>>
          tpu.wait_dma2 semaphore(%run_scoped3A : memref<!tpu.dma_semaphore, #tpu.memory_space<semaphore_mem>>) src(%dma_wait3A_34 : memref<5120xi32, #tpu.memory_space<hbm>>) dst(%arg8 : memref<5120xi32, #tpu.memory_space<vmem>>)
          tpu.yield
        }) : () -> ()
        %scan3A_23 = arith.constant 0 : i32
        %scan3A_24 = arith.constant 0 : i32
        %scan3A_25 = arith.constant 20 : i32
        %scan3A_26 = arith.addi %scan3A_24, %scan3A_25 : i32
        %scan3A_27 = arith.constant 1 : i32
        scf.for %scan3A_29 = %scan3A_24 to %scan3A_26 step %scan3A_27  : i32 {
          %mul3A_30 = arith.constant 256 : i32
          %mul3A_31 = arith.muli %scan3A_29, %mul3A_30 : i32
          %dma_start3A = tpu.memref_slice %arg8[%mul3A_31] : memref<5120xi32, #tpu.memory_space<vmem>> -> memref<256xi32, #tpu.memory_space<vmem>>
          %dma_start3A_32 = arith.constant 0 : i32
          %dma_start3A_33 = arith.constant 0 : i32
          %dma_start3A_34 = tpu.memref_slice %arg3[%dma_start3A_32, %dma_start3A_33] : memref<10240x128xf32, #tpu.memory_space<hbm>> -> memref<10240x128xf32, #tpu.memory_space<hbm>>
          tpu.enqueue_indirect_dma source(%dma_start3A_34 : memref<10240x128xf32, #tpu.memory_space<hbm>>) target(%arg10 : memref<256x128xf32, #tpu.memory_space<vmem>>) offsets(%dma_start3A : memref<256xi32, #tpu.memory_space<vmem>>) semaphore(%arg12 : memref<!tpu.dma_semaphore, #tpu.memory_space<semaphore_mem>>)
          %dma_wait3A = tpu.memref_slice %arg8[%mul3A_31] : memref<5120xi32, #tpu.memory_space<vmem>> -> memref<256xi32, #tpu.memory_space<vmem>>
          %dma_wait3A_35 = arith.constant 0 : i32
          %dma_wait3A_36 = arith.constant 0 : i32
          %dma_wait3A_37 = tpu.memref_slice %arg3[%dma_wait3A_35, %dma_wait3A_36] : memref<10240x128xf32, #tpu.memory_space<hbm>> -> memref<10240x128xf32, #tpu.memory_space<hbm>>
          tpu.wait_indirect_dma semaphore(%arg12 : memref<!tpu.dma_semaphore, #tpu.memory_space<semaphore_mem>>) src(%dma_wait3A_37 : memref<10240x128xf32, #tpu.memory_space<hbm>>) dst(%arg10 : memref<256x128xf32, #tpu.memory_space<vmem>>)
          %mul3A_38 = arith.constant 20 : i32
          %mul3A_39 = arith.muli %scan3A_20, %mul3A_38 : i32
          %add3A = arith.addi %mul3A_39, %scan3A_29 : i32
          %mul3A_40 = arith.constant 256 : i32
          %mul3A_41 = arith.muli %add3A, %mul3A_40 : i32
          "tpu.region"() ({
            %run_scoped3A = tpu.sem_alloc : memref<!tpu.dma_semaphore, #tpu.memory_space<semaphore_mem>>
            %dma_start3A_42 = tpu.memref_slice %arg9[%mul3A_41] : memref<10240xi32, #tpu.memory_space<vmem>> -> memref<256xi32, #tpu.memory_space<vmem>>
            %dma_start3A_43 = arith.constant 0 : i32
            %dma_start3A_44 = arith.constant 0 : i32
            %dma_start3A_45 = tpu.memref_slice %arg11[%dma_start3A_43, %dma_start3A_44] : memref<10240x128xf32, #tpu.memory_space<vmem_shared>> -> memref<10240x128xf32, #tpu.memory_space<vmem_shared>>
            tpu.enqueue_indirect_dma source(%arg10 : memref<256x128xf32, #tpu.memory_space<vmem>>) target(%dma_start3A_45 : memref<10240x128xf32, #tpu.memory_space<vmem_shared>>) offsets(%dma_start3A_42 : memref<256xi32, #tpu.memory_space<vmem>>) semaphore(%run_scoped3A : memref<!tpu.dma_semaphore, #tpu.memory_space<semaphore_mem>>) {add = true}
            %dma_wait3A_46 = tpu.memref_slice %arg9[%mul3A_41] : memref<10240xi32, #tpu.memory_space<vmem>> -> memref<256xi32, #tpu.memory_space<vmem>>
            %dma_wait3A_47 = arith.constant 0 : i32
            %dma_wait3A_48 = arith.constant 0 : i32
            %dma_wait3A_49 = tpu.memref_slice %arg11[%dma_wait3A_47, %dma_wait3A_48] : memref<10240x128xf32, #tpu.memory_space<vmem_shared>> -> memref<10240x128xf32, #tpu.memory_space<vmem_shared>>
            tpu.wait_indirect_dma semaphore(%run_scoped3A : memref<!tpu.dma_semaphore, #tpu.memory_space<semaphore_mem>>) src(%arg10 : memref<256x128xf32, #tpu.memory_space<vmem>>) dst(%dma_wait3A_49 : memref<10240x128xf32, #tpu.memory_space<vmem_shared>>)
            tpu.yield
          }) : () -> ()
        }
        %scan3A_28 = arith.constant 20 : i32
      }
      %scan3A_14 = arith.constant 2 : i32
      %barrier3A_15 = arith.constant 0 : index
      tpu.barrier barrier_id(%barrier3A_15)
      %mul3A_16 = arith.constant 640 : i32
      %mul3A_17 = arith.muli %arg1, %mul3A_16 : i32
      %mul3A_18 = arith.constant 640 : i32
      %mul3A_19 = arith.muli %arg1, %mul3A_18 : i32
      "tpu.region"() ({
        %run_scoped3A = tpu.sem_alloc : memref<!tpu.dma_semaphore, #tpu.memory_space<semaphore_mem>>
        %dma_start3A = arith.constant 0 : i32
        %dma_start3A_20 = tpu.memref_slice %arg7[%mul3A_19, %dma_start3A] : memref<10240x128xf32, #tpu.memory_space<hbm>> -> memref<640x128xf32, #tpu.memory_space<hbm>>
        %dma_start3A_21 = arith.constant 0 : i32
        %dma_start3A_22 = tpu.memref_slice %arg11[%mul3A_17, %dma_start3A_21] : memref<10240x128xf32, #tpu.memory_space<vmem_shared>> -> memref<640x128xf32, #tpu.memory_space<vmem_shared>>
        tpu.enqueue_dma source(%dma_start3A_22 : memref<640x128xf32, #tpu.memory_space<vmem_shared>>) target(%dma_start3A_20 : memref<640x128xf32, #tpu.memory_space<hbm>>) target_semaphore(%run_scoped3A : memref<!tpu.dma_semaphore, #tpu.memory_space<semaphore_mem>>)
        %dma_wait3A = arith.constant 0 : i32
        %dma_wait3A_23 = tpu.memref_slice %arg7[%mul3A_19, %dma_wait3A] : memref<10240x128xf32, #tpu.memory_space<hbm>> -> memref<640x128xf32, #tpu.memory_space<hbm>>
        %dma_wait3A_24 = arith.constant 0 : i32
        %dma_wait3A_25 = tpu.memref_slice %arg11[%mul3A_17, %dma_wait3A_24] : memref<10240x128xf32, #tpu.memory_space<vmem_shared>> -> memref<640x128xf32, #tpu.memory_space<vmem_shared>>
        tpu.wait_dma2 semaphore(%run_scoped3A : memref<!tpu.dma_semaphore, #tpu.memory_space<semaphore_mem>>) src(%dma_wait3A_25 : memref<640x128xf32, #tpu.memory_space<vmem_shared>>) dst(%dma_wait3A_23 : memref<640x128xf32, #tpu.memory_space<hbm>>)
        tpu.yield
      }) : () -> ()
    } else {
    }
    return
  }
}

#map = affine_map<(d0, d1) -> (0, 0)>
module attributes {stable_mosaic.version = 14 : i64} {
  func.func @_scatter_body(%arg0: i32, %arg1: i32, %arg2: memref<10240x128xf32, #tpu.memory_space<hbm>>, %arg3: memref<10240x128xf32, #tpu.memory_space<hbm>>, %arg4: memref<16x10240xi32, #tpu.memory_space<hbm>>, %arg5: memref<16x10240xi32, #tpu.memory_space<hbm>>, %arg6: memref<10240x128xf32, #tpu.memory_space<hbm>>, %arg7: memref<10240x128xf32, #tpu.memory_space<hbm>>, %arg8: memref<5120xi32, #tpu.memory_space<vmem>>, %arg9: memref<10240xi32, #tpu.memory_space<vmem>>, %arg10: memref<256x128xf32, #tpu.memory_space<vmem>>, %arg11: memref<10240x128xf32, #tpu.memory_space<vmem_shared>>, %arg12: memref<!tpu.dma_semaphore, #tpu.memory_space<semaphore_mem>>) attributes {dimension_semantics = [#tpu.dimension_semantics<core_parallel>, #tpu.dimension_semantics<subcore_parallel>], iteration_bounds = array<i64: 2, 16>, scalar_prefetch = 0 : i64, scratch_operands = 5 : i64, tpu.core_type = #tpu.core_type<sc_vector_subcore>, window_params = [{transform_indices = #map}, {transform_indices = #map}, {transform_indices = #map}, {transform_indices = #map}, {transform_indices = #map}, {transform_indices = #map}]} {
    %eq3A = arith.constant 0 : i32
    %eq3A_0 = arith.cmpi eq, %arg0, %eq3A : i32
    %convert_element_type3A = arith.extui %eq3A_0 : i1 to i32
    %cond3A = arith.constant 0 : i32
    %cond3A_1 = arith.cmpi ne, %convert_element_type3A, %cond3A : i32
    scf.if %cond3A_1 {
      %mul3A = arith.constant 640 : i32
      %mul3A_7 = arith.muli %arg1, %mul3A : i32
      %mul3A_8 = arith.constant 640 : i32
      %mul3A_9 = arith.muli %arg1, %mul3A_8 : i32
      "tpu.region"() ({
        %run_scoped3A = tpu.sem_alloc : memref<!tpu.dma_semaphore, #tpu.memory_space<semaphore_mem>>
        %dma_start3A = arith.constant 0 : i32
        %dma_start3A_20 = tpu.memref_slice %arg11[%mul3A_9, %dma_start3A] : memref<10240x128xf32, #tpu.memory_space<vmem_shared>> -> memref<640x128xf32, #tpu.memory_space<vmem_shared>>
        %dma_start3A_21 = arith.constant 0 : i32
        %dma_start3A_22 = tpu.memref_slice %arg2[%mul3A_7, %dma_start3A_21] : memref<10240x128xf32, #tpu.memory_space<hbm>> -> memref<640x128xf32, #tpu.memory_space<hbm>>
        tpu.enqueue_dma source(%dma_start3A_22 : memref<640x128xf32, #tpu.memory_space<hbm>>) target(%dma_start3A_20 : memref<640x128xf32, #tpu.memory_space<vmem_shared>>) target_semaphore(%run_scoped3A : memref<!tpu.dma_semaphore, #tpu.memory_space<semaphore_mem>>)
        %dma_wait3A = arith.constant 0 : i32
        %dma_wait3A_23 = tpu.memref_slice %arg11[%mul3A_9, %dma_wait3A] : memref<10240x128xf32, #tpu.memory_space<vmem_shared>> -> memref<640x128xf32, #tpu.memory_space<vmem_shared>>
        %dma_wait3A_24 = arith.constant 0 : i32
        %dma_wait3A_25 = tpu.memref_slice %arg2[%mul3A_7, %dma_wait3A_24] : memref<10240x128xf32, #tpu.memory_space<hbm>> -> memref<640x128xf32, #tpu.memory_space<hbm>>
        tpu.wait_dma2 semaphore(%run_scoped3A : memref<!tpu.dma_semaphore, #tpu.memory_space<semaphore_mem>>) src(%dma_wait3A_25 : memref<640x128xf32, #tpu.memory_space<hbm>>) dst(%dma_wait3A_23 : memref<640x128xf32, #tpu.memory_space<vmem_shared>>)
        tpu.yield
      }) : () -> ()
      %barrier3A = arith.constant 0 : index
      tpu.barrier barrier_id(%barrier3A)
      "tpu.region"() ({
        %run_scoped3A = tpu.sem_alloc : memref<!tpu.dma_semaphore, #tpu.memory_space<semaphore_mem>>
        %dma_start3A = arith.constant 0 : i32
        %dma_start3A_20 = tpu.memref_slice %arg5[%arg1, %dma_start3A] : memref<16x10240xi32, #tpu.memory_space<hbm>> -> memref<1x10240xi32, #tpu.memory_space<hbm>>
        %dma_start3A_21 = tpu.memref_squeeze %dma_start3A_20 : memref<1x10240xi32, #tpu.memory_space<hbm>> -> memref<10240xi32, #tpu.memory_space<hbm>>
        %dma_start3A_22 = arith.constant 0 : i32
        %dma_start3A_23 = tpu.memref_slice %arg5[%arg1, %dma_start3A_22] : memref<16x10240xi32, #tpu.memory_space<hbm>> -> memref<1x10240xi32, #tpu.memory_space<hbm>>
        %dma_start3A_24 = tpu.memref_squeeze %dma_start3A_23 : memref<1x10240xi32, #tpu.memory_space<hbm>> -> memref<10240xi32, #tpu.memory_space<hbm>>
        tpu.enqueue_dma source(%dma_start3A_24 : memref<10240xi32, #tpu.memory_space<hbm>>) target(%arg9 : memref<10240xi32, #tpu.memory_space<vmem>>) target_semaphore(%run_scoped3A : memref<!tpu.dma_semaphore, #tpu.memory_space<semaphore_mem>>)
        %dma_wait3A = arith.constant 0 : i32
        %dma_wait3A_25 = tpu.memref_slice %arg5[%arg1, %dma_wait3A] : memref<16x10240xi32, #tpu.memory_space<hbm>> -> memref<1x10240xi32, #tpu.memory_space<hbm>>
        %dma_wait3A_26 = tpu.memref_squeeze %dma_wait3A_25 : memref<1x10240xi32, #tpu.memory_space<hbm>> -> memref<10240xi32, #tpu.memory_space<hbm>>
        %dma_wait3A_27 = arith.constant 0 : i32
        %dma_wait3A_28 = tpu.memref_slice %arg5[%arg1, %dma_wait3A_27] : memref<16x10240xi32, #tpu.memory_space<hbm>> -> memref<1x10240xi32, #tpu.memory_space<hbm>>
        %dma_wait3A_29 = tpu.memref_squeeze %dma_wait3A_28 : memref<1x10240xi32, #tpu.memory_space<hbm>> -> memref<10240xi32, #tpu.memory_space<hbm>>
        tpu.wait_dma2 semaphore(%run_scoped3A : memref<!tpu.dma_semaphore, #tpu.memory_space<semaphore_mem>>) src(%dma_wait3A_29 : memref<10240xi32, #tpu.memory_space<hbm>>) dst(%arg9 : memref<10240xi32, #tpu.memory_space<vmem>>)
        tpu.yield
      }) : () -> ()
      %scan3A = arith.constant 0 : i32
      %scan3A_10 = arith.constant 0 : i32
      %scan3A_11 = arith.constant 2 : i32
      %scan3A_12 = arith.addi %scan3A_10, %scan3A_11 : i32
      %scan3A_13 = arith.constant 1 : i32
      scf.for %scan3A_20 = %scan3A_10 to %scan3A_12 step %scan3A_13  : i32 {
        %mul3A_21 = arith.constant 5120 : i32
        %mul3A_22 = arith.muli %scan3A_20, %mul3A_21 : i32
        "tpu.region"() ({
          %run_scoped3A = tpu.sem_alloc : memref<!tpu.dma_semaphore, #tpu.memory_space<semaphore_mem>>
          %dma_start3A = tpu.memref_slice %arg4[%arg1, %mul3A_22] : memref<16x10240xi32, #tpu.memory_space<hbm>> -> memref<1x5120xi32, #tpu.memory_space<hbm>>
          %dma_start3A_29 = tpu.memref_squeeze %dma_start3A : memref<1x5120xi32, #tpu.memory_space<hbm>> -> memref<5120xi32, #tpu.memory_space<hbm>>
          %dma_start3A_30 = tpu.memref_slice %arg4[%arg1, %mul3A_22] : memref<16x10240xi32, #tpu.memory_space<hbm>> -> memref<1x5120xi32, #tpu.memory_space<hbm>>
          %dma_start3A_31 = tpu.memref_squeeze %dma_start3A_30 : memref<1x5120xi32, #tpu.memory_space<hbm>> -> memref<5120xi32, #tpu.memory_space<hbm>>
          tpu.enqueue_dma source(%dma_start3A_31 : memref<5120xi32, #tpu.memory_space<hbm>>) target(%arg8 : memref<5120xi32, #tpu.memory_space<vmem>>) target_semaphore(%run_scoped3A : memref<!tpu.dma_semaphore, #tpu.memory_space<semaphore_mem>>)
          %dma_wait3A = tpu.memref_slice %arg4[%arg1, %mul3A_22] : memref<16x10240xi32, #tpu.memory_space<hbm>> -> memref<1x5120xi32, #tpu.memory_space<hbm>>
          %dma_wait3A_32 = tpu.memref_squeeze %dma_wait3A : memref<1x5120xi32, #tpu.memory_space<hbm>> -> memref<5120xi32, #tpu.memory_space<hbm>>
          %dma_wait3A_33 = tpu.memref_slice %arg4[%arg1, %mul3A_22] : memref<16x10240xi32, #tpu.memory_space<hbm>> -> memref<1x5120xi32, #tpu.memory_space<hbm>>
          %dma_wait3A_34 = tpu.memref_squeeze %dma_wait3A_33 : memref<1x5120xi32, #tpu.memory_space<hbm>> -> memref<5120xi32, #tpu.memory_space<hbm>>
          tpu.wait_dma2 semaphore(%run_scoped3A : memref<!tpu.dma_semaphore, #tpu.memory_space<semaphore_mem>>) src(%dma_wait3A_34 : memref<5120xi32, #tpu.memory_space<hbm>>) dst(%arg8 : memref<5120xi32, #tpu.memory_space<vmem>>)
          tpu.yield
        }) : () -> ()
        %scan3A_23 = arith.constant 0 : i32
        %scan3A_24 = arith.constant 0 : i32
        %scan3A_25 = arith.constant 20 : i32
        %scan3A_26 = arith.addi %scan3A_24, %scan3A_25 : i32
        %scan3A_27 = arith.constant 1 : i32
        scf.for %scan3A_29 = %scan3A_24 to %scan3A_26 step %scan3A_27  : i32 {
          %mul3A_30 = arith.constant 256 : i32
          %mul3A_31 = arith.muli %scan3A_29, %mul3A_30 : i32
          %dma_start3A = tpu.memref_slice %arg8[%mul3A_31] : memref<5120xi32, #tpu.memory_space<vmem>> -> memref<256xi32, #tpu.memory_space<vmem>>
          %dma_start3A_32 = arith.constant 0 : i32
          %dma_start3A_33 = arith.constant 0 : i32
          %dma_start3A_34 = tpu.memref_slice %arg2[%dma_start3A_32, %dma_start3A_33] : memref<10240x128xf32, #tpu.memory_space<hbm>> -> memref<10240x128xf32, #tpu.memory_space<hbm>>
          tpu.enqueue_indirect_dma source(%dma_start3A_34 : memref<10240x128xf32, #tpu.memory_space<hbm>>) target(%arg10 : memref<256x128xf32, #tpu.memory_space<vmem>>) offsets(%dma_start3A : memref<256xi32, #tpu.memory_space<vmem>>) semaphore(%arg12 : memref<!tpu.dma_semaphore, #tpu.memory_space<semaphore_mem>>)
          %dma_wait3A = tpu.memref_slice %arg8[%mul3A_31] : memref<5120xi32, #tpu.memory_space<vmem>> -> memref<256xi32, #tpu.memory_space<vmem>>
          %dma_wait3A_35 = arith.constant 0 : i32
          %dma_wait3A_36 = arith.constant 0 : i32
          %dma_wait3A_37 = tpu.memref_slice %arg2[%dma_wait3A_35, %dma_wait3A_36] : memref<10240x128xf32, #tpu.memory_space<hbm>> -> memref<10240x128xf32, #tpu.memory_space<hbm>>
          tpu.wait_indirect_dma semaphore(%arg12 : memref<!tpu.dma_semaphore, #tpu.memory_space<semaphore_mem>>) src(%dma_wait3A_37 : memref<10240x128xf32, #tpu.memory_space<hbm>>) dst(%arg10 : memref<256x128xf32, #tpu.memory_space<vmem>>)
          %mul3A_38 = arith.constant 20 : i32
          %mul3A_39 = arith.muli %scan3A_20, %mul3A_38 : i32
          %add3A = arith.addi %mul3A_39, %scan3A_29 : i32
          %mul3A_40 = arith.constant 256 : i32
          %mul3A_41 = arith.muli %add3A, %mul3A_40 : i32
          "tpu.region"() ({
            %run_scoped3A = tpu.sem_alloc : memref<!tpu.dma_semaphore, #tpu.memory_space<semaphore_mem>>
            %dma_start3A_42 = tpu.memref_slice %arg9[%mul3A_41] : memref<10240xi32, #tpu.memory_space<vmem>> -> memref<256xi32, #tpu.memory_space<vmem>>
            %dma_start3A_43 = arith.constant 0 : i32
            %dma_start3A_44 = arith.constant 0 : i32
            %dma_start3A_45 = tpu.memref_slice %arg11[%dma_start3A_43, %dma_start3A_44] : memref<10240x128xf32, #tpu.memory_space<vmem_shared>> -> memref<10240x128xf32, #tpu.memory_space<vmem_shared>>
            tpu.enqueue_indirect_dma source(%arg10 : memref<256x128xf32, #tpu.memory_space<vmem>>) target(%dma_start3A_45 : memref<10240x128xf32, #tpu.memory_space<vmem_shared>>) offsets(%dma_start3A_42 : memref<256xi32, #tpu.memory_space<vmem>>) semaphore(%run_scoped3A : memref<!tpu.dma_semaphore, #tpu.memory_space<semaphore_mem>>) {add = true}
            %dma_wait3A_46 = tpu.memref_slice %arg9[%mul3A_41] : memref<10240xi32, #tpu.memory_space<vmem>> -> memref<256xi32, #tpu.memory_space<vmem>>
            %dma_wait3A_47 = arith.constant 0 : i32
            %dma_wait3A_48 = arith.constant 0 : i32
            %dma_wait3A_49 = tpu.memref_slice %arg11[%dma_wait3A_47, %dma_wait3A_48] : memref<10240x128xf32, #tpu.memory_space<vmem_shared>> -> memref<10240x128xf32, #tpu.memory_space<vmem_shared>>
            tpu.wait_indirect_dma semaphore(%run_scoped3A : memref<!tpu.dma_semaphore, #tpu.memory_space<semaphore_mem>>) src(%arg10 : memref<256x128xf32, #tpu.memory_space<vmem>>) dst(%dma_wait3A_49 : memref<10240x128xf32, #tpu.memory_space<vmem_shared>>)
            tpu.yield
          }) : () -> ()
        }
        %scan3A_28 = arith.constant 20 : i32
      }
      %scan3A_14 = arith.constant 2 : i32
      %barrier3A_15 = arith.constant 0 : index
      tpu.barrier barrier_id(%barrier3A_15)
      %mul3A_16 = arith.constant 640 : i32
      %mul3A_17 = arith.muli %arg1, %mul3A_16 : i32
      %mul3A_18 = arith.constant 640 : i32
      %mul3A_19 = arith.muli %arg1, %mul3A_18 : i32
      "tpu.region"() ({
        %run_scoped3A = tpu.sem_alloc : memref<!tpu.dma_semaphore, #tpu.memory_space<semaphore_mem>>
        %dma_start3A = arith.constant 0 : i32
        %dma_start3A_20 = tpu.memref_slice %arg6[%mul3A_19, %dma_start3A] : memref<10240x128xf32, #tpu.memory_space<hbm>> -> memref<640x128xf32, #tpu.memory_space<hbm>>
        %dma_start3A_21 = arith.constant 0 : i32
        %dma_start3A_22 = tpu.memref_slice %arg11[%mul3A_17, %dma_start3A_21] : memref<10240x128xf32, #tpu.memory_space<vmem_shared>> -> memref<640x128xf32, #tpu.memory_space<vmem_shared>>
        tpu.enqueue_dma source(%dma_start3A_22 : memref<640x128xf32, #tpu.memory_space<vmem_shared>>) target(%dma_start3A_20 : memref<640x128xf32, #tpu.memory_space<hbm>>) target_semaphore(%run_scoped3A : memref<!tpu.dma_semaphore, #tpu.memory_space<semaphore_mem>>)
        %dma_wait3A = arith.constant 0 : i32
        %dma_wait3A_23 = tpu.memref_slice %arg6[%mul3A_19, %dma_wait3A] : memref<10240x128xf32, #tpu.memory_space<hbm>> -> memref<640x128xf32, #tpu.memory_space<hbm>>
        %dma_wait3A_24 = arith.constant 0 : i32
        %dma_wait3A_25 = tpu.memref_slice %arg11[%mul3A_17, %dma_wait3A_24] : memref<10240x128xf32, #tpu.memory_space<vmem_shared>> -> memref<640x128xf32, #tpu.memory_space<vmem_shared>>
        tpu.wait_dma2 semaphore(%run_scoped3A : memref<!tpu.dma_semaphore, #tpu.memory_space<semaphore_mem>>) src(%dma_wait3A_25 : memref<640x128xf32, #tpu.memory_space<vmem_shared>>) dst(%dma_wait3A_23 : memref<640x128xf32, #tpu.memory_space<hbm>>)
        tpu.yield
      }) : () -> ()
    } else {
    }
    %eq3A_2 = arith.constant 1 : i32
    %eq3A_3 = arith.cmpi eq, %arg0, %eq3A_2 : i32
    %convert_element_type3A_4 = arith.extui %eq3A_3 : i1 to i32
    %cond3A_5 = arith.constant 0 : i32
    %cond3A_6 = arith.cmpi ne, %convert_element_type3A_4, %cond3A_5 : i32
    scf.if %cond3A_6 {
      %mul3A = arith.constant 640 : i32
      %mul3A_7 = arith.muli %arg1, %mul3A : i32
      %mul3A_8 = arith.constant 640 : i32
      %mul3A_9 = arith.muli %arg1, %mul3A_8 : i32
      "tpu.region"() ({
        %run_scoped3A = tpu.sem_alloc : memref<!tpu.dma_semaphore, #tpu.memory_space<semaphore_mem>>
        %dma_start3A = arith.constant 0 : i32
        %dma_start3A_20 = tpu.memref_slice %arg11[%mul3A_9, %dma_start3A] : memref<10240x128xf32, #tpu.memory_space<vmem_shared>> -> memref<640x128xf32, #tpu.memory_space<vmem_shared>>
        %dma_start3A_21 = arith.constant 0 : i32
        %dma_start3A_22 = tpu.memref_slice %arg3[%mul3A_7, %dma_start3A_21] : memref<10240x128xf32, #tpu.memory_space<hbm>> -> memref<640x128xf32, #tpu.memory_space<hbm>>
        tpu.enqueue_dma source(%dma_start3A_22 : memref<640x128xf32, #tpu.memory_space<hbm>>) target(%dma_start3A_20 : memref<640x128xf32, #tpu.memory_space<vmem_shared>>) target_semaphore(%run_scoped3A : memref<!tpu.dma_semaphore, #tpu.memory_space<semaphore_mem>>)
        %dma_wait3A = arith.constant 0 : i32
        %dma_wait3A_23 = tpu.memref_slice %arg11[%mul3A_9, %dma_wait3A] : memref<10240x128xf32, #tpu.memory_space<vmem_shared>> -> memref<640x128xf32, #tpu.memory_space<vmem_shared>>
        %dma_wait3A_24 = arith.constant 0 : i32
        %dma_wait3A_25 = tpu.memref_slice %arg3[%mul3A_7, %dma_wait3A_24] : memref<10240x128xf32, #tpu.memory_space<hbm>> -> memref<640x128xf32, #tpu.memory_space<hbm>>
        tpu.wait_dma2 semaphore(%run_scoped3A : memref<!tpu.dma_semaphore, #tpu.memory_space<semaphore_mem>>) src(%dma_wait3A_25 : memref<640x128xf32, #tpu.memory_space<hbm>>) dst(%dma_wait3A_23 : memref<640x128xf32, #tpu.memory_space<vmem_shared>>)
        tpu.yield
      }) : () -> ()
      %barrier3A = arith.constant 0 : index
      tpu.barrier barrier_id(%barrier3A)
      "tpu.region"() ({
        %run_scoped3A = tpu.sem_alloc : memref<!tpu.dma_semaphore, #tpu.memory_space<semaphore_mem>>
        %dma_start3A = arith.constant 0 : i32
        %dma_start3A_20 = tpu.memref_slice %arg5[%arg1, %dma_start3A] : memref<16x10240xi32, #tpu.memory_space<hbm>> -> memref<1x10240xi32, #tpu.memory_space<hbm>>
        %dma_start3A_21 = tpu.memref_squeeze %dma_start3A_20 : memref<1x10240xi32, #tpu.memory_space<hbm>> -> memref<10240xi32, #tpu.memory_space<hbm>>
        %dma_start3A_22 = arith.constant 0 : i32
        %dma_start3A_23 = tpu.memref_slice %arg5[%arg1, %dma_start3A_22] : memref<16x10240xi32, #tpu.memory_space<hbm>> -> memref<1x10240xi32, #tpu.memory_space<hbm>>
        %dma_start3A_24 = tpu.memref_squeeze %dma_start3A_23 : memref<1x10240xi32, #tpu.memory_space<hbm>> -> memref<10240xi32, #tpu.memory_space<hbm>>
        tpu.enqueue_dma source(%dma_start3A_24 : memref<10240xi32, #tpu.memory_space<hbm>>) target(%arg9 : memref<10240xi32, #tpu.memory_space<vmem>>) target_semaphore(%run_scoped3A : memref<!tpu.dma_semaphore, #tpu.memory_space<semaphore_mem>>)
        %dma_wait3A = arith.constant 0 : i32
        %dma_wait3A_25 = tpu.memref_slice %arg5[%arg1, %dma_wait3A] : memref<16x10240xi32, #tpu.memory_space<hbm>> -> memref<1x10240xi32, #tpu.memory_space<hbm>>
        %dma_wait3A_26 = tpu.memref_squeeze %dma_wait3A_25 : memref<1x10240xi32, #tpu.memory_space<hbm>> -> memref<10240xi32, #tpu.memory_space<hbm>>
        %dma_wait3A_27 = arith.constant 0 : i32
        %dma_wait3A_28 = tpu.memref_slice %arg5[%arg1, %dma_wait3A_27] : memref<16x10240xi32, #tpu.memory_space<hbm>> -> memref<1x10240xi32, #tpu.memory_space<hbm>>
        %dma_wait3A_29 = tpu.memref_squeeze %dma_wait3A_28 : memref<1x10240xi32, #tpu.memory_space<hbm>> -> memref<10240xi32, #tpu.memory_space<hbm>>
        tpu.wait_dma2 semaphore(%run_scoped3A : memref<!tpu.dma_semaphore, #tpu.memory_space<semaphore_mem>>) src(%dma_wait3A_29 : memref<10240xi32, #tpu.memory_space<hbm>>) dst(%arg9 : memref<10240xi32, #tpu.memory_space<vmem>>)
        tpu.yield
      }) : () -> ()
      %scan3A = arith.constant 0 : i32
      %scan3A_10 = arith.constant 0 : i32
      %scan3A_11 = arith.constant 2 : i32
      %scan3A_12 = arith.addi %scan3A_10, %scan3A_11 : i32
      %scan3A_13 = arith.constant 1 : i32
      scf.for %scan3A_20 = %scan3A_10 to %scan3A_12 step %scan3A_13  : i32 {
        %mul3A_21 = arith.constant 5120 : i32
        %mul3A_22 = arith.muli %scan3A_20, %mul3A_21 : i32
        "tpu.region"() ({
          %run_scoped3A = tpu.sem_alloc : memref<!tpu.dma_semaphore, #tpu.memory_space<semaphore_mem>>
          %dma_start3A = tpu.memref_slice %arg4[%arg1, %mul3A_22] : memref<16x10240xi32, #tpu.memory_space<hbm>> -> memref<1x5120xi32, #tpu.memory_space<hbm>>
          %dma_start3A_29 = tpu.memref_squeeze %dma_start3A : memref<1x5120xi32, #tpu.memory_space<hbm>> -> memref<5120xi32, #tpu.memory_space<hbm>>
          %dma_start3A_30 = tpu.memref_slice %arg4[%arg1, %mul3A_22] : memref<16x10240xi32, #tpu.memory_space<hbm>> -> memref<1x5120xi32, #tpu.memory_space<hbm>>
          %dma_start3A_31 = tpu.memref_squeeze %dma_start3A_30 : memref<1x5120xi32, #tpu.memory_space<hbm>> -> memref<5120xi32, #tpu.memory_space<hbm>>
          tpu.enqueue_dma source(%dma_start3A_31 : memref<5120xi32, #tpu.memory_space<hbm>>) target(%arg8 : memref<5120xi32, #tpu.memory_space<vmem>>) target_semaphore(%run_scoped3A : memref<!tpu.dma_semaphore, #tpu.memory_space<semaphore_mem>>)
          %dma_wait3A = tpu.memref_slice %arg4[%arg1, %mul3A_22] : memref<16x10240xi32, #tpu.memory_space<hbm>> -> memref<1x5120xi32, #tpu.memory_space<hbm>>
          %dma_wait3A_32 = tpu.memref_squeeze %dma_wait3A : memref<1x5120xi32, #tpu.memory_space<hbm>> -> memref<5120xi32, #tpu.memory_space<hbm>>
          %dma_wait3A_33 = tpu.memref_slice %arg4[%arg1, %mul3A_22] : memref<16x10240xi32, #tpu.memory_space<hbm>> -> memref<1x5120xi32, #tpu.memory_space<hbm>>
          %dma_wait3A_34 = tpu.memref_squeeze %dma_wait3A_33 : memref<1x5120xi32, #tpu.memory_space<hbm>> -> memref<5120xi32, #tpu.memory_space<hbm>>
          tpu.wait_dma2 semaphore(%run_scoped3A : memref<!tpu.dma_semaphore, #tpu.memory_space<semaphore_mem>>) src(%dma_wait3A_34 : memref<5120xi32, #tpu.memory_space<hbm>>) dst(%arg8 : memref<5120xi32, #tpu.memory_space<vmem>>)
          tpu.yield
        }) : () -> ()
        %scan3A_23 = arith.constant 0 : i32
        %scan3A_24 = arith.constant 0 : i32
        %scan3A_25 = arith.constant 20 : i32
        %scan3A_26 = arith.addi %scan3A_24, %scan3A_25 : i32
        %scan3A_27 = arith.constant 1 : i32
        scf.for %scan3A_29 = %scan3A_24 to %scan3A_26 step %scan3A_27  : i32 {
          %mul3A_30 = arith.constant 256 : i32
          %mul3A_31 = arith.muli %scan3A_29, %mul3A_30 : i32
          %dma_start3A = tpu.memref_slice %arg8[%mul3A_31] : memref<5120xi32, #tpu.memory_space<vmem>> -> memref<256xi32, #tpu.memory_space<vmem>>
          %dma_start3A_32 = arith.constant 0 : i32
          %dma_start3A_33 = arith.constant 0 : i32
          %dma_start3A_34 = tpu.memref_slice %arg3[%dma_start3A_32, %dma_start3A_33] : memref<10240x128xf32, #tpu.memory_space<hbm>> -> memref<10240x128xf32, #tpu.memory_space<hbm>>
          tpu.enqueue_indirect_dma source(%dma_start3A_34 : memref<10240x128xf32, #tpu.memory_space<hbm>>) target(%arg10 : memref<256x128xf32, #tpu.memory_space<vmem>>) offsets(%dma_start3A : memref<256xi32, #tpu.memory_space<vmem>>) semaphore(%arg12 : memref<!tpu.dma_semaphore, #tpu.memory_space<semaphore_mem>>)
          %dma_wait3A = tpu.memref_slice %arg8[%mul3A_31] : memref<5120xi32, #tpu.memory_space<vmem>> -> memref<256xi32, #tpu.memory_space<vmem>>
          %dma_wait3A_35 = arith.constant 0 : i32
          %dma_wait3A_36 = arith.constant 0 : i32
          %dma_wait3A_37 = tpu.memref_slice %arg3[%dma_wait3A_35, %dma_wait3A_36] : memref<10240x128xf32, #tpu.memory_space<hbm>> -> memref<10240x128xf32, #tpu.memory_space<hbm>>
          tpu.wait_indirect_dma semaphore(%arg12 : memref<!tpu.dma_semaphore, #tpu.memory_space<semaphore_mem>>) src(%dma_wait3A_37 : memref<10240x128xf32, #tpu.memory_space<hbm>>) dst(%arg10 : memref<256x128xf32, #tpu.memory_space<vmem>>)
          %mul3A_38 = arith.constant 20 : i32
          %mul3A_39 = arith.muli %scan3A_20, %mul3A_38 : i32
          %add3A = arith.addi %mul3A_39, %scan3A_29 : i32
          %mul3A_40 = arith.constant 256 : i32
          %mul3A_41 = arith.muli %add3A, %mul3A_40 : i32
          "tpu.region"() ({
            %run_scoped3A = tpu.sem_alloc : memref<!tpu.dma_semaphore, #tpu.memory_space<semaphore_mem>>
            %dma_start3A_42 = tpu.memref_slice %arg9[%mul3A_41] : memref<10240xi32, #tpu.memory_space<vmem>> -> memref<256xi32, #tpu.memory_space<vmem>>
            %dma_start3A_43 = arith.constant 0 : i32
            %dma_start3A_44 = arith.constant 0 : i32
            %dma_start3A_45 = tpu.memref_slice %arg11[%dma_start3A_43, %dma_start3A_44] : memref<10240x128xf32, #tpu.memory_space<vmem_shared>> -> memref<10240x128xf32, #tpu.memory_space<vmem_shared>>
            tpu.enqueue_indirect_dma source(%arg10 : memref<256x128xf32, #tpu.memory_space<vmem>>) target(%dma_start3A_45 : memref<10240x128xf32, #tpu.memory_space<vmem_shared>>) offsets(%dma_start3A_42 : memref<256xi32, #tpu.memory_space<vmem>>) semaphore(%run_scoped3A : memref<!tpu.dma_semaphore, #tpu.memory_space<semaphore_mem>>) {add = true}
            %dma_wait3A_46 = tpu.memref_slice %arg9[%mul3A_41] : memref<10240xi32, #tpu.memory_space<vmem>> -> memref<256xi32, #tpu.memory_space<vmem>>
            %dma_wait3A_47 = arith.constant 0 : i32
            %dma_wait3A_48 = arith.constant 0 : i32
            %dma_wait3A_49 = tpu.memref_slice %arg11[%dma_wait3A_47, %dma_wait3A_48] : memref<10240x128xf32, #tpu.memory_space<vmem_shared>> -> memref<10240x128xf32, #tpu.memory_space<vmem_shared>>
            tpu.wait_indirect_dma semaphore(%run_scoped3A : memref<!tpu.dma_semaphore, #tpu.memory_space<semaphore_mem>>) src(%arg10 : memref<256x128xf32, #tpu.memory_space<vmem>>) dst(%dma_wait3A_49 : memref<10240x128xf32, #tpu.memory_space<vmem_shared>>)
            tpu.yield
          }) : () -> ()
        }
        %scan3A_28 = arith.constant 20 : i32
      }
      %scan3A_14 = arith.constant 2 : i32
      %barrier3A_15 = arith.constant 0 : index
      tpu.barrier barrier_id(%barrier3A_15)
      %mul3A_16 = arith.constant 640 : i32
      %mul3A_17 = arith.muli %arg1, %mul3A_16 : i32
      %mul3A_18 = arith.constant 640 : i32
      %mul3A_19 = arith.muli %arg1, %mul3A_18 : i32
      "tpu.region"() ({
        %run_scoped3A = tpu.sem_alloc : memref<!tpu.dma_semaphore, #tpu.memory_space<semaphore_mem>>
        %dma_start3A = arith.constant 0 : i32
        %dma_start3A_20 = tpu.memref_slice %arg7[%mul3A_19, %dma_start3A] : memref<10240x128xf32, #tpu.memory_space<hbm>> -> memref<640x128xf32, #tpu.memory_space<hbm>>
        %dma_start3A_21 = arith.constant 0 : i32
        %dma_start3A_22 = tpu.memref_slice %arg11[%mul3A_17, %dma_start3A_21] : memref<10240x128xf32, #tpu.memory_space<vmem_shared>> -> memref<640x128xf32, #tpu.memory_space<vmem_shared>>
        tpu.enqueue_dma source(%dma_start3A_22 : memref<640x128xf32, #tpu.memory_space<vmem_shared>>) target(%dma_start3A_20 : memref<640x128xf32, #tpu.memory_space<hbm>>) target_semaphore(%run_scoped3A : memref<!tpu.dma_semaphore, #tpu.memory_space<semaphore_mem>>)
        %dma_wait3A = arith.constant 0 : i32
        %dma_wait3A_23 = tpu.memref_slice %arg7[%mul3A_19, %dma_wait3A] : memref<10240x128xf32, #tpu.memory_space<hbm>> -> memref<640x128xf32, #tpu.memory_space<hbm>>
        %dma_wait3A_24 = arith.constant 0 : i32
        %dma_wait3A_25 = tpu.memref_slice %arg11[%mul3A_17, %dma_wait3A_24] : memref<10240x128xf32, #tpu.memory_space<vmem_shared>> -> memref<640x128xf32, #tpu.memory_space<vmem_shared>>
        tpu.wait_dma2 semaphore(%run_scoped3A : memref<!tpu.dma_semaphore, #tpu.memory_space<semaphore_mem>>) src(%dma_wait3A_25 : memref<640x128xf32, #tpu.memory_space<vmem_shared>>) dst(%dma_wait3A_23 : memref<640x128xf32, #tpu.memory_space<hbm>>)
        tpu.yield
      }) : () -> ()
    } else {
    }
    return
  }
}

#map = affine_map<(d0, d1) -> (0, 0)>
module attributes {stable_mosaic.version = 14 : i64} {
  func.func @_scatter_body(%arg0: i32, %arg1: i32, %arg2: memref<10240x128xf32, #tpu.memory_space<hbm>>, %arg3: memref<10240x128xf32, #tpu.memory_space<hbm>>, %arg4: memref<16x10240xi32, #tpu.memory_space<hbm>>, %arg5: memref<16x10240xi32, #tpu.memory_space<hbm>>, %arg6: memref<10240x128xf32, #tpu.memory_space<hbm>>, %arg7: memref<10240x128xf32, #tpu.memory_space<hbm>>, %arg8: memref<5120xi32, #tpu.memory_space<vmem>>, %arg9: memref<10240xi32, #tpu.memory_space<vmem>>, %arg10: memref<256x128xf32, #tpu.memory_space<vmem>>, %arg11: memref<10240x128xf32, #tpu.memory_space<vmem_shared>>, %arg12: memref<!tpu.dma_semaphore, #tpu.memory_space<semaphore_mem>>) attributes {dimension_semantics = [#tpu.dimension_semantics<core_parallel>, #tpu.dimension_semantics<subcore_parallel>], iteration_bounds = array<i64: 2, 16>, scalar_prefetch = 0 : i64, scratch_operands = 5 : i64, tpu.core_type = #tpu.core_type<sc_vector_subcore>, window_params = [{transform_indices = #map}, {transform_indices = #map}, {transform_indices = #map}, {transform_indices = #map}, {transform_indices = #map}, {transform_indices = #map}]} {
    %eq3A = arith.constant 0 : i32
    %eq3A_0 = arith.cmpi eq, %arg0, %eq3A : i32
    %convert_element_type3A = arith.extui %eq3A_0 : i1 to i32
    %cond3A = arith.constant 0 : i32
    %cond3A_1 = arith.cmpi ne, %convert_element_type3A, %cond3A : i32
    scf.if %cond3A_1 {
      %mul3A = arith.constant 640 : i32
      %mul3A_7 = arith.muli %arg1, %mul3A : i32
      %mul3A_8 = arith.constant 640 : i32
      %mul3A_9 = arith.muli %arg1, %mul3A_8 : i32
      "tpu.region"() ({
        %run_scoped3A = tpu.sem_alloc : memref<!tpu.dma_semaphore, #tpu.memory_space<semaphore_mem>>
        %dma_start3A = arith.constant 0 : i32
        %dma_start3A_20 = tpu.memref_slice %arg11[%mul3A_9, %dma_start3A] : memref<10240x128xf32, #tpu.memory_space<vmem_shared>> -> memref<640x128xf32, #tpu.memory_space<vmem_shared>>
        %dma_start3A_21 = arith.constant 0 : i32
        %dma_start3A_22 = tpu.memref_slice %arg2[%mul3A_7, %dma_start3A_21] : memref<10240x128xf32, #tpu.memory_space<hbm>> -> memref<640x128xf32, #tpu.memory_space<hbm>>
        tpu.enqueue_dma source(%dma_start3A_22 : memref<640x128xf32, #tpu.memory_space<hbm>>) target(%dma_start3A_20 : memref<640x128xf32, #tpu.memory_space<vmem_shared>>) target_semaphore(%run_scoped3A : memref<!tpu.dma_semaphore, #tpu.memory_space<semaphore_mem>>)
        %dma_wait3A = arith.constant 0 : i32
        %dma_wait3A_23 = tpu.memref_slice %arg11[%mul3A_9, %dma_wait3A] : memref<10240x128xf32, #tpu.memory_space<vmem_shared>> -> memref<640x128xf32, #tpu.memory_space<vmem_shared>>
        %dma_wait3A_24 = arith.constant 0 : i32
        %dma_wait3A_25 = tpu.memref_slice %arg2[%mul3A_7, %dma_wait3A_24] : memref<10240x128xf32, #tpu.memory_space<hbm>> -> memref<640x128xf32, #tpu.memory_space<hbm>>
        tpu.wait_dma2 semaphore(%run_scoped3A : memref<!tpu.dma_semaphore, #tpu.memory_space<semaphore_mem>>) src(%dma_wait3A_25 : memref<640x128xf32, #tpu.memory_space<hbm>>) dst(%dma_wait3A_23 : memref<640x128xf32, #tpu.memory_space<vmem_shared>>)
        tpu.yield
      }) : () -> ()
      %barrier3A = arith.constant 0 : index
      tpu.barrier barrier_id(%barrier3A)
      "tpu.region"() ({
        %run_scoped3A = tpu.sem_alloc : memref<!tpu.dma_semaphore, #tpu.memory_space<semaphore_mem>>
        %dma_start3A = arith.constant 0 : i32
        %dma_start3A_20 = tpu.memref_slice %arg5[%arg1, %dma_start3A] : memref<16x10240xi32, #tpu.memory_space<hbm>> -> memref<1x10240xi32, #tpu.memory_space<hbm>>
        %dma_start3A_21 = tpu.memref_squeeze %dma_start3A_20 : memref<1x10240xi32, #tpu.memory_space<hbm>> -> memref<10240xi32, #tpu.memory_space<hbm>>
        %dma_start3A_22 = arith.constant 0 : i32
        %dma_start3A_23 = tpu.memref_slice %arg5[%arg1, %dma_start3A_22] : memref<16x10240xi32, #tpu.memory_space<hbm>> -> memref<1x10240xi32, #tpu.memory_space<hbm>>
        %dma_start3A_24 = tpu.memref_squeeze %dma_start3A_23 : memref<1x10240xi32, #tpu.memory_space<hbm>> -> memref<10240xi32, #tpu.memory_space<hbm>>
        tpu.enqueue_dma source(%dma_start3A_24 : memref<10240xi32, #tpu.memory_space<hbm>>) target(%arg9 : memref<10240xi32, #tpu.memory_space<vmem>>) target_semaphore(%run_scoped3A : memref<!tpu.dma_semaphore, #tpu.memory_space<semaphore_mem>>)
        %dma_wait3A = arith.constant 0 : i32
        %dma_wait3A_25 = tpu.memref_slice %arg5[%arg1, %dma_wait3A] : memref<16x10240xi32, #tpu.memory_space<hbm>> -> memref<1x10240xi32, #tpu.memory_space<hbm>>
        %dma_wait3A_26 = tpu.memref_squeeze %dma_wait3A_25 : memref<1x10240xi32, #tpu.memory_space<hbm>> -> memref<10240xi32, #tpu.memory_space<hbm>>
        %dma_wait3A_27 = arith.constant 0 : i32
        %dma_wait3A_28 = tpu.memref_slice %arg5[%arg1, %dma_wait3A_27] : memref<16x10240xi32, #tpu.memory_space<hbm>> -> memref<1x10240xi32, #tpu.memory_space<hbm>>
        %dma_wait3A_29 = tpu.memref_squeeze %dma_wait3A_28 : memref<1x10240xi32, #tpu.memory_space<hbm>> -> memref<10240xi32, #tpu.memory_space<hbm>>
        tpu.wait_dma2 semaphore(%run_scoped3A : memref<!tpu.dma_semaphore, #tpu.memory_space<semaphore_mem>>) src(%dma_wait3A_29 : memref<10240xi32, #tpu.memory_space<hbm>>) dst(%arg9 : memref<10240xi32, #tpu.memory_space<vmem>>)
        tpu.yield
      }) : () -> ()
      %scan3A = arith.constant 0 : i32
      %scan3A_10 = arith.constant 0 : i32
      %scan3A_11 = arith.constant 2 : i32
      %scan3A_12 = arith.addi %scan3A_10, %scan3A_11 : i32
      %scan3A_13 = arith.constant 1 : i32
      scf.for %scan3A_20 = %scan3A_10 to %scan3A_12 step %scan3A_13  : i32 {
        %mul3A_21 = arith.constant 5120 : i32
        %mul3A_22 = arith.muli %scan3A_20, %mul3A_21 : i32
        "tpu.region"() ({
          %run_scoped3A = tpu.sem_alloc : memref<!tpu.dma_semaphore, #tpu.memory_space<semaphore_mem>>
          %dma_start3A = tpu.memref_slice %arg4[%arg1, %mul3A_22] : memref<16x10240xi32, #tpu.memory_space<hbm>> -> memref<1x5120xi32, #tpu.memory_space<hbm>>
          %dma_start3A_29 = tpu.memref_squeeze %dma_start3A : memref<1x5120xi32, #tpu.memory_space<hbm>> -> memref<5120xi32, #tpu.memory_space<hbm>>
          %dma_start3A_30 = tpu.memref_slice %arg4[%arg1, %mul3A_22] : memref<16x10240xi32, #tpu.memory_space<hbm>> -> memref<1x5120xi32, #tpu.memory_space<hbm>>
          %dma_start3A_31 = tpu.memref_squeeze %dma_start3A_30 : memref<1x5120xi32, #tpu.memory_space<hbm>> -> memref<5120xi32, #tpu.memory_space<hbm>>
          tpu.enqueue_dma source(%dma_start3A_31 : memref<5120xi32, #tpu.memory_space<hbm>>) target(%arg8 : memref<5120xi32, #tpu.memory_space<vmem>>) target_semaphore(%run_scoped3A : memref<!tpu.dma_semaphore, #tpu.memory_space<semaphore_mem>>)
          %dma_wait3A = tpu.memref_slice %arg4[%arg1, %mul3A_22] : memref<16x10240xi32, #tpu.memory_space<hbm>> -> memref<1x5120xi32, #tpu.memory_space<hbm>>
          %dma_wait3A_32 = tpu.memref_squeeze %dma_wait3A : memref<1x5120xi32, #tpu.memory_space<hbm>> -> memref<5120xi32, #tpu.memory_space<hbm>>
          %dma_wait3A_33 = tpu.memref_slice %arg4[%arg1, %mul3A_22] : memref<16x10240xi32, #tpu.memory_space<hbm>> -> memref<1x5120xi32, #tpu.memory_space<hbm>>
          %dma_wait3A_34 = tpu.memref_squeeze %dma_wait3A_33 : memref<1x5120xi32, #tpu.memory_space<hbm>> -> memref<5120xi32, #tpu.memory_space<hbm>>
          tpu.wait_dma2 semaphore(%run_scoped3A : memref<!tpu.dma_semaphore, #tpu.memory_space<semaphore_mem>>) src(%dma_wait3A_34 : memref<5120xi32, #tpu.memory_space<hbm>>) dst(%arg8 : memref<5120xi32, #tpu.memory_space<vmem>>)
          tpu.yield
        }) : () -> ()
        %scan3A_23 = arith.constant 0 : i32
        %scan3A_24 = arith.constant 0 : i32
        %scan3A_25 = arith.constant 20 : i32
        %scan3A_26 = arith.addi %scan3A_24, %scan3A_25 : i32
        %scan3A_27 = arith.constant 1 : i32
        scf.for %scan3A_29 = %scan3A_24 to %scan3A_26 step %scan3A_27  : i32 {
          %mul3A_30 = arith.constant 256 : i32
          %mul3A_31 = arith.muli %scan3A_29, %mul3A_30 : i32
          %dma_start3A = tpu.memref_slice %arg8[%mul3A_31] : memref<5120xi32, #tpu.memory_space<vmem>> -> memref<256xi32, #tpu.memory_space<vmem>>
          %dma_start3A_32 = arith.constant 0 : i32
          %dma_start3A_33 = arith.constant 0 : i32
          %dma_start3A_34 = tpu.memref_slice %arg2[%dma_start3A_32, %dma_start3A_33] : memref<10240x128xf32, #tpu.memory_space<hbm>> -> memref<10240x128xf32, #tpu.memory_space<hbm>>
          tpu.enqueue_indirect_dma source(%dma_start3A_34 : memref<10240x128xf32, #tpu.memory_space<hbm>>) target(%arg10 : memref<256x128xf32, #tpu.memory_space<vmem>>) offsets(%dma_start3A : memref<256xi32, #tpu.memory_space<vmem>>) semaphore(%arg12 : memref<!tpu.dma_semaphore, #tpu.memory_space<semaphore_mem>>)
          %dma_wait3A = tpu.memref_slice %arg8[%mul3A_31] : memref<5120xi32, #tpu.memory_space<vmem>> -> memref<256xi32, #tpu.memory_space<vmem>>
          %dma_wait3A_35 = arith.constant 0 : i32
          %dma_wait3A_36 = arith.constant 0 : i32
          %dma_wait3A_37 = tpu.memref_slice %arg2[%dma_wait3A_35, %dma_wait3A_36] : memref<10240x128xf32, #tpu.memory_space<hbm>> -> memref<10240x128xf32, #tpu.memory_space<hbm>>
          tpu.wait_indirect_dma semaphore(%arg12 : memref<!tpu.dma_semaphore, #tpu.memory_space<semaphore_mem>>) src(%dma_wait3A_37 : memref<10240x128xf32, #tpu.memory_space<hbm>>) dst(%arg10 : memref<256x128xf32, #tpu.memory_space<vmem>>)
          %mul3A_38 = arith.constant 20 : i32
          %mul3A_39 = arith.muli %scan3A_20, %mul3A_38 : i32
          %add3A = arith.addi %mul3A_39, %scan3A_29 : i32
          %mul3A_40 = arith.constant 256 : i32
          %mul3A_41 = arith.muli %add3A, %mul3A_40 : i32
          "tpu.region"() ({
            %run_scoped3A = tpu.sem_alloc : memref<!tpu.dma_semaphore, #tpu.memory_space<semaphore_mem>>
            %dma_start3A_42 = tpu.memref_slice %arg9[%mul3A_41] : memref<10240xi32, #tpu.memory_space<vmem>> -> memref<256xi32, #tpu.memory_space<vmem>>
            %dma_start3A_43 = arith.constant 0 : i32
            %dma_start3A_44 = arith.constant 0 : i32
            %dma_start3A_45 = tpu.memref_slice %arg11[%dma_start3A_43, %dma_start3A_44] : memref<10240x128xf32, #tpu.memory_space<vmem_shared>> -> memref<10240x128xf32, #tpu.memory_space<vmem_shared>>
            tpu.enqueue_indirect_dma source(%arg10 : memref<256x128xf32, #tpu.memory_space<vmem>>) target(%dma_start3A_45 : memref<10240x128xf32, #tpu.memory_space<vmem_shared>>) offsets(%dma_start3A_42 : memref<256xi32, #tpu.memory_space<vmem>>) semaphore(%run_scoped3A : memref<!tpu.dma_semaphore, #tpu.memory_space<semaphore_mem>>) {add = true}
            %dma_wait3A_46 = tpu.memref_slice %arg9[%mul3A_41] : memref<10240xi32, #tpu.memory_space<vmem>> -> memref<256xi32, #tpu.memory_space<vmem>>
            %dma_wait3A_47 = arith.constant 0 : i32
            %dma_wait3A_48 = arith.constant 0 : i32
            %dma_wait3A_49 = tpu.memref_slice %arg11[%dma_wait3A_47, %dma_wait3A_48] : memref<10240x128xf32, #tpu.memory_space<vmem_shared>> -> memref<10240x128xf32, #tpu.memory_space<vmem_shared>>
            tpu.wait_indirect_dma semaphore(%run_scoped3A : memref<!tpu.dma_semaphore, #tpu.memory_space<semaphore_mem>>) src(%arg10 : memref<256x128xf32, #tpu.memory_space<vmem>>) dst(%dma_wait3A_49 : memref<10240x128xf32, #tpu.memory_space<vmem_shared>>)
            tpu.yield
          }) : () -> ()
        }
        %scan3A_28 = arith.constant 20 : i32
      }
      %scan3A_14 = arith.constant 2 : i32
      %barrier3A_15 = arith.constant 0 : index
      tpu.barrier barrier_id(%barrier3A_15)
      %mul3A_16 = arith.constant 640 : i32
      %mul3A_17 = arith.muli %arg1, %mul3A_16 : i32
      %mul3A_18 = arith.constant 640 : i32
      %mul3A_19 = arith.muli %arg1, %mul3A_18 : i32
      "tpu.region"() ({
        %run_scoped3A = tpu.sem_alloc : memref<!tpu.dma_semaphore, #tpu.memory_space<semaphore_mem>>
        %dma_start3A = arith.constant 0 : i32
        %dma_start3A_20 = tpu.memref_slice %arg6[%mul3A_19, %dma_start3A] : memref<10240x128xf32, #tpu.memory_space<hbm>> -> memref<640x128xf32, #tpu.memory_space<hbm>>
        %dma_start3A_21 = arith.constant 0 : i32
        %dma_start3A_22 = tpu.memref_slice %arg11[%mul3A_17, %dma_start3A_21] : memref<10240x128xf32, #tpu.memory_space<vmem_shared>> -> memref<640x128xf32, #tpu.memory_space<vmem_shared>>
        tpu.enqueue_dma source(%dma_start3A_22 : memref<640x128xf32, #tpu.memory_space<vmem_shared>>) target(%dma_start3A_20 : memref<640x128xf32, #tpu.memory_space<hbm>>) target_semaphore(%run_scoped3A : memref<!tpu.dma_semaphore, #tpu.memory_space<semaphore_mem>>)
        %dma_wait3A = arith.constant 0 : i32
        %dma_wait3A_23 = tpu.memref_slice %arg6[%mul3A_19, %dma_wait3A] : memref<10240x128xf32, #tpu.memory_space<hbm>> -> memref<640x128xf32, #tpu.memory_space<hbm>>
        %dma_wait3A_24 = arith.constant 0 : i32
        %dma_wait3A_25 = tpu.memref_slice %arg11[%mul3A_17, %dma_wait3A_24] : memref<10240x128xf32, #tpu.memory_space<vmem_shared>> -> memref<640x128xf32, #tpu.memory_space<vmem_shared>>
        tpu.wait_dma2 semaphore(%run_scoped3A : memref<!tpu.dma_semaphore, #tpu.memory_space<semaphore_mem>>) src(%dma_wait3A_25 : memref<640x128xf32, #tpu.memory_space<vmem_shared>>) dst(%dma_wait3A_23 : memref<640x128xf32, #tpu.memory_space<hbm>>)
        tpu.yield
      }) : () -> ()
    } else {
    }
    %eq3A_2 = arith.constant 1 : i32
    %eq3A_3 = arith.cmpi eq, %arg0, %eq3A_2 : i32
    %convert_element_type3A_4 = arith.extui %eq3A_3 : i1 to i32
    %cond3A_5 = arith.constant 0 : i32
    %cond3A_6 = arith.cmpi ne, %convert_element_type3A_4, %cond3A_5 : i32
    scf.if %cond3A_6 {
      %mul3A = arith.constant 640 : i32
      %mul3A_7 = arith.muli %arg1, %mul3A : i32
      %mul3A_8 = arith.constant 640 : i32
      %mul3A_9 = arith.muli %arg1, %mul3A_8 : i32
      "tpu.region"() ({
        %run_scoped3A = tpu.sem_alloc : memref<!tpu.dma_semaphore, #tpu.memory_space<semaphore_mem>>
        %dma_start3A = arith.constant 0 : i32
        %dma_start3A_20 = tpu.memref_slice %arg11[%mul3A_9, %dma_start3A] : memref<10240x128xf32, #tpu.memory_space<vmem_shared>> -> memref<640x128xf32, #tpu.memory_space<vmem_shared>>
        %dma_start3A_21 = arith.constant 0 : i32
        %dma_start3A_22 = tpu.memref_slice %arg3[%mul3A_7, %dma_start3A_21] : memref<10240x128xf32, #tpu.memory_space<hbm>> -> memref<640x128xf32, #tpu.memory_space<hbm>>
        tpu.enqueue_dma source(%dma_start3A_22 : memref<640x128xf32, #tpu.memory_space<hbm>>) target(%dma_start3A_20 : memref<640x128xf32, #tpu.memory_space<vmem_shared>>) target_semaphore(%run_scoped3A : memref<!tpu.dma_semaphore, #tpu.memory_space<semaphore_mem>>)
        %dma_wait3A = arith.constant 0 : i32
        %dma_wait3A_23 = tpu.memref_slice %arg11[%mul3A_9, %dma_wait3A] : memref<10240x128xf32, #tpu.memory_space<vmem_shared>> -> memref<640x128xf32, #tpu.memory_space<vmem_shared>>
        %dma_wait3A_24 = arith.constant 0 : i32
        %dma_wait3A_25 = tpu.memref_slice %arg3[%mul3A_7, %dma_wait3A_24] : memref<10240x128xf32, #tpu.memory_space<hbm>> -> memref<640x128xf32, #tpu.memory_space<hbm>>
        tpu.wait_dma2 semaphore(%run_scoped3A : memref<!tpu.dma_semaphore, #tpu.memory_space<semaphore_mem>>) src(%dma_wait3A_25 : memref<640x128xf32, #tpu.memory_space<hbm>>) dst(%dma_wait3A_23 : memref<640x128xf32, #tpu.memory_space<vmem_shared>>)
        tpu.yield
      }) : () -> ()
      %barrier3A = arith.constant 0 : index
      tpu.barrier barrier_id(%barrier3A)
      "tpu.region"() ({
        %run_scoped3A = tpu.sem_alloc : memref<!tpu.dma_semaphore, #tpu.memory_space<semaphore_mem>>
        %dma_start3A = arith.constant 0 : i32
        %dma_start3A_20 = tpu.memref_slice %arg5[%arg1, %dma_start3A] : memref<16x10240xi32, #tpu.memory_space<hbm>> -> memref<1x10240xi32, #tpu.memory_space<hbm>>
        %dma_start3A_21 = tpu.memref_squeeze %dma_start3A_20 : memref<1x10240xi32, #tpu.memory_space<hbm>> -> memref<10240xi32, #tpu.memory_space<hbm>>
        %dma_start3A_22 = arith.constant 0 : i32
        %dma_start3A_23 = tpu.memref_slice %arg5[%arg1, %dma_start3A_22] : memref<16x10240xi32, #tpu.memory_space<hbm>> -> memref<1x10240xi32, #tpu.memory_space<hbm>>
        %dma_start3A_24 = tpu.memref_squeeze %dma_start3A_23 : memref<1x10240xi32, #tpu.memory_space<hbm>> -> memref<10240xi32, #tpu.memory_space<hbm>>
        tpu.enqueue_dma source(%dma_start3A_24 : memref<10240xi32, #tpu.memory_space<hbm>>) target(%arg9 : memref<10240xi32, #tpu.memory_space<vmem>>) target_semaphore(%run_scoped3A : memref<!tpu.dma_semaphore, #tpu.memory_space<semaphore_mem>>)
        %dma_wait3A = arith.constant 0 : i32
        %dma_wait3A_25 = tpu.memref_slice %arg5[%arg1, %dma_wait3A] : memref<16x10240xi32, #tpu.memory_space<hbm>> -> memref<1x10240xi32, #tpu.memory_space<hbm>>
        %dma_wait3A_26 = tpu.memref_squeeze %dma_wait3A_25 : memref<1x10240xi32, #tpu.memory_space<hbm>> -> memref<10240xi32, #tpu.memory_space<hbm>>
        %dma_wait3A_27 = arith.constant 0 : i32
        %dma_wait3A_28 = tpu.memref_slice %arg5[%arg1, %dma_wait3A_27] : memref<16x10240xi32, #tpu.memory_space<hbm>> -> memref<1x10240xi32, #tpu.memory_space<hbm>>
        %dma_wait3A_29 = tpu.memref_squeeze %dma_wait3A_28 : memref<1x10240xi32, #tpu.memory_space<hbm>> -> memref<10240xi32, #tpu.memory_space<hbm>>
        tpu.wait_dma2 semaphore(%run_scoped3A : memref<!tpu.dma_semaphore, #tpu.memory_space<semaphore_mem>>) src(%dma_wait3A_29 : memref<10240xi32, #tpu.memory_space<hbm>>) dst(%arg9 : memref<10240xi32, #tpu.memory_space<vmem>>)
        tpu.yield
      }) : () -> ()
      %scan3A = arith.constant 0 : i32
      %scan3A_10 = arith.constant 0 : i32
      %scan3A_11 = arith.constant 2 : i32
      %scan3A_12 = arith.addi %scan3A_10, %scan3A_11 : i32
      %scan3A_13 = arith.constant 1 : i32
      scf.for %scan3A_20 = %scan3A_10 to %scan3A_12 step %scan3A_13  : i32 {
        %mul3A_21 = arith.constant 5120 : i32
        %mul3A_22 = arith.muli %scan3A_20, %mul3A_21 : i32
        "tpu.region"() ({
          %run_scoped3A = tpu.sem_alloc : memref<!tpu.dma_semaphore, #tpu.memory_space<semaphore_mem>>
          %dma_start3A = tpu.memref_slice %arg4[%arg1, %mul3A_22] : memref<16x10240xi32, #tpu.memory_space<hbm>> -> memref<1x5120xi32, #tpu.memory_space<hbm>>
          %dma_start3A_29 = tpu.memref_squeeze %dma_start3A : memref<1x5120xi32, #tpu.memory_space<hbm>> -> memref<5120xi32, #tpu.memory_space<hbm>>
          %dma_start3A_30 = tpu.memref_slice %arg4[%arg1, %mul3A_22] : memref<16x10240xi32, #tpu.memory_space<hbm>> -> memref<1x5120xi32, #tpu.memory_space<hbm>>
          %dma_start3A_31 = tpu.memref_squeeze %dma_start3A_30 : memref<1x5120xi32, #tpu.memory_space<hbm>> -> memref<5120xi32, #tpu.memory_space<hbm>>
          tpu.enqueue_dma source(%dma_start3A_31 : memref<5120xi32, #tpu.memory_space<hbm>>) target(%arg8 : memref<5120xi32, #tpu.memory_space<vmem>>) target_semaphore(%run_scoped3A : memref<!tpu.dma_semaphore, #tpu.memory_space<semaphore_mem>>)
          %dma_wait3A = tpu.memref_slice %arg4[%arg1, %mul3A_22] : memref<16x10240xi32, #tpu.memory_space<hbm>> -> memref<1x5120xi32, #tpu.memory_space<hbm>>
          %dma_wait3A_32 = tpu.memref_squeeze %dma_wait3A : memref<1x5120xi32, #tpu.memory_space<hbm>> -> memref<5120xi32, #tpu.memory_space<hbm>>
          %dma_wait3A_33 = tpu.memref_slice %arg4[%arg1, %mul3A_22] : memref<16x10240xi32, #tpu.memory_space<hbm>> -> memref<1x5120xi32, #tpu.memory_space<hbm>>
          %dma_wait3A_34 = tpu.memref_squeeze %dma_wait3A_33 : memref<1x5120xi32, #tpu.memory_space<hbm>> -> memref<5120xi32, #tpu.memory_space<hbm>>
          tpu.wait_dma2 semaphore(%run_scoped3A : memref<!tpu.dma_semaphore, #tpu.memory_space<semaphore_mem>>) src(%dma_wait3A_34 : memref<5120xi32, #tpu.memory_space<hbm>>) dst(%arg8 : memref<5120xi32, #tpu.memory_space<vmem>>)
          tpu.yield
        }) : () -> ()
        %scan3A_23 = arith.constant 0 : i32
        %scan3A_24 = arith.constant 0 : i32
        %scan3A_25 = arith.constant 20 : i32
        %scan3A_26 = arith.addi %scan3A_24, %scan3A_25 : i32
        %scan3A_27 = arith.constant 1 : i32
        scf.for %scan3A_29 = %scan3A_24 to %scan3A_26 step %scan3A_27  : i32 {
          %mul3A_30 = arith.constant 256 : i32
          %mul3A_31 = arith.muli %scan3A_29, %mul3A_30 : i32
          %dma_start3A = tpu.memref_slice %arg8[%mul3A_31] : memref<5120xi32, #tpu.memory_space<vmem>> -> memref<256xi32, #tpu.memory_space<vmem>>
          %dma_start3A_32 = arith.constant 0 : i32
          %dma_start3A_33 = arith.constant 0 : i32
          %dma_start3A_34 = tpu.memref_slice %arg3[%dma_start3A_32, %dma_start3A_33] : memref<10240x128xf32, #tpu.memory_space<hbm>> -> memref<10240x128xf32, #tpu.memory_space<hbm>>
          tpu.enqueue_indirect_dma source(%dma_start3A_34 : memref<10240x128xf32, #tpu.memory_space<hbm>>) target(%arg10 : memref<256x128xf32, #tpu.memory_space<vmem>>) offsets(%dma_start3A : memref<256xi32, #tpu.memory_space<vmem>>) semaphore(%arg12 : memref<!tpu.dma_semaphore, #tpu.memory_space<semaphore_mem>>)
          %dma_wait3A = tpu.memref_slice %arg8[%mul3A_31] : memref<5120xi32, #tpu.memory_space<vmem>> -> memref<256xi32, #tpu.memory_space<vmem>>
          %dma_wait3A_35 = arith.constant 0 : i32
          %dma_wait3A_36 = arith.constant 0 : i32
          %dma_wait3A_37 = tpu.memref_slice %arg3[%dma_wait3A_35, %dma_wait3A_36] : memref<10240x128xf32, #tpu.memory_space<hbm>> -> memref<10240x128xf32, #tpu.memory_space<hbm>>
          tpu.wait_indirect_dma semaphore(%arg12 : memref<!tpu.dma_semaphore, #tpu.memory_space<semaphore_mem>>) src(%dma_wait3A_37 : memref<10240x128xf32, #tpu.memory_space<hbm>>) dst(%arg10 : memref<256x128xf32, #tpu.memory_space<vmem>>)
          %mul3A_38 = arith.constant 20 : i32
          %mul3A_39 = arith.muli %scan3A_20, %mul3A_38 : i32
          %add3A = arith.addi %mul3A_39, %scan3A_29 : i32
          %mul3A_40 = arith.constant 256 : i32
          %mul3A_41 = arith.muli %add3A, %mul3A_40 : i32
          "tpu.region"() ({
            %run_scoped3A = tpu.sem_alloc : memref<!tpu.dma_semaphore, #tpu.memory_space<semaphore_mem>>
            %dma_start3A_42 = tpu.memref_slice %arg9[%mul3A_41] : memref<10240xi32, #tpu.memory_space<vmem>> -> memref<256xi32, #tpu.memory_space<vmem>>
            %dma_start3A_43 = arith.constant 0 : i32
            %dma_start3A_44 = arith.constant 0 : i32
            %dma_start3A_45 = tpu.memref_slice %arg11[%dma_start3A_43, %dma_start3A_44] : memref<10240x128xf32, #tpu.memory_space<vmem_shared>> -> memref<10240x128xf32, #tpu.memory_space<vmem_shared>>
            tpu.enqueue_indirect_dma source(%arg10 : memref<256x128xf32, #tpu.memory_space<vmem>>) target(%dma_start3A_45 : memref<10240x128xf32, #tpu.memory_space<vmem_shared>>) offsets(%dma_start3A_42 : memref<256xi32, #tpu.memory_space<vmem>>) semaphore(%run_scoped3A : memref<!tpu.dma_semaphore, #tpu.memory_space<semaphore_mem>>) {add = true}
            %dma_wait3A_46 = tpu.memref_slice %arg9[%mul3A_41] : memref<10240xi32, #tpu.memory_space<vmem>> -> memref<256xi32, #tpu.memory_space<vmem>>
            %dma_wait3A_47 = arith.constant 0 : i32
            %dma_wait3A_48 = arith.constant 0 : i32
            %dma_wait3A_49 = tpu.memref_slice %arg11[%dma_wait3A_47, %dma_wait3A_48] : memref<10240x128xf32, #tpu.memory_space<vmem_shared>> -> memref<10240x128xf32, #tpu.memory_space<vmem_shared>>
            tpu.wait_indirect_dma semaphore(%run_scoped3A : memref<!tpu.dma_semaphore, #tpu.memory_space<semaphore_mem>>) src(%arg10 : memref<256x128xf32, #tpu.memory_space<vmem>>) dst(%dma_wait3A_49 : memref<10240x128xf32, #tpu.memory_space<vmem_shared>>)
            tpu.yield
          }) : () -> ()
        }
        %scan3A_28 = arith.constant 20 : i32
      }
      %scan3A_14 = arith.constant 2 : i32
      %barrier3A_15 = arith.constant 0 : index
      tpu.barrier barrier_id(%barrier3A_15)
      %mul3A_16 = arith.constant 640 : i32
      %mul3A_17 = arith.muli %arg1, %mul3A_16 : i32
      %mul3A_18 = arith.constant 640 : i32
      %mul3A_19 = arith.muli %arg1, %mul3A_18 : i32
      "tpu.region"() ({
        %run_scoped3A = tpu.sem_alloc : memref<!tpu.dma_semaphore, #tpu.memory_space<semaphore_mem>>
        %dma_start3A = arith.constant 0 : i32
        %dma_start3A_20 = tpu.memref_slice %arg7[%mul3A_19, %dma_start3A] : memref<10240x128xf32, #tpu.memory_space<hbm>> -> memref<640x128xf32, #tpu.memory_space<hbm>>
        %dma_start3A_21 = arith.constant 0 : i32
        %dma_start3A_22 = tpu.memref_slice %arg11[%mul3A_17, %dma_start3A_21] : memref<10240x128xf32, #tpu.memory_space<vmem_shared>> -> memref<640x128xf32, #tpu.memory_space<vmem_shared>>
        tpu.enqueue_dma source(%dma_start3A_22 : memref<640x128xf32, #tpu.memory_space<vmem_shared>>) target(%dma_start3A_20 : memref<640x128xf32, #tpu.memory_space<hbm>>) target_semaphore(%run_scoped3A : memref<!tpu.dma_semaphore, #tpu.memory_space<semaphore_mem>>)
        %dma_wait3A = arith.constant 0 : i32
        %dma_wait3A_23 = tpu.memref_slice %arg7[%mul3A_19, %dma_wait3A] : memref<10240x128xf32, #tpu.memory_space<hbm>> -> memref<640x128xf32, #tpu.memory_space<hbm>>
        %dma_wait3A_24 = arith.constant 0 : i32
        %dma_wait3A_25 = tpu.memref_slice %arg11[%mul3A_17, %dma_wait3A_24] : memref<10240x128xf32, #tpu.memory_space<vmem_shared>> -> memref<640x128xf32, #tpu.memory_space<vmem_shared>>
        tpu.wait_dma2 semaphore(%run_scoped3A : memref<!tpu.dma_semaphore, #tpu.memory_space<semaphore_mem>>) src(%dma_wait3A_25 : memref<640x128xf32, #tpu.memory_space<vmem_shared>>) dst(%dma_wait3A_23 : memref<640x128xf32, #tpu.memory_space<hbm>>)
        tpu.yield
      }) : () -> ()
    } else {
    }
    return
  }
}

module attributes {stable_mosaic.version = 14 : i64} {
  func.func @_tc_first_body(%arg0: i32, %arg1: memref<1000x256xf32, #tpu.memory_space<vmem>>, %arg2: memref<256x256xf32, #tpu.memory_space<vmem>>, %arg3: memref<1000x128xf32, #tpu.memory_space<vmem>>, %arg4: memref<1000x128xf32, #tpu.memory_space<vmem>>, %arg5: memref<1000x128xf32, #tpu.memory_space<vmem>>, %arg6: memref<1000x128xf32, #tpu.memory_space<vmem>>) attributes {dimension_semantics = [#tpu.dimension_semantics<arbitrary>], iteration_bounds = array<i64: 10>, scalar_prefetch = 0 : i64, scratch_operands = 0 : i64, tpu.core_type = #tpu.core_type<tc>, window_params = [{transform_indices = @transform_0, window_bounds = array<i64: 1000, 256>}, {pipeline_mode = #tpu.pipeline_mode<synchronous>, transform_indices = @transform_1, window_bounds = array<i64: 256, 256>}, {transform_indices = @transform_2, window_bounds = array<i64: 1000, 128>}, {transform_indices = @transform_3, window_bounds = array<i64: 1000, 128>}, {transform_indices = @transform_4, window_bounds = array<i64: 1000, 128>}, {transform_indices = @transform_5, window_bounds = array<i64: 1000, 128>}]} {
    %get3A = arith.constant 0 : index
    %get3A_0 = arith.constant 0 : index
    %get3A_1 = vector.load %arg3[%get3A, %get3A_0] : memref<1000x128xf32, #tpu.memory_space<vmem>>, vector<1000x1xf32>
    %get3A_2 = arith.constant 0 : index
    %get3A_3 = arith.constant 0 : index
    %get3A_4 = vector.load %arg4[%get3A_2, %get3A_3] : memref<1000x128xf32, #tpu.memory_space<vmem>>, vector<1000x1xf32>
    %add3A = arith.addf %get3A_1, %get3A_4 : vector<1000x1xf32>
    %add3A_5 = arith.constant 1.000000e+00 : f32
    %add3A_6 = vector.broadcast %add3A_5 : f32 to vector<1000x1xf32>
    %add3A_7 = arith.addf %add3A, %add3A_6 : vector<1000x1xf32>
    %rsqrt3A = math.rsqrt %add3A_7 : vector<1000x1xf32>
    %get3A_8 = arith.constant 0 : index
    %get3A_9 = arith.constant 0 : index
    %get3A_10 = vector.load %arg1[%get3A_8, %get3A_9] : memref<1000x256xf32, #tpu.memory_space<vmem>>, vector<1000x256xf32>
    %get3A_11 = arith.constant 0 : index
    %get3A_12 = arith.constant 0 : index
    %get3A_13 = vector.load %arg2[%get3A_11, %get3A_12] : memref<256x256xf32, #tpu.memory_space<vmem>>, vector<256x256xf32>
    %dot_general3A = arith.constant dense<0.000000e+00> : vector<1000x256xf32>
    %dot_general3A_14 = tpu.matmul %get3A_10, %get3A_13, %dot_general3A {dimension_numbers = #tpu.dot_dimension_numbers<[1], [0], [0], [1], [0, 0, 1, 1], [], []>, transpose_lhs_hint = false} : vector<1000x256xf32>, vector<256x256xf32>, vector<1000x256xf32> -> vector<1000x256xf32>
    %mul3A = vector.broadcast %rsqrt3A : vector<1000x1xf32> to vector<1000x256xf32>
    %mul3A_15 = arith.mulf %dot_general3A_14, %mul3A : vector<1000x256xf32>
    %slice3A = vector.extract_strided_slice %mul3A_15 {offsets = [0, 0], sizes = [1000, 128], strides = [1, 1]} : vector<1000x256xf32> to vector<1000x128xf32>
    %swap3A = arith.constant 0 : index
    %swap3A_16 = arith.constant 0 : index
    %swap3A_17 = vector.load %arg5[%swap3A, %swap3A_16] : memref<1000x128xf32, #tpu.memory_space<vmem>>, vector<1000x128xf32>
    tpu.vector_store %arg5[%swap3A, %swap3A_16], %slice3A {strides = array<i32>} : memref<1000x128xf32, #tpu.memory_space<vmem>>, vector<1000x128xf32>,
    %slice3A_18 = vector.extract_strided_slice %mul3A_15 {offsets = [0, 128], sizes = [1000, 128], strides = [1, 1]} : vector<1000x256xf32> to vector<1000x128xf32>
    %swap3A_19 = arith.constant 0 : index
    %swap3A_20 = arith.constant 0 : index
    %swap3A_21 = vector.load %arg6[%swap3A_19, %swap3A_20] : memref<1000x128xf32, #tpu.memory_space<vmem>>, vector<1000x128xf32>
    tpu.vector_store %arg6[%swap3A_19, %swap3A_20], %slice3A_18 {strides = array<i32>} : memref<1000x128xf32, #tpu.memory_space<vmem>>, vector<1000x128xf32>,
    return
  }
  func.func @transform_0(%arg0: i32) -> (i32, i32) {
    %c0_i32 = arith.constant 0 : i32
    %c0_i32_0 = arith.constant 0 : i32
    return %arg0, %c0_i32 : i32, i32
  }
  func.func @transform_1(%arg0: i32) -> (i32, i32) {
    %c0_i32 = arith.constant 0 : i32
    %c0_i32_0 = arith.constant 0 : i32
    %c0_i32_1 = arith.constant 0 : i32
    return %c0_i32, %c0_i32_0 : i32, i32
  }
  func.func @transform_2(%arg0: i32) -> (i32, i32) {
    %c0_i32 = arith.constant 0 : i32
    %c0_i32_0 = arith.constant 0 : i32
    return %arg0, %c0_i32 : i32, i32
  }
  func.func @transform_3(%arg0: i32) -> (i32, i32) {
    %c0_i32 = arith.constant 0 : i32
    %c0_i32_0 = arith.constant 0 : i32
    return %arg0, %c0_i32 : i32, i32
  }
  func.func @transform_4(%arg0: i32) -> (i32, i32) {
    %c0_i32 = arith.constant 0 : i32
    %c0_i32_0 = arith.constant 0 : i32
    return %arg0, %c0_i32 : i32, i32
  }
  func.func @transform_5(%arg0: i32) -> (i32, i32) {
    %c0_i32 = arith.constant 0 : i32
    %c0_i32_0 = arith.constant 0 : i32
    return %arg0, %c0_i32 : i32, i32
  }
}

module attributes {stable_mosaic.version = 14 : i64} {
  func.func @_tc_mid_body(%arg0: i32, %arg1: memref<1000x128xf32, #tpu.memory_space<vmem>>, %arg2: memref<1000x128xf32, #tpu.memory_space<vmem>>, %arg3: memref<256x256xf32, #tpu.memory_space<vmem>>, %arg4: memref<1x256xf32, #tpu.memory_space<vmem>>, %arg5: memref<1000x128xf32, #tpu.memory_space<vmem>>, %arg6: memref<1000x128xf32, #tpu.memory_space<vmem>>, %arg7: memref<1000x128xf32, #tpu.memory_space<vmem>>, %arg8: memref<1000x128xf32, #tpu.memory_space<vmem>>) attributes {dimension_semantics = [#tpu.dimension_semantics<arbitrary>], iteration_bounds = array<i64: 10>, scalar_prefetch = 0 : i64, scratch_operands = 0 : i64, tpu.core_type = #tpu.core_type<tc>, window_params = [{transform_indices = @transform_0, window_bounds = array<i64: 1000, 128>}, {transform_indices = @transform_1, window_bounds = array<i64: 1000, 128>}, {pipeline_mode = #tpu.pipeline_mode<synchronous>, transform_indices = @transform_2, window_bounds = array<i64: 256, 256>}, {pipeline_mode = #tpu.pipeline_mode<synchronous>, transform_indices = @transform_3, window_bounds = array<i64: 1, 256>}, {transform_indices = @transform_4, window_bounds = array<i64: 1000, 128>}, {transform_indices = @transform_5, window_bounds = array<i64: 1000, 128>}, {transform_indices = @transform_6, window_bounds = array<i64: 1000, 128>}, {transform_indices = @transform_7, window_bounds = array<i64: 1000, 128>}]} {
    %get3A = arith.constant 0 : index
    %get3A_0 = arith.constant 0 : index
    %get3A_1 = vector.load %arg5[%get3A, %get3A_0] : memref<1000x128xf32, #tpu.memory_space<vmem>>, vector<1000x1xf32>
    %get3A_2 = arith.constant 0 : index
    %get3A_3 = arith.constant 0 : index
    %get3A_4 = vector.load %arg6[%get3A_2, %get3A_3] : memref<1000x128xf32, #tpu.memory_space<vmem>>, vector<1000x1xf32>
    %add3A = arith.addf %get3A_1, %get3A_4 : vector<1000x1xf32>
    %add3A_5 = arith.constant 1.000000e+00 : f32
    %add3A_6 = vector.broadcast %add3A_5 : f32 to vector<1000x1xf32>
    %add3A_7 = arith.addf %add3A, %add3A_6 : vector<1000x1xf32>
    %rsqrt3A = math.rsqrt %add3A_7 : vector<1000x1xf32>
    %get3A_8 = arith.constant 0 : index
    %get3A_9 = arith.constant 0 : index
    %get3A_10 = vector.load %arg1[%get3A_8, %get3A_9] : memref<1000x128xf32, #tpu.memory_space<vmem>>, vector<1000x128xf32>
    %get3A_11 = arith.constant 0 : index
    %get3A_12 = arith.constant 0 : index
    %get3A_13 = vector.load %arg2[%get3A_11, %get3A_12] : memref<1000x128xf32, #tpu.memory_space<vmem>>, vector<1000x128xf32>
    %concatenate3A = tpu.concatenate %get3A_10, %get3A_13 in 1 : vector<1000x128xf32>, vector<1000x128xf32> -> vector<1000x256xf32>
    %mul3A = vector.broadcast %rsqrt3A : vector<1000x1xf32> to vector<1000x256xf32>
    %mul3A_14 = arith.mulf %concatenate3A, %mul3A : vector<1000x256xf32>
    %get3A_15 = arith.constant 0 : index
    %get3A_16 = arith.constant 0 : index
    %get3A_17 = vector.load %arg4[%get3A_15, %get3A_16] : memref<1x256xf32, #tpu.memory_space<vmem>>, vector<1x256xf32>
    %add3A_18 = vector.broadcast %get3A_17 : vector<1x256xf32> to vector<1000x256xf32>
    %add3A_19 = arith.addf %mul3A_14, %add3A_18 : vector<1000x256xf32>
    %max3A = arith.constant 0.000000e+00 : f32
    %max3A_20 = vector.broadcast %max3A : f32 to vector<1000x256xf32>
    %max3A_21 = arith.maximumf %add3A_19, %max3A_20 : vector<1000x256xf32>
    %get3A_22 = arith.constant 0 : index
    %get3A_23 = arith.constant 0 : index
    %get3A_24 = vector.load %arg3[%get3A_22, %get3A_23] : memref<256x256xf32, #tpu.memory_space<vmem>>, vector<256x256xf32>
    %dot_general3A = arith.constant dense<0.000000e+00> : vector<1000x256xf32>
    %dot_general3A_25 = tpu.matmul %max3A_21, %get3A_24, %dot_general3A {dimension_numbers = #tpu.dot_dimension_numbers<[1], [0], [0], [1], [0, 0, 1, 1], [], []>, transpose_lhs_hint = false} : vector<1000x256xf32>, vector<256x256xf32>, vector<1000x256xf32> -> vector<1000x256xf32>
    %mul3A_26 = vector.broadcast %rsqrt3A : vector<1000x1xf32> to vector<1000x256xf32>
    %mul3A_27 = arith.mulf %dot_general3A_25, %mul3A_26 : vector<1000x256xf32>
    %slice3A = vector.extract_strided_slice %mul3A_27 {offsets = [0, 0], sizes = [1000, 128], strides = [1, 1]} : vector<1000x256xf32> to vector<1000x128xf32>
    %swap3A = arith.constant 0 : index
    %swap3A_28 = arith.constant 0 : index
    %swap3A_29 = vector.load %arg7[%swap3A, %swap3A_28] : memref<1000x128xf32, #tpu.memory_space<vmem>>, vector<1000x128xf32>
    tpu.vector_store %arg7[%swap3A, %swap3A_28], %slice3A {strides = array<i32>} : memref<1000x128xf32, #tpu.memory_space<vmem>>, vector<1000x128xf32>,
    %slice3A_30 = vector.extract_strided_slice %mul3A_27 {offsets = [0, 128], sizes = [1000, 128], strides = [1, 1]} : vector<1000x256xf32> to vector<1000x128xf32>
    %swap3A_31 = arith.constant 0 : index
    %swap3A_32 = arith.constant 0 : index
    %swap3A_33 = vector.load %arg8[%swap3A_31, %swap3A_32] : memref<1000x128xf32, #tpu.memory_space<vmem>>, vector<1000x128xf32>
    tpu.vector_store %arg8[%swap3A_31, %swap3A_32], %slice3A_30 {strides = array<i32>} : memref<1000x128xf32, #tpu.memory_space<vmem>>, vector<1000x128xf32>,
    return
  }
  func.func @transform_0(%arg0: i32) -> (i32, i32) {
    %c0_i32 = arith.constant 0 : i32
    %c0_i32_0 = arith.constant 0 : i32
    return %arg0, %c0_i32 : i32, i32
  }
  func.func @transform_1(%arg0: i32) -> (i32, i32) {
    %c0_i32 = arith.constant 0 : i32
    %c0_i32_0 = arith.constant 0 : i32
    return %arg0, %c0_i32 : i32, i32
  }
  func.func @transform_2(%arg0: i32) -> (i32, i32) {
    %c0_i32 = arith.constant 0 : i32
    %c0_i32_0 = arith.constant 0 : i32
    %c0_i32_1 = arith.constant 0 : i32
    return %c0_i32, %c0_i32_0 : i32, i32
  }
  func.func @transform_3(%arg0: i32) -> (i32, i32) {
    %c0_i32 = arith.constant 0 : i32
    %c0_i32_0 = arith.constant 0 : i32
    %c0_i32_1 = arith.constant 0 : i32
    return %c0_i32, %c0_i32_0 : i32, i32
  }
  func.func @transform_4(%arg0: i32) -> (i32, i32) {
    %c0_i32 = arith.constant 0 : i32
    %c0_i32_0 = arith.constant 0 : i32
    return %arg0, %c0_i32 : i32, i32
  }
  func.func @transform_5(%arg0: i32) -> (i32, i32) {
    %c0_i32 = arith.constant 0 : i32
    %c0_i32_0 = arith.constant 0 : i32
    return %arg0, %c0_i32 : i32, i32
  }
  func.func @transform_6(%arg0: i32) -> (i32, i32) {
    %c0_i32 = arith.constant 0 : i32
    %c0_i32_0 = arith.constant 0 : i32
    return %arg0, %c0_i32 : i32, i32
  }
  func.func @transform_7(%arg0: i32) -> (i32, i32) {
    %c0_i32 = arith.constant 0 : i32
    %c0_i32_0 = arith.constant 0 : i32
    return %arg0, %c0_i32 : i32, i32
  }
}

module attributes {stable_mosaic.version = 14 : i64} {
  func.func @_tc_last_body(%arg0: i32, %arg1: memref<1000x128xf32, #tpu.memory_space<vmem>>, %arg2: memref<1000x128xf32, #tpu.memory_space<vmem>>, %arg3: memref<1x256xf32, #tpu.memory_space<vmem>>, %arg4: memref<1000x128xf32, #tpu.memory_space<vmem>>, %arg5: memref<1000x128xf32, #tpu.memory_space<vmem>>, %arg6: memref<1000x256xf32, #tpu.memory_space<vmem>>) attributes {dimension_semantics = [#tpu.dimension_semantics<arbitrary>], iteration_bounds = array<i64: 10>, scalar_prefetch = 0 : i64, scratch_operands = 0 : i64, tpu.core_type = #tpu.core_type<tc>, window_params = [{transform_indices = @transform_0, window_bounds = array<i64: 1000, 128>}, {transform_indices = @transform_1, window_bounds = array<i64: 1000, 128>}, {pipeline_mode = #tpu.pipeline_mode<synchronous>, transform_indices = @transform_2, window_bounds = array<i64: 1, 256>}, {transform_indices = @transform_3, window_bounds = array<i64: 1000, 128>}, {transform_indices = @transform_4, window_bounds = array<i64: 1000, 128>}, {transform_indices = @transform_5, window_bounds = array<i64: 1000, 256>}]} {
    %get3A = arith.constant 0 : index
    %get3A_0 = arith.constant 0 : index
    %get3A_1 = vector.load %arg4[%get3A, %get3A_0] : memref<1000x128xf32, #tpu.memory_space<vmem>>, vector<1000x1xf32>
    %get3A_2 = arith.constant 0 : index
    %get3A_3 = arith.constant 0 : index
    %get3A_4 = vector.load %arg5[%get3A_2, %get3A_3] : memref<1000x128xf32, #tpu.memory_space<vmem>>, vector<1000x1xf32>
    %add3A = arith.addf %get3A_1, %get3A_4 : vector<1000x1xf32>
    %add3A_5 = arith.constant 1.000000e+00 : f32
    %add3A_6 = vector.broadcast %add3A_5 : f32 to vector<1000x1xf32>
    %add3A_7 = arith.addf %add3A, %add3A_6 : vector<1000x1xf32>
    %rsqrt3A = math.rsqrt %add3A_7 : vector<1000x1xf32>
    %get3A_8 = arith.constant 0 : index
    %get3A_9 = arith.constant 0 : index
    %get3A_10 = vector.load %arg1[%get3A_8, %get3A_9] : memref<1000x128xf32, #tpu.memory_space<vmem>>, vector<1000x128xf32>
    %get3A_11 = arith.constant 0 : index
    %get3A_12 = arith.constant 0 : index
    %get3A_13 = vector.load %arg2[%get3A_11, %get3A_12] : memref<1000x128xf32, #tpu.memory_space<vmem>>, vector<1000x128xf32>
    %concatenate3A = tpu.concatenate %get3A_10, %get3A_13 in 1 : vector<1000x128xf32>, vector<1000x128xf32> -> vector<1000x256xf32>
    %mul3A = vector.broadcast %rsqrt3A : vector<1000x1xf32> to vector<1000x256xf32>
    %mul3A_14 = arith.mulf %concatenate3A, %mul3A : vector<1000x256xf32>
    %get3A_15 = arith.constant 0 : index
    %get3A_16 = arith.constant 0 : index
    %get3A_17 = vector.load %arg3[%get3A_15, %get3A_16] : memref<1x256xf32, #tpu.memory_space<vmem>>, vector<1x256xf32>
    %add3A_18 = vector.broadcast %get3A_17 : vector<1x256xf32> to vector<1000x256xf32>
    %add3A_19 = arith.addf %mul3A_14, %add3A_18 : vector<1000x256xf32>
    %swap3A = arith.constant 0 : index
    %swap3A_20 = arith.constant 0 : index
    %swap3A_21 = vector.load %arg6[%swap3A, %swap3A_20] : memref<1000x256xf32, #tpu.memory_space<vmem>>, vector<1000x256xf32>
    tpu.vector_store %arg6[%swap3A, %swap3A_20], %add3A_19 {strides = array<i32>} : memref<1000x256xf32, #tpu.memory_space<vmem>>, vector<1000x256xf32>,
    return
  }
  func.func @transform_0(%arg0: i32) -> (i32, i32) {
    %c0_i32 = arith.constant 0 : i32
    %c0_i32_0 = arith.constant 0 : i32
    return %arg0, %c0_i32 : i32, i32
  }
  func.func @transform_1(%arg0: i32) -> (i32, i32) {
    %c0_i32 = arith.constant 0 : i32
    %c0_i32_0 = arith.constant 0 : i32
    return %arg0, %c0_i32 : i32, i32
  }
  func.func @transform_2(%arg0: i32) -> (i32, i32) {
    %c0_i32 = arith.constant 0 : i32
    %c0_i32_0 = arith.constant 0 : i32
    %c0_i32_1 = arith.constant 0 : i32
    return %c0_i32, %c0_i32_0 : i32, i32
  }
  func.func @transform_3(%arg0: i32) -> (i32, i32) {
    %c0_i32 = arith.constant 0 : i32
    %c0_i32_0 = arith.constant 0 : i32
    return %arg0, %c0_i32 : i32, i32
  }
  func.func @transform_4(%arg0: i32) -> (i32, i32) {
    %c0_i32 = arith.constant 0 : i32
    %c0_i32_0 = arith.constant 0 : i32
    return %arg0, %c0_i32 : i32, i32
  }
  func.func @transform_5(%arg0: i32) -> (i32, i32) {
    %c0_i32 = arith.constant 0 : i32
    %c0_i32_0 = arith.constant 0 : i32
    return %arg0, %c0_i32 : i32, i32
  }
}

</mosaic_0001>

<sc_bundles>
// kernel: kernel.10.cloned.1.call-start
scs
__scs_entry_jumppad:
0x0: {  	(pc) =	sbr.rel $0x88, $3  }
0x1: {  	(tag) =	ssettag $0x0;
	lr =	simm.s32 $0x1  }
0x2: {  	[smem:$0x3F99] =	sst lr;
	_ =	strace $0xD0000000  }
0x3: {  	_ = 	snop  }
0x4: {  	_ = 	snop  }
0x5: {  	_ = 	snop  }
0x6: {  	_ = 	snop  }
0x7: {  	_ = 	snop  }
__scs_overlays_trampoline_lowered:
0x8: {  	[smem:$0x3FA8] =	sst s0  }
0x9: {  	[smem:$0x3FA9] =	sst s1  }
0xa: {  	[smem:$0x3FAA] =	sst s2  }
0xb: {  	[smem:$0x3FAB] =	sst s3  }
0xc: {  	[smem:$0x3FAC] =	sst s4  }
0xd: {  	[smem:$0x3FAD] =	sst s5  }
0xe: {  	[smem:$0x3FAE] =	sst s6  }
0xf: {  	[smem:$0x3FAF] =	sst s7  }
0x10: {  	[smem:$0x3FB0] =	sst s8  }
0x11: {  	[smem:$0x3FB1] =	sst s9;
	s0 =	simm.s32 @!p0 $0x0  }
0x12: {  	s1 =	sld [smem:$0x3F97];
	s0 =	simm.s32 @p0 $0x1  }
0x13: {  	[smem:$0x3FB2] =	sst s0;
	s0 =	simm.s32 @!p1 $0x0  }
0x14: {  	s2 =	sld [smem:$0x3F96];
	s0 =	simm.s32 @p1 $0x1  }
0x15: {  	[smem:$0x3FB3] =	sst s0;
	s0 =	simm.s32 @!p2 $0x0  }
0x16: {  	s3 =	sld [smem:$0x3FDB];
	s0 =	simm.s32 @p2 $0x1  }
0x17: {  	s4 =	simm.s32 $0x1BF5;
	[smem:$0x3FB5] =	sst s0  }
0x18: {  	s0 =	sld [smem:$0x3F98];
	_ =	swait.ge [sflag:s4], $0x0  }
0x19: {  	s7 =	sld [smem:$0x3F99]  }
0x1a: {  	s8 =	sadd.s32 $0xFFFFE003, lr  }
0x1b: {  	s9 =	sadd.s32 $0xFFFFFEF7, lr;
	s5 =	simm.s32 $0xFFFFFFFF;
	p2 =	slt.u32 s8, $0xFFFFF086  }
0x1c: {  	p1 =	slt.u32 s9, $0xF7A;
	s5 =	simm.s32 @!p2 $0x0  }
0x1d: {  	s5 =	simm.s32 @p1 $0x1;
	p0 =	seq.s32 s7, s2  }
0x1e: {  	s7 =	smul.u32 @!p0 $0xF7A, s2;
	p2 =	seq.s32 @!p0 s5, $0x0  }
0x1f: {  	s9 =	smul.u32 $0xF7A, s1;
	s8 =	simm.s32 @!p0 $0x1BF5;
	p2 =	por !p2, p0  }
0x20: {  	[sflag:s8] =	ssyncset.s32 @!p0 $0xFFFFF086;
	s6 =	sadd.s32 @!p0 s3, s7;
	s7 =	simm.s32 @!p0 $0x108  }
0x21: {  	s3 =	sadd.s32 s3, s9;
	s6 =	sadd.s32 @!p0 $0x88, s6;
	s7 =	simm.s32 @p2 $0x1082  }
0x22: {  	[simem:s7], [sflag:s8] =	dma.local @!p0 [hbm:s6], $0xF7A  }
0x23: {  	s9 =	sor.u32 $0xD0000000, s2;
	s6 =	simm.s32 $0x108;
	_ =	swait.ge @!p0 [sflag:s8], $0x0  }
0x24: {  	s3 =	sadd.s32 $0x88, s3;
	s6 =	simm.s32 @!p1 $0x1082;
	[sflag:s4] =	ssyncset.s32 $0xFFFFF086  }
0x25: {  	[simem:s6], [sflag:s4] =	dma.local [hbm:s3], $0xF7A  }
0x26: {  	[smem:$0x3F99] =	sst s1;
	(tag) =	ssettag s2;
	_ =	strace s9  }
0x27: {  	s1 =	sld [smem:$0x3FA9]  }
0x28: {  	s2 =	sld [smem:$0x3FAA]  }
0x29: {  	s4 =	sld [smem:$0x3FAC]  }
0x2a: {  	p0 =	seq.s32 s5, $0x0;
	s5 =	sld [smem:$0x3FAD]  }
0x2b: {  	s6 =	sld [smem:$0x3FAE]  }
0x2c: {  	s7 =	sld [smem:$0x3FAF]  }
0x2d: {  	s3 =	simm.s32 $0x108;
	s8 =	sld [smem:$0x3FB0]  }
0x2e: {  	s3 =	simm.s32 @!p0 $0x1082;
	s9 =	sld [smem:$0x3FB1]  }
0x2f: {  	lr =	sadd.s32 s0, s3;
	s0 =	sld [smem:$0x3FA8]  }
0x30: {  	s3 =	sld [smem:$0x3FAB]  }
0x31: {  	[smem:$0x3FB4] =	sst s10  }
0x32: {  	s10 =	sld [smem:$0x3FB2];
	_ =	sdelay $0x3  }
0x33: {  	p0 =	seq.s32 s10, $0x1;
	s10 =	sld [smem:$0x3FB4];
	_ =	sdelay $0x3  }
0x34: {  	[smem:$0x3FB4] =	sst s10  }
0x35: {  	s10 =	sld [smem:$0x3FB3];
	_ =	sdelay $0x3  }
0x36: {  	p1 =	seq.s32 s10, $0x1;
	s10 =	sld [smem:$0x3FB4];
	_ =	sdelay $0x3  }
0x37: {  	[smem:$0x3FB4] =	sst s10  }
0x38: {  	s10 =	sld [smem:$0x3FB5]  }
0x39: {  	_ = 	snop;
	(pc) =	sbr.ind lr, $3  }
0x3a: {  	_ = 	snop  }
0x3b: {  	_ = 	snop  }
0x3c: {  	p2 =	seq.s32 s10, $0x1;
	s10 =	sld [smem:$0x3FB4]  }
0x3d: {  	_ =	shalt  }
0x3e: {  	_ =	shalt  }
0x3f: {  	_ =	shalt  }
0x40: {  	_ =	shalt  }
0x41: {  	_ =	shalt  }
0x42: {  	_ =	shalt  }
0x43: {  	_ =	shalt  }
0x44: {  	_ =	shalt  }
0x45: {  	_ =	shalt  }
0x46: {  	_ =	shalt  }
0x47: {  	_ =	shalt  }
0x48: {  	_ =	shalt  }
0x49: {  	_ =	shalt  }
0x4a: {  	_ =	shalt  }
0x4b: {  	_ =	shalt  }
0x4c: {  	_ =	shalt  }
0x4d: {  	_ =	shalt  }
0x4e: {  	_ =	shalt  }
0x4f: {  	_ =	shalt  }
0x50: {  	_ =	shalt  }
0x51: {  	_ =	shalt  }
0x52: {  	_ =	shalt  }
0x53: {  	_ =	shalt  }
0x54: {  	_ =	shalt  }
0x55: {  	_ =	shalt  }
0x56: {  	_ =	shalt  }
0x57: {  	_ =	shalt  }
0x58: {  	_ =	shalt  }
0x59: {  	_ =	shalt  }
0x5a: {  	_ =	shalt  }
0x5b: {  	_ =	shalt  }
0x5c: {  	_ =	shalt  }
0x5d: {  	_ =	shalt  }
0x5e: {  	_ =	shalt  }
0x5f: {  	_ =	shalt  }
0x60: {  	_ =	shalt  }
0x61: {  	_ =	shalt  }
0x62: {  	_ =	shalt  }
0x63: {  	_ =	shalt  }
0x64: {  	_ =	shalt  }
0x65: {  	_ =	shalt  }
0x66: {  	_ =	shalt  }
0x67: {  	_ =	shalt  }
0x68: {  	_ =	shalt  }
0x69: {  	_ =	shalt  }
0x6a: {  	_ =	shalt  }
0x6b: {  	_ =	shalt  }
0x6c: {  	_ =	shalt  }
0x6d: {  	_ =	shalt  }
0x6e: {  	_ =	shalt  }
0x6f: {  	_ =	shalt  }
0x70: {  	_ =	shalt  }
0x71: {  	_ =	shalt  }
0x72: {  	_ =	shalt  }
0x73: {  	_ =	shalt  }
0x74: {  	_ =	shalt  }
0x75: {  	_ =	shalt  }
0x76: {  	_ =	shalt  }
0x77: {  	_ =	shalt  }
0x78: {  	_ =	shalt  }
0x79: {  	_ =	shalt  }
0x7a: {  	_ =	shalt  }
0x7b: {  	_ =	shalt  }
0x7c: {  	_ =	shalt  }
0x7d: {  	_ =	shalt  }
0x7e: {  	_ =	shalt  }
0x7f: {  	_ =	shalt  }
0x80: {  	_ =	shalt  }
0x81: {  	_ =	shalt  }
0x82: {  	_ =	shalt  }
0x83: {  	_ =	shalt  }
0x84: {  	_ =	shalt  }
0x85: {  	_ =	shalt  }
0x86: {  	_ =	shalt  }
0x87: {  	_ =	shalt  }
.Lfunc_end0:
.L_simem_size_0:
called_computation_lowered:
.L_overlay_start_0:
0x88: {  	s2 =	sld [smem:$0x3FD9]  }
0x89: {  	s3 =	sld [smem:$0x3FFE];
	_ =	sdelay $0x1  }
0x8a: {  	s1 =	srdreg.scid  }
0x8b: {  	s0 =	sand.u32 $0x1, s1  }
0x8c: {  	s17 =	sshll.u32 s0, $0xA;
	s2 =	sadd.s32 s3, s2  }
0x8d: {  	s2 =	sadd.s32 s2, s17  }
0x8e: {  	[smem:$0x3FC0] =	sst s2  }
0x8f: {  	_ = 	snop  }
0x90: {  	s2 =	sld [smem:$0x3FD0];
	(tm) =	ssettm $0x1  }
0x91: {  	s18 =	sld [smem:$0x3FFB];
	_ =	sdelay $0x3  }
0x92: {  	_ =	strace s18  }
0x93: {  	s3 =	sld [smem:$0x3FFC];
	_ =	sdelay $0x3  }
0x94: {  	_ =	strace s3  }
0x95: {  	s3 =	sld [smem:$0x3FFD];
	_ =	sdelay $0x3  }
0x96: {  	_ =	strace s3  }
0x97: {  	_ =	strace $0x8FFFFFFF  }
0x98: {  	s19 =	sld [smem:$0x3FDB];
	_ =	sdelay $0x1  }
0x99: {  	s4 =	simm.s32 $_scs_section_size  }
0x9a: {  	s5 =	simm.s32 $_size__tile_overlayer_lowered;
	s6 =	simm.s32 $_tile_overlayer_lowered  }
0x9b: {  	s22 =	simm.s32 $0x1BFF;
	s21 =	sshll.u32 s6, $0x1;
	s3 =	sadd.s32 s4, s19  }
0x9c: {  	s7 =	simm.s32 $0x0;
	s20 =	sshll.u32 s5, $0x1;
	s5 =	sadd.s32 s21, s3  }
0x9d: {  	[timem:s7], [sflag:s22] =	dma.local [hbm:s5], s20  }
0x9e: {  	_ =	swait.ge [sflag:s22], s20  }
0x9f: {  	s4 =	ssub.s32 $0x0, s20;
	[sflag:s22] =	ssyncset.done $0x0  }
0xa0: {  	[sflag:s22] =	ssyncadd.s32 s4;
	_ =	sdelay $0x1  }
0xa1: {  	s23 =	simm.s32 $0x1B8B  }
0xa2: {  	_ =	swait.ge [sflag:s23], $0x1  }
0xa3: {  	[sflag:s23] =	ssyncset.done $0x0  }
0xa4: {  	s25 =	simm.s32 $0x1B8E;
	s24 =	sld [smem:$0x3FFE];
	[sflag:s23] =	ssyncadd.s32 $0xFFFFFFFF  }
0xa5: {  	s26 =	simm.s32 $execute0_lowered;
	[smem:$0x3FD2] =	sst s25  }
0xa6: {  	s5 =	sshll.u32 s26, $0x1;
	_ =	strace $0x80000046;
	[dreg:$0x1] =	wrdreg $0xFFFFFFFF  }
0xa7: {  	s28 =	simm.s32 $_size_execute0_lowered;
	s3 =	sadd.s32 s3, s5;
	[dreg:$0x0] =	wrdreg $0x0  }
0xa8: {  	s5 =	sshll.u32 s28, $0x1;
	[dreg:$0x2] =	wrdreg s3  }
0xa9: {  	[dreg:$0x3] =	wrdreg s5  }
0xaa: {  	[dreg:$0x4] =	wrdreg $0xC0  }
0xab: {  	_ =	task [dreg:s7], $0x5FFFF  }
0xac: {  	[dreg:$0x1] =	wrdreg $0xFFFFFFFF  }
0xad: {  	[dreg:$0x0] =	wrdreg $0x60  }
0xae: {  	[dreg:$0x2] =	wrdreg s24  }
0xaf: {  	[dreg:$0x3] =	wrdreg s2  }
0xb0: {  	[dreg:$0x4] =	wrdreg $0x54000  }
0xb1: {  	[dreg:$0x5] =	wrdreg $0x9  }
0xb2: {  	_ =	task.clear_ibuf [dreg:s7], $0x6FFFF;
	_ =	strace $0x90000046  }
0xb3: {  	s29 =	simm.s32 $0x9;
	_ =	strace $0x80000048  }
0xb4: {  	_ =	swait.ge [sflag:s29], $0x1  }
0xb5: {  	[sflag:s29] =	ssyncadd.s32 $0xFFFFFFFF  }
0xb6: {  	_ =	strace $0x90000048  }
0xb7: {  	_ =	sfence  }
0xb8: {  	s30 =	sld [smem:$0x0];
	_ =	sdelay $0x2  }
0xb9: {  	s31 =	sshll.u32 s1, $0xD;
	s1 =	sshrl.u32 s1, $0x2  }
0xba: {  	s3 =	sand.u32 $0x4000, s31;
	s1 =	sadd.s32 s1, s30  }
0xbb: {  	s0 =	sor.u32 s3, s0;
	s1 =	sshll.u32 s1, $0x11  }
0xbc: {  	s0 =	sor.u32 s1, s0  }
0xbd: {  	s0 =	sadd.s32 $0x8F2B, s0  }
0xbe: {  	[sflag:s0] =	ssyncadd.remote.s32 $0x1  }
0xbf: {  	_ =	sfence.sel $0xFFFF  }
0xc0: {  	[dreg:$0x0] =	wrdreg $0xFFFFFFFF;
	(pc) =	sbr.abs _section_cstart, $3  }
0xc1: {  	[dreg:$0x1] =	wrdreg $0xFFFFFFFF  }
0xc2: {  	_ =	task.clear_ibuf [dreg:s7], $0x2FFFF;
	_ =	strace $0x9FFFFFFF  }
0xc3: {  	(tm) =	ssettm $0x7FFFFFFF  }
tec
execute0_lowered:
.L_overlay_start_1:
0x0: {  	(tag) =	ssettag $0x1  }
0x1: {  	s7 =	rddreg [dreg:$0x0]  }
0x2: {  	s1 =	rddreg [dreg:$0x1]  }
0x3: {  	s3 =	rddreg [dreg:$0x2]  }
0x4: {  	s0 =	rddreg [dreg:$0x3]  }
0x5: {  	s4 =	simm.s32 $0x0;
	s2 =	stileid.u32;
	s5 =	srdreg.scid  }
0x6: {  	s13 =	simm.s32 $0x1;
	s16 =	simm.s32 $0x80;
	s17 =	simm.s32 $0x0  }
0x7: {  	[smem:$0x7FF] =	sst s4;
	s6 =	smul.u32 $0x280, s2;
	s8 =	sand.u32 $0x1, s5  }
0x8: {  	s9 =	smul.u32 $0x50000, s2;
	s5 =	sadd.s32 $0xA800, s7;
	s14 =	sshll.u32 s2, $0x6  }
0x9: {  	_ =	strace $0x80000047;
	s11 =	ssub.s32 $0x2, s8;
	p0 =	seq.s32 s8, $0x1  }
.Ltmp0:
0xa: {  	s14 =	sor.u32 $0x1C01, s14;
	s10 =	sadd.s32 s6, s7;
	(pc) =	sbr.rel .LBB2_1-.Ltmp0, $4  }
0xb: {  	s6 =	sadd.s32 $0xB000, s7;
	s12 =	sshrl.u32 s11, $0x1;
	s9 =	sshrl.u32 s9, $0x2  }
0xc: {  	s7 =	sadd.s32 $0x33000, s7;
	s11 =	ssub.s32 s11, s12;
	s15 =	sadd.s32 s9, s3  }
0xd: {  	s8 =	sadd.s32 $0x8000, s10;
	s9 =	smul.u32 $0x2800, s2;
	s10 =	sadd.s32 $0x5800, s10  }
0xe: {  	s12 =	simm.s32 $0x1400;
	s11 =	smax.u32 s11, $0x1;
	s15 =	sshrl.u32 s15, $0x3  }
.LBB2_7:
0xf: {  	[sflag:s13] =	ssyncadd.s32 $0xFFFFC000;
	s18 =	smov.u32 s7  }
.LBB2_8:
0x10: {  	s17 =	sadd.s32 $0x1, s17  }
0x11: {  	p1 =	sne.s32 s17, s11  }
.Ltmp1:
0x12: {  	s18 =	sadd.s32 s18, s9;
	[bflag:$0x0] =	sbarrier.arrive $0xFFFF;
	(pc) =	sbr.rel @!p1 .LBB2_9-.Ltmp1, $4  }
0x13: {  	[hbm:s18], [sflag:s14] =	dma.local [spmem:s15], $0x2800  }
0x14: {  	_ =	swait.ge [sflag:s13], $0x2800  }
0x15: {  	[sflag:s13] =	ssyncset.done $0x0  }
0x16: {  	[sflag:s13] =	ssyncadd.s32 $0xFFFFD800  }
.LBB2_1:
0x17: {  	[tilespmem:s12], [sflag:$0x1] =	stream.linear.gather [hbm4b:s5+s4], $0x4000, $0x38;
	[tilespmem:$0x19400] =	vst v63  }
0x18: {  	_ =	swait.ge [sflag:s13], $0x4000  }
0x19: {  	[sflag:s13] =	ssyncset.done $0x0  }
.Ltmp2:
0x1a: {  	[sflag:s13] =	ssyncadd.s32 $0xFFFFC000;
	(pc) =	sbr.rel @!p0 .LBB2_2-.Ltmp2, $4  }
0x1b: {  	[spmem:s15], [sflag:s14] =	dma.local [hbm:s1], $0x2800  }
0x1c: {  	_ =	swait.ge [sflag:s13], $0x2800  }
0x1d: {  	[sflag:s13] =	ssyncset.done $0x0  }
0x1e: {  	s18 =	simm.s32 $0x0;
	[sflag:s13] =	ssyncadd.s32 $0xFFFFD800  }
0x1f: {  	[tilespmem:s18], [sflag:$0x1] =	stream.linear.gather [hbm4b:s10+s18], $0x1400, $0x38;
	[tilespmem:$0x19400] =	vst v63  }
0x20: {  	_ =	swait.ge [sflag:s13], $0x1400  }
0x21: {  	[sflag:s13] =	ssyncset.done $0x0  }
0x22: {  	[sflag:s13] =	ssyncadd.s32 $0xFFFFEC00  }
0x23: {  	s31 =	simm.s32 $0x0;
	[bflag:$0x0] =	sbarrier.arrive $0xFFFF  }
0x24: {  	[spmem:s3] =	stream.indirect.scatter.add.f32 [tilespmem:s12], [sflag:$0x1], $0x80, s31, s16, $0xb8;
	[tilespmem:$0x19400] =	vst v63  }
0x25: {  	_ =	swait.ge [sflag:s13], $0x4000  }
0x26: {  	s18 =	simm.s32 $0x200;
	[sflag:s13] =	ssyncset.done $0x0  }
.LBB2_6:
0x27: {  	s19 =	sshra.s32 s18, $0x2;
	[sflag:s13] =	ssyncadd.s32 $0xFFFFC000;
	p1 =	sne.s32 s18, $0x4E00  }
0x28: {  	[spmem:s3] =	stream.indirect.scatter.add.f32 [tilespmem:s12], [sflag:$0x1], $0x80, s19, s16, $0xb8;
	[tilespmem:$0x19400] =	vst v63  }
.Ltmp3:
0x29: {  	_ = 	snop;
	(pc) =	sbr.rel @p1 .LBB2_6-.Ltmp3, $4  }
0x2a: {  	_ = 	snop  }
0x2b: {  	s18 =	sadd.s32 $0x200, s18  }
0x2c: {  	_ =	swait.ge [sflag:s13], $0x4000  }
0x2d: {  	[sflag:s13] =	ssyncset.done $0x0  }
.Ltmp4:
0x2e: {  	_ = 	snop;
	(pc) =	sbr.rel .LBB2_7-.Ltmp4, $1  }
0x2f: {  	_ =	sdelay $0x3  }
.LBB2_2:
0x30: {  	[tilespmem:s18], [sflag:$0x1] =	stream.linear.gather [hbm4b:s8+s18], $0x1400, $0x38;
	[tilespmem:$0x19400] =	vst v63  }
0x31: {  	_ =	swait.ge [sflag:s13], $0x1400  }
0x32: {  	[sflag:s13] =	ssyncset.done $0x0  }
0x33: {  	[sflag:s13] =	ssyncadd.s32 $0xFFFFEC00  }
0x34: {  	s31 =	simm.s32 $0x0;
	[bflag:$0x0] =	sbarrier.arrive $0xFFFF  }
0x35: {  	[spmem:s3] =	stream.indirect.scatter.add.f32 [tilespmem:s12], [sflag:$0x1], $0x80, s31, s16, $0xb8;
	[tilespmem:$0x19400] =	vst v63  }
0x36: {  	_ =	swait.ge [sflag:s13], $0x4000  }
0x37: {  	s18 =	simm.s32 $0x200;
	[sflag:s13] =	ssyncset.done $0x0  }
.LBB2_3:
0x38: {  	s19 =	sshra.s32 s18, $0x2;
	[sflag:s13] =	ssyncadd.s32 $0xFFFFC000;
	p1 =	seq.s32 s18, $0x4E00  }
0x39: {  	[spmem:s3] =	stream.indirect.scatter.add.f32 [tilespmem:s12], [sflag:$0x1], $0x80, s19, s16, $0xb8;
	[tilespmem:$0x19400] =	vst v63  }
.Ltmp5:
0x3a: {  	_ = 	snop;
	(pc) =	sbr.rel @!p1 .LBB2_3-.Ltmp5, $4  }
0x3b: {  	_ = 	snop  }
0x3c: {  	s18 =	sadd.s32 $0x200, s18  }
0x3d: {  	_ =	swait.ge [sflag:s13], $0x4000  }
0x3e: {  	[sflag:s13] =	ssyncset.done $0x0  }
.Ltmp6:
0x3f: {  	(pc) =	sbr.rel .LBB2_8-.Ltmp6, $2  }
0x40: {  	_ =	sdelay $0x2  }
0x41: {  	[sflag:s13] =	ssyncadd.s32 $0xFFFFC000;
	s18 =	smov.u32 s6  }
.LBB2_9:
0x42: {  	_ =	sfence.sel $0x180000  }
0x43: {  	[bflag:$0x0] =	sbarrier.arrive $0xFFFF  }
0x44: {  	p0 =	sne.s32 s2, $0x0;
	_ =	strace $0x90000047  }
0x45: {  	s0 =	sadd.s32 @!p0 $0x100000, s0;
	[bflag:$0x2] =	sbarrier.arrive $0xFFFF  }
0x46: {  	[sflag:s0] =	ssyncadd.tile.s32 @!p0 $0x1;
	_ =	shalt  }
.Lfunc_end2:
_tile_overlayer_lowered:
.L_overlay_start_2:
0x47: {  	(tag) =	ssettag $0x2  }
0x48: {  	s0 =	rddreg [dreg:$0x0];
	s2 =	stileid.u32  }
0x49: {  	s1 =	rddreg [dreg:$0x1];
	p0 =	sne.s32 s2, $0x0  }
0x4a: {  	s3 =	rddreg [dreg:$0x2];
	[bflag:$0x3] =	sbarrier.arrive $0xFFFF;
	s2 =	simm.s32 @!p0 $0x1C01  }
0x4b: {  	[timem:s3], [sflag:s2] =	dma.local @!p0 [hbm:s0], s1  }
0x4c: {  	s0 =	simm.s32 @!p0 $0x1  }
0x4d: {  	_ =	swait.ge @!p0 [sflag:s0], s1  }
0x4e: {  	s1 =	ssub.s32 @!p0 $0x0, s1;
	[sflag:s0] =	ssyncset.done @!p0 $0x0  }
0x4f: {  	[sflag:s0] =	ssyncadd.s32 @!p0 s1  }
0x50: {  	[bflag:$0x3] =	sbarrier.arrive $0xFFFF  }
0x51: {  	_ =	shalt  }

// kernel: kernel.13.cloned.1.call-start
scs
__scs_entry_jumppad:
0x0: {  	(pc) =	sbr.rel $0x88, $3  }
0x1: {  	(tag) =	ssettag $0x0;
	lr =	simm.s32 $0x1  }
0x2: {  	[smem:$0x3F99] =	sst lr;
	_ =	strace $0xD0000000  }
0x3: {  	_ = 	snop  }
0x4: {  	_ = 	snop  }
0x5: {  	_ = 	snop  }
0x6: {  	_ = 	snop  }
0x7: {  	_ = 	snop  }
__scs_overlays_trampoline_lowered:
0x8: {  	[smem:$0x3FA8] =	sst s0  }
0x9: {  	[smem:$0x3FA9] =	sst s1  }
0xa: {  	[smem:$0x3FAA] =	sst s2  }
0xb: {  	[smem:$0x3FAB] =	sst s3  }
0xc: {  	[smem:$0x3FAC] =	sst s4  }
0xd: {  	[smem:$0x3FAD] =	sst s5  }
0xe: {  	[smem:$0x3FAE] =	sst s6  }
0xf: {  	[smem:$0x3FAF] =	sst s7  }
0x10: {  	[smem:$0x3FB0] =	sst s8  }
0x11: {  	[smem:$0x3FB1] =	sst s9;
	s0 =	simm.s32 @!p0 $0x0  }
0x12: {  	s1 =	sld [smem:$0x3F97];
	s0 =	simm.s32 @p0 $0x1  }
0x13: {  	[smem:$0x3FB2] =	sst s0;
	s0 =	simm.s32 @!p1 $0x0  }
0x14: {  	s2 =	sld [smem:$0x3F96];
	s0 =	simm.s32 @p1 $0x1  }
0x15: {  	[smem:$0x3FB3] =	sst s0;
	s0 =	simm.s32 @!p2 $0x0  }
0x16: {  	s3 =	sld [smem:$0x3FDB];
	s0 =	simm.s32 @p2 $0x1  }
0x17: {  	s4 =	simm.s32 $0x1BF5;
	[smem:$0x3FB5] =	sst s0  }
0x18: {  	s0 =	sld [smem:$0x3F98];
	_ =	swait.ge [sflag:s4], $0x0  }
0x19: {  	s7 =	sld [smem:$0x3F99]  }
0x1a: {  	s8 =	sadd.s32 $0xFFFFE003, lr  }
0x1b: {  	s9 =	sadd.s32 $0xFFFFFEF7, lr;
	s5 =	simm.s32 $0xFFFFFFFF;
	p2 =	slt.u32 s8, $0xFFFFF086  }
0x1c: {  	p1 =	slt.u32 s9, $0xF7A;
	s5 =	simm.s32 @!p2 $0x0  }
0x1d: {  	s5 =	simm.s32 @p1 $0x1;
	p0 =	seq.s32 s7, s2  }
0x1e: {  	s7 =	smul.u32 @!p0 $0xF7A, s2;
	p2 =	seq.s32 @!p0 s5, $0x0  }
0x1f: {  	s9 =	smul.u32 $0xF7A, s1;
	s8 =	simm.s32 @!p0 $0x1BF5;
	p2 =	por !p2, p0  }
0x20: {  	[sflag:s8] =	ssyncset.s32 @!p0 $0xFFFFF086;
	s6 =	sadd.s32 @!p0 s3, s7;
	s7 =	simm.s32 @!p0 $0x108  }
0x21: {  	s3 =	sadd.s32 s3, s9;
	s6 =	sadd.s32 @!p0 $0x88, s6;
	s7 =	simm.s32 @p2 $0x1082  }
0x22: {  	[simem:s7], [sflag:s8] =	dma.local @!p0 [hbm:s6], $0xF7A  }
0x23: {  	s9 =	sor.u32 $0xD0000000, s2;
	s6 =	simm.s32 $0x108;
	_ =	swait.ge @!p0 [sflag:s8], $0x0  }
0x24: {  	s3 =	sadd.s32 $0x88, s3;
	s6 =	simm.s32 @!p1 $0x1082;
	[sflag:s4] =	ssyncset.s32 $0xFFFFF086  }
0x25: {  	[simem:s6], [sflag:s4] =	dma.local [hbm:s3], $0xF7A  }
0x26: {  	[smem:$0x3F99] =	sst s1;
	(tag) =	ssettag s2;
	_ =	strace s9  }
0x27: {  	s1 =	sld [smem:$0x3FA9]  }
0x28: {  	s2 =	sld [smem:$0x3FAA]  }
0x29: {  	s4 =	sld [smem:$0x3FAC]  }
0x2a: {  	p0 =	seq.s32 s5, $0x0;
	s5 =	sld [smem:$0x3FAD]  }
0x2b: {  	s6 =	sld [smem:$0x3FAE]  }
0x2c: {  	s7 =	sld [smem:$0x3FAF]  }
0x2d: {  	s3 =	simm.s32 $0x108;
	s8 =	sld [smem:$0x3FB0]  }
0x2e: {  	s3 =	simm.s32 @!p0 $0x1082;
	s9 =	sld [smem:$0x3FB1]  }
0x2f: {  	lr =	sadd.s32 s0, s3;
	s0 =	sld [smem:$0x3FA8]  }
0x30: {  	s3 =	sld [smem:$0x3FAB]  }
0x31: {  	[smem:$0x3FB4] =	sst s10  }
0x32: {  	s10 =	sld [smem:$0x3FB2];
	_ =	sdelay $0x3  }
0x33: {  	p0 =	seq.s32 s10, $0x1;
	s10 =	sld [smem:$0x3FB4];
	_ =	sdelay $0x3  }
0x34: {  	[smem:$0x3FB4] =	sst s10  }
0x35: {  	s10 =	sld [smem:$0x3FB3];
	_ =	sdelay $0x3  }
0x36: {  	p1 =	seq.s32 s10, $0x1;
	s10 =	sld [smem:$0x3FB4];
	_ =	sdelay $0x3  }
0x37: {  	[smem:$0x3FB4] =	sst s10  }
0x38: {  	s10 =	sld [smem:$0x3FB5]  }
0x39: {  	_ = 	snop;
	(pc) =	sbr.ind lr, $3  }
0x3a: {  	_ = 	snop  }
0x3b: {  	_ = 	snop  }
0x3c: {  	p2 =	seq.s32 s10, $0x1;
	s10 =	sld [smem:$0x3FB4]  }
0x3d: {  	_ =	shalt  }
0x3e: {  	_ =	shalt  }
0x3f: {  	_ =	shalt  }
0x40: {  	_ =	shalt  }
0x41: {  	_ =	shalt  }
0x42: {  	_ =	shalt  }
0x43: {  	_ =	shalt  }
0x44: {  	_ =	shalt  }
0x45: {  	_ =	shalt  }
0x46: {  	_ =	shalt  }
0x47: {  	_ =	shalt  }
0x48: {  	_ =	shalt  }
0x49: {  	_ =	shalt  }
0x4a: {  	_ =	shalt  }
0x4b: {  	_ =	shalt  }
0x4c: {  	_ =	shalt  }
0x4d: {  	_ =	shalt  }
0x4e: {  	_ =	shalt  }
0x4f: {  	_ =	shalt  }
0x50: {  	_ =	shalt  }
0x51: {  	_ =	shalt  }
0x52: {  	_ =	shalt  }
0x53: {  	_ =	shalt  }
0x54: {  	_ =	shalt  }
0x55: {  	_ =	shalt  }
0x56: {  	_ =	shalt  }
0x57: {  	_ =	shalt  }
0x58: {  	_ =	shalt  }
0x59: {  	_ =	shalt  }
0x5a: {  	_ =	shalt  }
0x5b: {  	_ =	shalt  }
0x5c: {  	_ =	shalt  }
0x5d: {  	_ =	shalt  }
0x5e: {  	_ =	shalt  }
0x5f: {  	_ =	shalt  }
0x60: {  	_ =	shalt  }
0x61: {  	_ =	shalt  }
0x62: {  	_ =	shalt  }
0x63: {  	_ =	shalt  }
0x64: {  	_ =	shalt  }
0x65: {  	_ =	shalt  }
0x66: {  	_ =	shalt  }
0x67: {  	_ =	shalt  }
0x68: {  	_ =	shalt  }
0x69: {  	_ =	shalt  }
0x6a: {  	_ =	shalt  }
0x6b: {  	_ =	shalt  }
0x6c: {  	_ =	shalt  }
0x6d: {  	_ =	shalt  }
0x6e: {  	_ =	shalt  }
0x6f: {  	_ =	shalt  }
0x70: {  	_ =	shalt  }
0x71: {  	_ =	shalt  }
0x72: {  	_ =	shalt  }
0x73: {  	_ =	shalt  }
0x74: {  	_ =	shalt  }
0x75: {  	_ =	shalt  }
0x76: {  	_ =	shalt  }
0x77: {  	_ =	shalt  }
0x78: {  	_ =	shalt  }
0x79: {  	_ =	shalt  }
0x7a: {  	_ =	shalt  }
0x7b: {  	_ =	shalt  }
0x7c: {  	_ =	shalt  }
0x7d: {  	_ =	shalt  }
0x7e: {  	_ =	shalt  }
0x7f: {  	_ =	shalt  }
0x80: {  	_ =	shalt  }
0x81: {  	_ =	shalt  }
0x82: {  	_ =	shalt  }
0x83: {  	_ =	shalt  }
0x84: {  	_ =	shalt  }
0x85: {  	_ =	shalt  }
0x86: {  	_ =	shalt  }
0x87: {  	_ =	shalt  }
.Lfunc_end0:
.L_simem_size_0:
called_computation.1_lowered:
.L_overlay_start_0:
0x88: {  	s2 =	sld [smem:$0x3FD9]  }
0x89: {  	s3 =	sld [smem:$0x3FFE];
	_ =	sdelay $0x1  }
0x8a: {  	s1 =	srdreg.scid  }
0x8b: {  	s0 =	sand.u32 $0x1, s1  }
0x8c: {  	s17 =	sshll.u32 s0, $0xA;
	s2 =	sadd.s32 s3, s2  }
0x8d: {  	s2 =	sadd.s32 s2, s17  }
0x8e: {  	[smem:$0x3FC0] =	sst s2  }
0x8f: {  	_ = 	snop  }
0x90: {  	s2 =	sld [smem:$0x3FD0];
	(tm) =	ssettm $0x1  }
0x91: {  	s18 =	sld [smem:$0x3FFB];
	_ =	sdelay $0x3  }
0x92: {  	_ =	strace s18  }
0x93: {  	s3 =	sld [smem:$0x3FFC];
	_ =	sdelay $0x3  }
0x94: {  	_ =	strace s3  }
0x95: {  	s3 =	sld [smem:$0x3FFD];
	_ =	sdelay $0x3  }
0x96: {  	_ =	strace s3  }
0x97: {  	_ =	strace $0x8FFFFFFF  }
0x98: {  	s19 =	sld [smem:$0x3FDB];
	_ =	sdelay $0x1  }
0x99: {  	s4 =	simm.s32 $_scs_section_size  }
0x9a: {  	s5 =	simm.s32 $_size__tile_overlayer_lowered;
	s6 =	simm.s32 $_tile_overlayer_lowered  }
0x9b: {  	s22 =	simm.s32 $0x1BFF;
	s21 =	sshll.u32 s6, $0x1;
	s3 =	sadd.s32 s4, s19  }
0x9c: {  	s7 =	simm.s32 $0x0;
	s20 =	sshll.u32 s5, $0x1;
	s5 =	sadd.s32 s21, s3  }
0x9d: {  	[timem:s7], [sflag:s22] =	dma.local [hbm:s5], s20  }
0x9e: {  	_ =	swait.ge [sflag:s22], s20  }
0x9f: {  	s4 =	ssub.s32 $0x0, s20;
	[sflag:s22] =	ssyncset.done $0x0  }
0xa0: {  	[sflag:s22] =	ssyncadd.s32 s4;
	_ =	sdelay $0x1  }
0xa1: {  	s23 =	simm.s32 $0x1B8B  }
0xa2: {  	_ =	swait.ge [sflag:s23], $0x1  }
0xa3: {  	[sflag:s23] =	ssyncset.done $0x0  }
0xa4: {  	s25 =	simm.s32 $0x1B8E;
	s24 =	sld [smem:$0x3FFE];
	[sflag:s23] =	ssyncadd.s32 $0xFFFFFFFF  }
0xa5: {  	s26 =	simm.s32 $execute0_lowered;
	[smem:$0x3FD2] =	sst s25  }
0xa6: {  	s5 =	sshll.u32 s26, $0x1;
	_ =	strace $0x80000049;
	[dreg:$0x1] =	wrdreg $0xFFFFFFFF  }
0xa7: {  	s28 =	simm.s32 $_size_execute0_lowered;
	s3 =	sadd.s32 s3, s5;
	[dreg:$0x0] =	wrdreg $0x0  }
0xa8: {  	s5 =	sshll.u32 s28, $0x1;
	[dreg:$0x2] =	wrdreg s3  }
0xa9: {  	[dreg:$0x3] =	wrdreg s5  }
0xaa: {  	[dreg:$0x4] =	wrdreg $0xC0  }
0xab: {  	_ =	task [dreg:s7], $0x5FFFF  }
0xac: {  	[dreg:$0x1] =	wrdreg $0xFFFFFFFF  }
0xad: {  	[dreg:$0x0] =	wrdreg $0x60  }
0xae: {  	[dreg:$0x2] =	wrdreg s2  }
0xaf: {  	[dreg:$0x3] =	wrdreg s24  }
0xb0: {  	[dreg:$0x4] =	wrdreg $0xBC000  }
0xb1: {  	[dreg:$0x5] =	wrdreg $0x9  }
0xb2: {  	_ =	task.clear_ibuf [dreg:s7], $0x6FFFF;
	_ =	strace $0x90000049  }
0xb3: {  	s29 =	simm.s32 $0x9;
	_ =	strace $0x8000004B  }
0xb4: {  	_ =	swait.ge [sflag:s29], $0x1  }
0xb5: {  	[sflag:s29] =	ssyncadd.s32 $0xFFFFFFFF  }
0xb6: {  	_ =	strace $0x9000004B  }
0xb7: {  	_ =	sfence  }
0xb8: {  	s30 =	sld [smem:$0x0];
	_ =	sdelay $0x2  }
0xb9: {  	s31 =	sshll.u32 s1, $0xD;
	s1 =	sshrl.u32 s1, $0x2  }
0xba: {  	s3 =	sand.u32 $0x4000, s31;
	s1 =	sadd.s32 s1, s30  }
0xbb: {  	s0 =	sor.u32 s3, s0;
	s1 =	sshll.u32 s1, $0x11  }
0xbc: {  	s0 =	sor.u32 s1, s0  }
0xbd: {  	s0 =	sadd.s32 $0x8F2B, s0  }
0xbe: {  	[sflag:s0] =	ssyncadd.remote.s32 $0x1  }
0xbf: {  	_ =	sfence.sel $0xFFFF  }
0xc0: {  	[dreg:$0x0] =	wrdreg $0xFFFFFFFF;
	(pc) =	sbr.abs _section_cstart, $3  }
0xc1: {  	[dreg:$0x1] =	wrdreg $0xFFFFFFFF  }
0xc2: {  	_ =	task.clear_ibuf [dreg:s7], $0x2FFFF;
	_ =	strace $0x9FFFFFFF  }
0xc3: {  	(tm) =	ssettm $0x7FFFFFFF  }
tec
execute0_lowered:
.L_overlay_start_1:
0x0: {  	(tag) =	ssettag $0x1  }
0x1: {  	s2 =	rddreg [dreg:$0x0]  }
0x2: {  	s8 =	rddreg [dreg:$0x1]  }
0x3: {  	s3 =	rddreg [dreg:$0x2]  }
0x4: {  	s1 =	stileid.u32;
	s0 =	rddreg [dreg:$0x3];
	s4 =	simm.s32 $0x0  }
0x5: {  	s7 =	srdreg.scid;
	s18 =	simm.s32 $0x2;
	s19 =	simm.s32 $0x80  }
0x6: {  	s20 =	simm.s32 $0x400;
	s21 =	simm.s32 $0x1400;
	s22 =	simm.s32 $0x100  }
0x7: {  	s23 =	simm.s32 $0x3C00;
	s24 =	simm.s32 $0x1;
	s5 =	sshrl.u32 s1, $0x3  }
0x8: {  	s6 =	sshll.u32 s1, $0x7;
	[smem:$0x7FF] =	sst s4;
	s11 =	smul.u32 $0x50000, s1  }
0x9: {  	s9 =	sand.u32 $0x1, s7;
	s7 =	smul.u32 $0x2800, s1;
	s15 =	sshll.u32 s1, $0x6  }
0xa: {  	s5 =	smul.u32 $0x14000, s5;
	s6 =	sand.u32 $0x380, s6;
	_ =	strace $0x8000004A  }
0xb: {  	s10 =	ssub.s32 $0x2, s9;
	p0 =	seq.s32 s9, $0x1;
	s16 =	sor.u32 $0x1C02, s15  }
0xc: {  	s12 =	sshrl.u32 s10, $0x1;
	s31 =	sshrl.u32 s11, $0x2;
	s9 =	sadd.s32 s2, s7  }
.Ltmp0:
0xd: {  	s6 =	sor.u32 s6, s5;
	s5 =	sadd.s32 $0x65000, s8;
	(pc) =	sbr.rel .LBB2_1-.Ltmp0, $4  }
0xe: {  	s12 =	ssub.s32 s10, s12;
	s17 =	sadd.s32 s31, s3;
	s6 =	sshrl.u32 s6, $0x3  }
0xf: {  	s11 =	sadd.s32 s5, s7;
	s12 =	smax.u32 s12, $0x1;
	s17 =	sshrl.u32 s17, $0x3  }
0x10: {  	s14 =	sadd.s32 s6, s8;
	s6 =	sadd.s32 $0x8D000, s8;
	s8 =	sadd.s32 $0xB5000, s8  }
0x11: {  	s10 =	sadd.s32 $0x60000, s14;
	s13 =	sadd.s32 $0x5B000, s14;
	s14 =	sadd.s32 $0x5C400, s14  }
.LBB2_11:
0x12: {  	s25 =	sshra.s32 s25, $0x2;
	[sflag:s18] =	ssyncadd.s32 $0xFFFF8000  }
0x13: {  	[tilespmem:s23], [sflag:$0x1] =	stream.indirect.gather [hbm4b:s5+s22], $0x80, s25, s22, $0xb8;
	[tilespmem:$0x1FC00] =	vst v63  }
0x14: {  	_ =	swait.ge [sflag:s24], $0x8000  }
0x15: {  	[sflag:s24] =	ssyncset.done $0x0  }
0x16: {  	s25 =	sadd.s32 $0x2800, s25;
	[sflag:s24] =	ssyncadd.s32 $0xFFFF8000  }
0x17: {  	[spmem:s3] =	stream.indirect.scatter.add.f32 [tilespmem:s23], [sflag:$0x2], $0x80, s25, s22, $0xb8;
	[tilespmem:$0x1FC00] =	vst v63  }
0x18: {  	_ =	swait.ge [sflag:s18], $0x8000  }
0x19: {  	[sflag:s18] =	ssyncset.done $0x0  }
0x1a: {  	s26 =	smov.u32 s8;
	s25 =	smov.u32 s16;
	[sflag:s18] =	ssyncadd.s32 $0xFFFF8000  }
.LBB2_12:
0x1b: {  	s4 =	sadd.s32 $0x1, s4  }
0x1c: {  	p1 =	sne.s32 s4, s12  }
.Ltmp1:
0x1d: {  	s26 =	sadd.s32 s26, s7;
	[bflag:$0x0] =	sbarrier.arrive $0xFFFF;
	(pc) =	sbr.rel @!p1 .LBB2_13-.Ltmp1, $4  }
0x1e: {  	[hbm:s26], [sflag:s25] =	dma.local [spmem:s17], $0x2800  }
0x1f: {  	_ =	swait.ge [sflag:s18], $0x2800  }
0x20: {  	[sflag:s18] =	ssyncset.done $0x0  }
0x21: {  	[sflag:s18] =	ssyncadd.s32 $0xFFFFD800  }
.LBB2_1:
.Ltmp2:
0x22: {  	(pc) =	sbr.rel @!p0 .LBB2_2-.Ltmp2, $1  }
0x23: {  	_ =	sdelay $0x3  }
0x24: {  	[spmem:s17], [sflag:s16] =	dma.local [hbm:s11], $0x2800  }
0x25: {  	_ =	swait.ge [sflag:s18], $0x2800  }
0x26: {  	[sflag:s18] =	ssyncset.done $0x0  }
0x27: {  	[sflag:s18] =	ssyncadd.s32 $0xFFFFD800  }
0x28: {  	[bflag:$0x0] =	sbarrier.arrive $0xFFFF  }
0x29: {  	[tilespmem:s21], [sflag:$0x2] =	stream.strided.gather [hbm4b:s10+s19], $0x2800, s20, s19, $0x38;
	[tilespmem:$0x1FC00] =	vst v63  }
0x2a: {  	_ =	swait.ge [sflag:s18], $0x2800  }
0x2b: {  	[sflag:s18] =	ssyncset.done $0x0  }
0x2c: {  	s25 =	simm.s32 $0x0;
	[sflag:s18] =	ssyncadd.s32 $0xFFFFD800  }
0x2d: {  	[tilespmem:s25], [sflag:$0x2] =	stream.strided.gather [hbm4b:s13+s19], $0x1400, s20, s19, $0x38;
	[tilespmem:$0x1FC00] =	vst v63  }
0x2e: {  	_ =	swait.ge [sflag:s18], $0x1400  }
0x2f: {  	[sflag:s18] =	ssyncset.done $0x0  }
0x30: {  	s30 =	simm.s32 $0x0;
	[sflag:s18] =	ssyncadd.s32 $0xFFFFEC00  }
0x31: {  	[tilespmem:s23], [sflag:$0x1] =	stream.indirect.gather [hbm4b:s5+s22], $0x80, s30, s22, $0xb8;
	[tilespmem:$0x1FC00] =	vst v63  }
0x32: {  	_ =	swait.ge [sflag:s24], $0x8000  }
0x33: {  	[sflag:s24] =	ssyncset.done $0x0  }
0x34: {  	s31 =	simm.s32 $0x1400;
	[sflag:s24] =	ssyncadd.s32 $0xFFFF8000  }
0x35: {  	[spmem:s3] =	stream.indirect.scatter.add.f32 [tilespmem:s23], [sflag:$0x2], $0x80, s31, s22, $0xb8;
	[tilespmem:$0x1FC00] =	vst v63  }
0x36: {  	_ =	swait.ge [sflag:s18], $0x8000  }
0x37: {  	s26 =	simm.s32 $0x800;
	s25 =	simm.s32 $0x400;
	[sflag:s18] =	ssyncset.done $0x0  }
.LBB2_8:
0x38: {  	s28 =	sshra.s32 s25, $0x2  }
0x39: {  	[sflag:s18] =	ssyncadd.s32 $0xFFFF8000;
	s25 =	smov.u32 s26;
	s29 =	sadd.s32 $0x400, s26  }
0x3a: {  	[tilespmem:s23], [sflag:$0x1] =	stream.indirect.gather [hbm4b:s5+s22], $0x80, s28, s22, $0xb8;
	[tilespmem:$0x1FC00] =	vst v63  }
0x3b: {  	p1 =	sne.s32 s26, $0x4C00;
	_ =	swait.ge [sflag:s24], $0x8000  }
.Ltmp3:
0x3c: {  	[sflag:s24] =	ssyncset.done $0x0;
	(pc) =	sbr.rel @p1 .LBB2_8-.Ltmp3, $4  }
0x3d: {  	s26 =	sadd.s32 $0x1400, s28;
	[sflag:s24] =	ssyncadd.s32 $0xFFFF8000  }
0x3e: {  	[spmem:s3] =	stream.indirect.scatter.add.f32 [tilespmem:s23], [sflag:$0x2], $0x80, s26, s22, $0xb8;
	[tilespmem:$0x1FC00] =	vst v63  }
0x3f: {  	_ =	swait.ge [sflag:s18], $0x8000  }
0x40: {  	s26 =	smov.u32 s29;
	[sflag:s18] =	ssyncset.done $0x0  }
0x41: {  	s25 =	sshra.s32 s25, $0x2;
	[sflag:s18] =	ssyncadd.s32 $0xFFFF8000  }
0x42: {  	[tilespmem:s23], [sflag:$0x1] =	stream.indirect.gather [hbm4b:s5+s22], $0x80, s25, s22, $0xb8;
	[tilespmem:$0x1FC00] =	vst v63  }
0x43: {  	_ =	swait.ge [sflag:s24], $0x8000  }
0x44: {  	[sflag:s24] =	ssyncset.done $0x0  }
0x45: {  	s25 =	sadd.s32 $0x1400, s25;
	[sflag:s24] =	ssyncadd.s32 $0xFFFF8000  }
0x46: {  	[spmem:s3] =	stream.indirect.scatter.add.f32 [tilespmem:s23], [sflag:$0x2], $0x80, s25, s22, $0xb8;
	[tilespmem:$0x1FC00] =	vst v63  }
0x47: {  	_ =	swait.ge [sflag:s18], $0x8000  }
0x48: {  	[sflag:s18] =	ssyncset.done $0x0  }
0x49: {  	s29 =	simm.s32 $0x0;
	[sflag:s18] =	ssyncadd.s32 $0xFFFF8000  }
0x4a: {  	[tilespmem:s29], [sflag:$0x2] =	stream.strided.gather [hbm4b:s14+s19], $0x1400, s20, s19, $0x38;
	[tilespmem:$0x1FC00] =	vst v63  }
0x4b: {  	_ =	swait.ge [sflag:s18], $0x1400  }
0x4c: {  	[sflag:s18] =	ssyncset.done $0x0  }
0x4d: {  	s30 =	simm.s32 $0x0;
	[sflag:s18] =	ssyncadd.s32 $0xFFFFEC00  }
0x4e: {  	[tilespmem:s23], [sflag:$0x1] =	stream.indirect.gather [hbm4b:s5+s22], $0x80, s30, s22, $0xb8;
	[tilespmem:$0x1FC00] =	vst v63  }
0x4f: {  	_ =	swait.ge [sflag:s24], $0x8000  }
0x50: {  	[sflag:s24] =	ssyncset.done $0x0  }
0x51: {  	s31 =	simm.s32 $0x2800;
	[sflag:s24] =	ssyncadd.s32 $0xFFFF8000  }
0x52: {  	[spmem:s3] =	stream.indirect.scatter.add.f32 [tilespmem:s23], [sflag:$0x2], $0x80, s31, s22, $0xb8;
	[tilespmem:$0x1FC00] =	vst v63  }
0x53: {  	_ =	swait.ge [sflag:s18], $0x8000  }
0x54: {  	s26 =	simm.s32 $0x800;
	s25 =	simm.s32 $0x400;
	[sflag:s18] =	ssyncset.done $0x0  }
.LBB2_10:
0x55: {  	s28 =	sshra.s32 s25, $0x2  }
0x56: {  	[sflag:s18] =	ssyncadd.s32 $0xFFFF8000;
	s25 =	smov.u32 s26;
	s29 =	sadd.s32 $0x400, s26  }
0x57: {  	[tilespmem:s23], [sflag:$0x1] =	stream.indirect.gather [hbm4b:s5+s22], $0x80, s28, s22, $0xb8;
	[tilespmem:$0x1FC00] =	vst v63  }
0x58: {  	p1 =	sne.s32 s26, $0x4C00;
	_ =	swait.ge [sflag:s24], $0x8000  }
.Ltmp4:
0x59: {  	[sflag:s24] =	ssyncset.done $0x0;
	(pc) =	sbr.rel @p1 .LBB2_10-.Ltmp4, $4  }
0x5a: {  	s26 =	sadd.s32 $0x2800, s28;
	[sflag:s24] =	ssyncadd.s32 $0xFFFF8000  }
0x5b: {  	[spmem:s3] =	stream.indirect.scatter.add.f32 [tilespmem:s23], [sflag:$0x2], $0x80, s26, s22, $0xb8;
	[tilespmem:$0x1FC00] =	vst v63  }
0x5c: {  	_ =	swait.ge [sflag:s18], $0x8000  }
0x5d: {  	s26 =	smov.u32 s29;
	[sflag:s18] =	ssyncset.done $0x0  }
.Ltmp5:
0x5e: {  	_ = 	snop;
	(pc) =	sbr.rel .LBB2_11-.Ltmp5, $1  }
0x5f: {  	_ =	sdelay $0x3  }
.LBB2_2:
0x60: {  	s25 =	sor.u32 $0x1C02, s15  }
0x61: {  	[spmem:s17], [sflag:s25] =	dma.local [hbm:s9], $0x2800  }
0x62: {  	_ =	swait.ge [sflag:s18], $0x2800  }
0x63: {  	[sflag:s18] =	ssyncset.done $0x0  }
0x64: {  	[sflag:s18] =	ssyncadd.s32 $0xFFFFD800  }
0x65: {  	[bflag:$0x0] =	sbarrier.arrive $0xFFFF  }
0x66: {  	[tilespmem:s21], [sflag:$0x2] =	stream.strided.gather [hbm4b:s10+s19], $0x2800, s20, s19, $0x38;
	[tilespmem:$0x1FC00] =	vst v63  }
0x67: {  	_ =	swait.ge [sflag:s18], $0x2800  }
0x68: {  	[sflag:s18] =	ssyncset.done $0x0  }
0x69: {  	s26 =	simm.s32 $0x0;
	[sflag:s18] =	ssyncadd.s32 $0xFFFFD800  }
0x6a: {  	[tilespmem:s26], [sflag:$0x2] =	stream.strided.gather [hbm4b:s13+s19], $0x1400, s20, s19, $0x38;
	[tilespmem:$0x1FC00] =	vst v63  }
0x6b: {  	_ =	swait.ge [sflag:s18], $0x1400  }
0x6c: {  	[sflag:s18] =	ssyncset.done $0x0  }
0x6d: {  	s30 =	simm.s32 $0x0;
	[sflag:s18] =	ssyncadd.s32 $0xFFFFEC00  }
0x6e: {  	[tilespmem:s23], [sflag:$0x1] =	stream.indirect.gather [hbm4b:s2+s22], $0x80, s30, s22, $0xb8;
	[tilespmem:$0x1FC00] =	vst v63  }
0x6f: {  	_ =	swait.ge [sflag:s24], $0x8000  }
0x70: {  	[sflag:s24] =	ssyncset.done $0x0  }
0x71: {  	s31 =	simm.s32 $0x1400;
	[sflag:s24] =	ssyncadd.s32 $0xFFFF8000  }
0x72: {  	[spmem:s3] =	stream.indirect.scatter.add.f32 [tilespmem:s23], [sflag:$0x2], $0x80, s31, s22, $0xb8;
	[tilespmem:$0x1FC00] =	vst v63  }
0x73: {  	_ =	swait.ge [sflag:s18], $0x8000  }
0x74: {  	s28 =	simm.s32 $0x800;
	s26 =	simm.s32 $0x400;
	[sflag:s18] =	ssyncset.done $0x0  }
.LBB2_3:
0x75: {  	s29 =	sshra.s32 s26, $0x2  }
0x76: {  	[sflag:s18] =	ssyncadd.s32 $0xFFFF8000;
	s26 =	smov.u32 s28;
	s30 =	sadd.s32 $0x400, s28  }
0x77: {  	[tilespmem:s23], [sflag:$0x1] =	stream.indirect.gather [hbm4b:s2+s22], $0x80, s29, s22, $0xb8;
	[tilespmem:$0x1FC00] =	vst v63  }
0x78: {  	p1 =	sne.s32 s28, $0x4C00;
	_ =	swait.ge [sflag:s24], $0x8000  }
.Ltmp6:
0x79: {  	[sflag:s24] =	ssyncset.done $0x0;
	(pc) =	sbr.rel @p1 .LBB2_3-.Ltmp6, $4  }
0x7a: {  	s28 =	sadd.s32 $0x1400, s29;
	[sflag:s24] =	ssyncadd.s32 $0xFFFF8000  }
0x7b: {  	[spmem:s3] =	stream.indirect.scatter.add.f32 [tilespmem:s23], [sflag:$0x2], $0x80, s28, s22, $0xb8;
	[tilespmem:$0x1FC00] =	vst v63  }
0x7c: {  	_ =	swait.ge [sflag:s18], $0x8000  }
0x7d: {  	s28 =	smov.u32 s30;
	[sflag:s18] =	ssyncset.done $0x0  }
0x7e: {  	s26 =	sshra.s32 s26, $0x2;
	[sflag:s18] =	ssyncadd.s32 $0xFFFF8000  }
0x7f: {  	[tilespmem:s23], [sflag:$0x1] =	stream.indirect.gather [hbm4b:s2+s22], $0x80, s26, s22, $0xb8;
	[tilespmem:$0x1FC00] =	vst v63  }
0x80: {  	_ =	swait.ge [sflag:s24], $0x8000  }
0x81: {  	[sflag:s24] =	ssyncset.done $0x0  }
0x82: {  	s26 =	sadd.s32 $0x1400, s26;
	[sflag:s24] =	ssyncadd.s32 $0xFFFF8000  }
0x83: {  	[spmem:s3] =	stream.indirect.scatter.add.f32 [tilespmem:s23], [sflag:$0x2], $0x80, s26, s22, $0xb8;
	[tilespmem:$0x1FC00] =	vst v63  }
0x84: {  	_ =	swait.ge [sflag:s18], $0x8000  }
0x85: {  	[sflag:s18] =	ssyncset.done $0x0  }
0x86: {  	s29 =	simm.s32 $0x0;
	[sflag:s18] =	ssyncadd.s32 $0xFFFF8000  }
0x87: {  	[tilespmem:s29], [sflag:$0x2] =	stream.strided.gather [hbm4b:s14+s19], $0x1400, s20, s19, $0x38;
	[tilespmem:$0x1FC00] =	vst v63  }
0x88: {  	_ =	swait.ge [sflag:s18], $0x1400  }
0x89: {  	[sflag:s18] =	ssyncset.done $0x0  }
0x8a: {  	s30 =	simm.s32 $0x0;
	[sflag:s18] =	ssyncadd.s32 $0xFFFFEC00  }
0x8b: {  	[tilespmem:s23], [sflag:$0x1] =	stream.indirect.gather [hbm4b:s2+s22], $0x80, s30, s22, $0xb8;
	[tilespmem:$0x1FC00] =	vst v63  }
0x8c: {  	_ =	swait.ge [sflag:s24], $0x8000  }
0x8d: {  	[sflag:s24] =	ssyncset.done $0x0  }
0x8e: {  	s31 =	simm.s32 $0x2800;
	[sflag:s24] =	ssyncadd.s32 $0xFFFF8000  }
0x8f: {  	[spmem:s3] =	stream.indirect.scatter.add.f32 [tilespmem:s23], [sflag:$0x2], $0x80, s31, s22, $0xb8;
	[tilespmem:$0x1FC00] =	vst v63  }
0x90: {  	_ =	swait.ge [sflag:s18], $0x8000  }
0x91: {  	s28 =	simm.s32 $0x800;
	s26 =	simm.s32 $0x400;
	[sflag:s18] =	ssyncset.done $0x0  }
.LBB2_5:
0x92: {  	s29 =	sshra.s32 s26, $0x2  }
0x93: {  	[sflag:s18] =	ssyncadd.s32 $0xFFFF8000;
	s26 =	smov.u32 s28;
	s30 =	sadd.s32 $0x400, s28  }
0x94: {  	[tilespmem:s23], [sflag:$0x1] =	stream.indirect.gather [hbm4b:s2+s22], $0x80, s29, s22, $0xb8;
	[tilespmem:$0x1FC00] =	vst v63  }
0x95: {  	p1 =	seq.s32 s28, $0x4C00;
	_ =	swait.ge [sflag:s24], $0x8000  }
.Ltmp7:
0x96: {  	[sflag:s24] =	ssyncset.done $0x0;
	(pc) =	sbr.rel @!p1 .LBB2_5-.Ltmp7, $4  }
0x97: {  	s28 =	sadd.s32 $0x2800, s29;
	[sflag:s24] =	ssyncadd.s32 $0xFFFF8000  }
0x98: {  	[spmem:s3] =	stream.indirect.scatter.add.f32 [tilespmem:s23], [sflag:$0x2], $0x80, s28, s22, $0xb8;
	[tilespmem:$0x1FC00] =	vst v63  }
0x99: {  	_ =	swait.ge [sflag:s18], $0x8000  }
0x9a: {  	s28 =	smov.u32 s30;
	[sflag:s18] =	ssyncset.done $0x0  }
0x9b: {  	s26 =	sshra.s32 s26, $0x2;
	[sflag:s18] =	ssyncadd.s32 $0xFFFF8000  }
0x9c: {  	[tilespmem:s23], [sflag:$0x1] =	stream.indirect.gather [hbm4b:s2+s22], $0x80, s26, s22, $0xb8;
	[tilespmem:$0x1FC00] =	vst v63  }
0x9d: {  	_ =	swait.ge [sflag:s24], $0x8000  }
0x9e: {  	[sflag:s24] =	ssyncset.done $0x0  }
.Ltmp8:
0x9f: {  	s26 =	sadd.s32 $0x2800, s26;
	[sflag:s24] =	ssyncadd.s32 $0xFFFF8000;
	(pc) =	sbr.rel .LBB2_12-.Ltmp8, $4  }
0xa0: {  	[spmem:s3] =	stream.indirect.scatter.add.f32 [tilespmem:s23], [sflag:$0x2], $0x80, s26, s22, $0xb8;
	[tilespmem:$0x1FC00] =	vst v63  }
0xa1: {  	_ =	swait.ge [sflag:s18], $0x8000  }
0xa2: {  	[sflag:s18] =	ssyncset.done $0x0  }
0xa3: {  	s26 =	smov.u32 s6;
	[sflag:s18] =	ssyncadd.s32 $0xFFFF8000  }
.LBB2_13:
0xa4: {  	_ =	sfence.sel $0x180000  }
0xa5: {  	[bflag:$0x0] =	sbarrier.arrive $0xFFFF  }
0xa6: {  	p0 =	sne.s32 s1, $0x0;
	_ =	strace $0x9000004A  }
0xa7: {  	s0 =	sadd.s32 @!p0 $0x100000, s0;
	[bflag:$0x2] =	sbarrier.arrive $0xFFFF  }
0xa8: {  	[sflag:s0] =	ssyncadd.tile.s32 @!p0 $0x1;
	_ =	shalt  }
.Lfunc_end2:
_tile_overlayer_lowered:
.L_overlay_start_2:
0xa9: {  	(tag) =	ssettag $0x2  }
0xaa: {  	s0 =	rddreg [dreg:$0x0];
	s2 =	stileid.u32  }
0xab: {  	s1 =	rddreg [dreg:$0x1];
	p0 =	sne.s32 s2, $0x0  }
0xac: {  	s3 =	rddreg [dreg:$0x2];
	[bflag:$0x3] =	sbarrier.arrive $0xFFFF;
	s2 =	simm.s32 @!p0 $0x1C02  }
0xad: {  	[timem:s3], [sflag:s2] =	dma.local @!p0 [hbm:s0], s1  }
0xae: {  	s0 =	simm.s32 @!p0 $0x2  }
0xaf: {  	_ =	swait.ge @!p0 [sflag:s0], s1  }
0xb0: {  	s1 =	ssub.s32 @!p0 $0x0, s1;
	[sflag:s0] =	ssyncset.done @!p0 $0x0  }
0xb1: {  	[sflag:s0] =	ssyncadd.s32 @!p0 s1  }
0xb2: {  	[bflag:$0x3] =	sbarrier.arrive $0xFFFF  }
0xb3: {  	_ =	shalt  }

// kernel: kernel.16.cloned.1.call-start
scs
__scs_entry_jumppad:
0x0: {  	(pc) =	sbr.rel $0x88, $3  }
0x1: {  	(tag) =	ssettag $0x0;
	lr =	simm.s32 $0x1  }
0x2: {  	[smem:$0x3F99] =	sst lr;
	_ =	strace $0xD0000000  }
0x3: {  	_ = 	snop  }
0x4: {  	_ = 	snop  }
0x5: {  	_ = 	snop  }
0x6: {  	_ = 	snop  }
0x7: {  	_ = 	snop  }
__scs_overlays_trampoline_lowered:
0x8: {  	[smem:$0x3FA8] =	sst s0  }
0x9: {  	[smem:$0x3FA9] =	sst s1  }
0xa: {  	[smem:$0x3FAA] =	sst s2  }
0xb: {  	[smem:$0x3FAB] =	sst s3  }
0xc: {  	[smem:$0x3FAC] =	sst s4  }
0xd: {  	[smem:$0x3FAD] =	sst s5  }
0xe: {  	[smem:$0x3FAE] =	sst s6  }
0xf: {  	[smem:$0x3FAF] =	sst s7  }
0x10: {  	[smem:$0x3FB0] =	sst s8  }
0x11: {  	[smem:$0x3FB1] =	sst s9;
	s0 =	simm.s32 @!p0 $0x0  }
0x12: {  	s1 =	sld [smem:$0x3F97];
	s0 =	simm.s32 @p0 $0x1  }
0x13: {  	[smem:$0x3FB2] =	sst s0;
	s0 =	simm.s32 @!p1 $0x0  }
0x14: {  	s2 =	sld [smem:$0x3F96];
	s0 =	simm.s32 @p1 $0x1  }
0x15: {  	[smem:$0x3FB3] =	sst s0;
	s0 =	simm.s32 @!p2 $0x0  }
0x16: {  	s3 =	sld [smem:$0x3FDB];
	s0 =	simm.s32 @p2 $0x1  }
0x17: {  	s4 =	simm.s32 $0x1BF5;
	[smem:$0x3FB5] =	sst s0  }
0x18: {  	s0 =	sld [smem:$0x3F98];
	_ =	swait.ge [sflag:s4], $0x0  }
0x19: {  	s7 =	sld [smem:$0x3F99]  }
0x1a: {  	s8 =	sadd.s32 $0xFFFFE003, lr  }
0x1b: {  	s9 =	sadd.s32 $0xFFFFFEF7, lr;
	s5 =	simm.s32 $0xFFFFFFFF;
	p2 =	slt.u32 s8, $0xFFFFF086  }
0x1c: {  	p1 =	slt.u32 s9, $0xF7A;
	s5 =	simm.s32 @!p2 $0x0  }
0x1d: {  	s5 =	simm.s32 @p1 $0x1;
	p0 =	seq.s32 s7, s2  }
0x1e: {  	s7 =	smul.u32 @!p0 $0xF7A, s2;
	p2 =	seq.s32 @!p0 s5, $0x0  }
0x1f: {  	s9 =	smul.u32 $0xF7A, s1;
	s8 =	simm.s32 @!p0 $0x1BF5;
	p2 =	por !p2, p0  }
0x20: {  	[sflag:s8] =	ssyncset.s32 @!p0 $0xFFFFF086;
	s6 =	sadd.s32 @!p0 s3, s7;
	s7 =	simm.s32 @!p0 $0x108  }
0x21: {  	s3 =	sadd.s32 s3, s9;
	s6 =	sadd.s32 @!p0 $0x88, s6;
	s7 =	simm.s32 @p2 $0x1082  }
0x22: {  	[simem:s7], [sflag:s8] =	dma.local @!p0 [hbm:s6], $0xF7A  }
0x23: {  	s9 =	sor.u32 $0xD0000000, s2;
	s6 =	simm.s32 $0x108;
	_ =	swait.ge @!p0 [sflag:s8], $0x0  }
0x24: {  	s3 =	sadd.s32 $0x88, s3;
	s6 =	simm.s32 @!p1 $0x1082;
	[sflag:s4] =	ssyncset.s32 $0xFFFFF086  }
0x25: {  	[simem:s6], [sflag:s4] =	dma.local [hbm:s3], $0xF7A  }
0x26: {  	[smem:$0x3F99] =	sst s1;
	(tag) =	ssettag s2;
	_ =	strace s9  }
0x27: {  	s1 =	sld [smem:$0x3FA9]  }
0x28: {  	s2 =	sld [smem:$0x3FAA]  }
0x29: {  	s4 =	sld [smem:$0x3FAC]  }
0x2a: {  	p0 =	seq.s32 s5, $0x0;
	s5 =	sld [smem:$0x3FAD]  }
0x2b: {  	s6 =	sld [smem:$0x3FAE]  }
0x2c: {  	s7 =	sld [smem:$0x3FAF]  }
0x2d: {  	s3 =	simm.s32 $0x108;
	s8 =	sld [smem:$0x3FB0]  }
0x2e: {  	s3 =	simm.s32 @!p0 $0x1082;
	s9 =	sld [smem:$0x3FB1]  }
0x2f: {  	lr =	sadd.s32 s0, s3;
	s0 =	sld [smem:$0x3FA8]  }
0x30: {  	s3 =	sld [smem:$0x3FAB]  }
0x31: {  	[smem:$0x3FB4] =	sst s10  }
0x32: {  	s10 =	sld [smem:$0x3FB2];
	_ =	sdelay $0x3  }
0x33: {  	p0 =	seq.s32 s10, $0x1;
	s10 =	sld [smem:$0x3FB4];
	_ =	sdelay $0x3  }
0x34: {  	[smem:$0x3FB4] =	sst s10  }
0x35: {  	s10 =	sld [smem:$0x3FB3];
	_ =	sdelay $0x3  }
0x36: {  	p1 =	seq.s32 s10, $0x1;
	s10 =	sld [smem:$0x3FB4];
	_ =	sdelay $0x3  }
0x37: {  	[smem:$0x3FB4] =	sst s10  }
0x38: {  	s10 =	sld [smem:$0x3FB5]  }
0x39: {  	_ = 	snop;
	(pc) =	sbr.ind lr, $3  }
0x3a: {  	_ = 	snop  }
0x3b: {  	_ = 	snop  }
0x3c: {  	p2 =	seq.s32 s10, $0x1;
	s10 =	sld [smem:$0x3FB4]  }
0x3d: {  	_ =	shalt  }
0x3e: {  	_ =	shalt  }
0x3f: {  	_ =	shalt  }
0x40: {  	_ =	shalt  }
0x41: {  	_ =	shalt  }
0x42: {  	_ =	shalt  }
0x43: {  	_ =	shalt  }
0x44: {  	_ =	shalt  }
0x45: {  	_ =	shalt  }
0x46: {  	_ =	shalt  }
0x47: {  	_ =	shalt  }
0x48: {  	_ =	shalt  }
0x49: {  	_ =	shalt  }
0x4a: {  	_ =	shalt  }
0x4b: {  	_ =	shalt  }
0x4c: {  	_ =	shalt  }
0x4d: {  	_ =	shalt  }
0x4e: {  	_ =	shalt  }
0x4f: {  	_ =	shalt  }
0x50: {  	_ =	shalt  }
0x51: {  	_ =	shalt  }
0x52: {  	_ =	shalt  }
0x53: {  	_ =	shalt  }
0x54: {  	_ =	shalt  }
0x55: {  	_ =	shalt  }
0x56: {  	_ =	shalt  }
0x57: {  	_ =	shalt  }
0x58: {  	_ =	shalt  }
0x59: {  	_ =	shalt  }
0x5a: {  	_ =	shalt  }
0x5b: {  	_ =	shalt  }
0x5c: {  	_ =	shalt  }
0x5d: {  	_ =	shalt  }
0x5e: {  	_ =	shalt  }
0x5f: {  	_ =	shalt  }
0x60: {  	_ =	shalt  }
0x61: {  	_ =	shalt  }
0x62: {  	_ =	shalt  }
0x63: {  	_ =	shalt  }
0x64: {  	_ =	shalt  }
0x65: {  	_ =	shalt  }
0x66: {  	_ =	shalt  }
0x67: {  	_ =	shalt  }
0x68: {  	_ =	shalt  }
0x69: {  	_ =	shalt  }
0x6a: {  	_ =	shalt  }
0x6b: {  	_ =	shalt  }
0x6c: {  	_ =	shalt  }
0x6d: {  	_ =	shalt  }
0x6e: {  	_ =	shalt  }
0x6f: {  	_ =	shalt  }
0x70: {  	_ =	shalt  }
0x71: {  	_ =	shalt  }
0x72: {  	_ =	shalt  }
0x73: {  	_ =	shalt  }
0x74: {  	_ =	shalt  }
0x75: {  	_ =	shalt  }
0x76: {  	_ =	shalt  }
0x77: {  	_ =	shalt  }
0x78: {  	_ =	shalt  }
0x79: {  	_ =	shalt  }
0x7a: {  	_ =	shalt  }
0x7b: {  	_ =	shalt  }
0x7c: {  	_ =	shalt  }
0x7d: {  	_ =	shalt  }
0x7e: {  	_ =	shalt  }
0x7f: {  	_ =	shalt  }
0x80: {  	_ =	shalt  }
0x81: {  	_ =	shalt  }
0x82: {  	_ =	shalt  }
0x83: {  	_ =	shalt  }
0x84: {  	_ =	shalt  }
0x85: {  	_ =	shalt  }
0x86: {  	_ =	shalt  }
0x87: {  	_ =	shalt  }
.Lfunc_end0:
.L_simem_size_0:
called_computation.2_lowered:
.L_overlay_start_0:
0x88: {  	s2 =	sld [smem:$0x3FD9]  }
0x89: {  	s3 =	sld [smem:$0x3FFE];
	_ =	sdelay $0x1  }
0x8a: {  	s1 =	srdreg.scid  }
0x8b: {  	s0 =	sand.u32 $0x1, s1  }
0x8c: {  	s17 =	sshll.u32 s0, $0xA;
	s2 =	sadd.s32 s3, s2  }
0x8d: {  	s2 =	sadd.s32 s2, s17  }
0x8e: {  	[smem:$0x3FC0] =	sst s2  }
0x8f: {  	_ = 	snop  }
0x90: {  	s2 =	sld [smem:$0x3FD0];
	(tm) =	ssettm $0x1  }
0x91: {  	s18 =	sld [smem:$0x3FFB];
	_ =	sdelay $0x3  }
0x92: {  	_ =	strace s18  }
0x93: {  	s3 =	sld [smem:$0x3FFC];
	_ =	sdelay $0x3  }
0x94: {  	_ =	strace s3  }
0x95: {  	s3 =	sld [smem:$0x3FFD];
	_ =	sdelay $0x3  }
0x96: {  	_ =	strace s3  }
0x97: {  	_ =	strace $0x8FFFFFFF  }
0x98: {  	s19 =	sld [smem:$0x3FDB];
	_ =	sdelay $0x1  }
0x99: {  	s4 =	simm.s32 $_scs_section_size  }
0x9a: {  	s5 =	simm.s32 $_size__tile_overlayer_lowered;
	s6 =	simm.s32 $_tile_overlayer_lowered  }
0x9b: {  	s22 =	simm.s32 $0x1BFF;
	s21 =	sshll.u32 s6, $0x1;
	s3 =	sadd.s32 s4, s19  }
0x9c: {  	s7 =	simm.s32 $0x0;
	s20 =	sshll.u32 s5, $0x1;
	s5 =	sadd.s32 s21, s3  }
0x9d: {  	[timem:s7], [sflag:s22] =	dma.local [hbm:s5], s20  }
0x9e: {  	_ =	swait.ge [sflag:s22], s20  }
0x9f: {  	s4 =	ssub.s32 $0x0, s20;
	[sflag:s22] =	ssyncset.done $0x0  }
0xa0: {  	[sflag:s22] =	ssyncadd.s32 s4;
	_ =	sdelay $0x1  }
0xa1: {  	s23 =	simm.s32 $0x1B8B  }
0xa2: {  	_ =	swait.ge [sflag:s23], $0x1  }
0xa3: {  	[sflag:s23] =	ssyncset.done $0x0  }
0xa4: {  	s25 =	simm.s32 $0x1B8E;
	s24 =	sld [smem:$0x3FFE];
	[sflag:s23] =	ssyncadd.s32 $0xFFFFFFFF  }
0xa5: {  	s26 =	simm.s32 $execute0_lowered;
	[smem:$0x3FD2] =	sst s25  }
0xa6: {  	s5 =	sshll.u32 s26, $0x1;
	_ =	strace $0x8000004C;
	[dreg:$0x1] =	wrdreg $0xFFFFFFFF  }
0xa7: {  	s28 =	simm.s32 $_size_execute0_lowered;
	s3 =	sadd.s32 s3, s5;
	[dreg:$0x0] =	wrdreg $0x0  }
0xa8: {  	s5 =	sshll.u32 s28, $0x1;
	[dreg:$0x2] =	wrdreg s3  }
0xa9: {  	[dreg:$0x3] =	wrdreg s5  }
0xaa: {  	[dreg:$0x4] =	wrdreg $0xC0  }
0xab: {  	_ =	task [dreg:s7], $0x5FFFF  }
0xac: {  	[dreg:$0x1] =	wrdreg $0xFFFFFFFF  }
0xad: {  	[dreg:$0x0] =	wrdreg $0x60  }
0xae: {  	[dreg:$0x2] =	wrdreg s2  }
0xaf: {  	[dreg:$0x3] =	wrdreg s24  }
0xb0: {  	[dreg:$0x4] =	wrdreg $0xBC000  }
0xb1: {  	[dreg:$0x5] =	wrdreg $0x9  }
0xb2: {  	_ =	task.clear_ibuf [dreg:s7], $0x6FFFF;
	_ =	strace $0x9000004C  }
0xb3: {  	s29 =	simm.s32 $0x9;
	_ =	strace $0x8000004E  }
0xb4: {  	_ =	swait.ge [sflag:s29], $0x1  }
0xb5: {  	[sflag:s29] =	ssyncadd.s32 $0xFFFFFFFF  }
0xb6: {  	_ =	strace $0x9000004E  }
0xb7: {  	_ =	sfence  }
0xb8: {  	s30 =	sld [smem:$0x0];
	_ =	sdelay $0x2  }
0xb9: {  	s31 =	sshll.u32 s1, $0xD;
	s1 =	sshrl.u32 s1, $0x2  }
0xba: {  	s3 =	sand.u32 $0x4000, s31;
	s1 =	sadd.s32 s1, s30  }
0xbb: {  	s0 =	sor.u32 s3, s0;
	s1 =	sshll.u32 s1, $0x11  }
0xbc: {  	s0 =	sor.u32 s1, s0  }
0xbd: {  	s0 =	sadd.s32 $0x8F2B, s0  }
0xbe: {  	[sflag:s0] =	ssyncadd.remote.s32 $0x1  }
0xbf: {  	_ =	sfence.sel $0xFFFF  }
0xc0: {  	[dreg:$0x0] =	wrdreg $0xFFFFFFFF;
	(pc) =	sbr.abs _section_cstart, $3  }
0xc1: {  	[dreg:$0x1] =	wrdreg $0xFFFFFFFF  }
0xc2: {  	_ =	task.clear_ibuf [dreg:s7], $0x2FFFF;
	_ =	strace $0x9FFFFFFF  }
0xc3: {  	(tm) =	ssettm $0x7FFFFFFF  }
tec
execute0_lowered:
.L_overlay_start_1:
0x0: {  	(tag) =	ssettag $0x1  }
0x1: {  	s2 =	rddreg [dreg:$0x0]  }
0x2: {  	s8 =	rddreg [dreg:$0x1]  }
0x3: {  	s3 =	rddreg [dreg:$0x2]  }
0x4: {  	s1 =	stileid.u32;
	s0 =	rddreg [dreg:$0x3];
	s4 =	simm.s32 $0x0  }
0x5: {  	s7 =	srdreg.scid;
	s18 =	simm.s32 $0x2;
	s19 =	simm.s32 $0x80  }
0x6: {  	s20 =	simm.s32 $0x400;
	s21 =	simm.s32 $0x1400;
	s22 =	simm.s32 $0x100  }
0x7: {  	s23 =	simm.s32 $0x3C00;
	s24 =	simm.s32 $0x1;
	s5 =	sshrl.u32 s1, $0x3  }
0x8: {  	s6 =	sshll.u32 s1, $0x7;
	[smem:$0x7FF] =	sst s4;
	s11 =	smul.u32 $0x50000, s1  }
0x9: {  	s9 =	sand.u32 $0x1, s7;
	s7 =	smul.u32 $0x2800, s1;
	s15 =	sshll.u32 s1, $0x6  }
0xa: {  	s5 =	smul.u32 $0x14000, s5;
	s6 =	sand.u32 $0x380, s6;
	_ =	strace $0x8000004D  }
0xb: {  	s10 =	ssub.s32 $0x2, s9;
	p0 =	seq.s32 s9, $0x1;
	s16 =	sor.u32 $0x1C02, s15  }
0xc: {  	s12 =	sshrl.u32 s10, $0x1;
	s31 =	sshrl.u32 s11, $0x2;
	s9 =	sadd.s32 s2, s7  }
.Ltmp0:
0xd: {  	s6 =	sor.u32 s6, s5;
	s5 =	sadd.s32 $0x65000, s8;
	(pc) =	sbr.rel .LBB2_1-.Ltmp0, $4  }
0xe: {  	s12 =	ssub.s32 s10, s12;
	s17 =	sadd.s32 s31, s3;
	s6 =	sshrl.u32 s6, $0x3  }
0xf: {  	s11 =	sadd.s32 s5, s7;
	s12 =	smax.u32 s12, $0x1;
	s17 =	sshrl.u32 s17, $0x3  }
0x10: {  	s14 =	sadd.s32 s6, s8;
	s6 =	sadd.s32 $0x8D000, s8;
	s8 =	sadd.s32 $0xB5000, s8  }
0x11: {  	s10 =	sadd.s32 $0x60000, s14;
	s13 =	sadd.s32 $0x5B000, s14;
	s14 =	sadd.s32 $0x5C400, s14  }
.LBB2_11:
0x12: {  	s25 =	sshra.s32 s25, $0x2;
	[sflag:s18] =	ssyncadd.s32 $0xFFFF8000  }
0x13: {  	[tilespmem:s23], [sflag:$0x1] =	stream.indirect.gather [hbm4b:s5+s22], $0x80, s25, s22, $0xb8;
	[tilespmem:$0x1FC00] =	vst v63  }
0x14: {  	_ =	swait.ge [sflag:s24], $0x8000  }
0x15: {  	[sflag:s24] =	ssyncset.done $0x0  }
0x16: {  	s25 =	sadd.s32 $0x2800, s25;
	[sflag:s24] =	ssyncadd.s32 $0xFFFF8000  }
0x17: {  	[spmem:s3] =	stream.indirect.scatter.add.f32 [tilespmem:s23], [sflag:$0x2], $0x80, s25, s22, $0xb8;
	[tilespmem:$0x1FC00] =	vst v63  }
0x18: {  	_ =	swait.ge [sflag:s18], $0x8000  }
0x19: {  	[sflag:s18] =	ssyncset.done $0x0  }
0x1a: {  	s26 =	smov.u32 s8;
	s25 =	smov.u32 s16;
	[sflag:s18] =	ssyncadd.s32 $0xFFFF8000  }
.LBB2_12:
0x1b: {  	s4 =	sadd.s32 $0x1, s4  }
0x1c: {  	p1 =	sne.s32 s4, s12  }
.Ltmp1:
0x1d: {  	s26 =	sadd.s32 s26, s7;
	[bflag:$0x0] =	sbarrier.arrive $0xFFFF;
	(pc) =	sbr.rel @!p1 .LBB2_13-.Ltmp1, $4  }
0x1e: {  	[hbm:s26], [sflag:s25] =	dma.local [spmem:s17], $0x2800  }
0x1f: {  	_ =	swait.ge [sflag:s18], $0x2800  }
0x20: {  	[sflag:s18] =	ssyncset.done $0x0  }
0x21: {  	[sflag:s18] =	ssyncadd.s32 $0xFFFFD800  }
.LBB2_1:
.Ltmp2:
0x22: {  	(pc) =	sbr.rel @!p0 .LBB2_2-.Ltmp2, $1  }
0x23: {  	_ =	sdelay $0x3  }
0x24: {  	[spmem:s17], [sflag:s16] =	dma.local [hbm:s11], $0x2800  }
0x25: {  	_ =	swait.ge [sflag:s18], $0x2800  }
0x26: {  	[sflag:s18] =	ssyncset.done $0x0  }
0x27: {  	[sflag:s18] =	ssyncadd.s32 $0xFFFFD800  }
0x28: {  	[bflag:$0x0] =	sbarrier.arrive $0xFFFF  }
0x29: {  	[tilespmem:s21], [sflag:$0x2] =	stream.strided.gather [hbm4b:s10+s19], $0x2800, s20, s19, $0x38;
	[tilespmem:$0x1FC00] =	vst v63  }
0x2a: {  	_ =	swait.ge [sflag:s18], $0x2800  }
0x2b: {  	[sflag:s18] =	ssyncset.done $0x0  }
0x2c: {  	s25 =	simm.s32 $0x0;
	[sflag:s18] =	ssyncadd.s32 $0xFFFFD800  }
0x2d: {  	[tilespmem:s25], [sflag:$0x2] =	stream.strided.gather [hbm4b:s13+s19], $0x1400, s20, s19, $0x38;
	[tilespmem:$0x1FC00] =	vst v63  }
0x2e: {  	_ =	swait.ge [sflag:s18], $0x1400  }
0x2f: {  	[sflag:s18] =	ssyncset.done $0x0  }
0x30: {  	s30 =	simm.s32 $0x0;
	[sflag:s18] =	ssyncadd.s32 $0xFFFFEC00  }
0x31: {  	[tilespmem:s23], [sflag:$0x1] =	stream.indirect.gather [hbm4b:s5+s22], $0x80, s30, s22, $0xb8;
	[tilespmem:$0x1FC00] =	vst v63  }
0x32: {  	_ =	swait.ge [sflag:s24], $0x8000  }
0x33: {  	[sflag:s24] =	ssyncset.done $0x0  }
0x34: {  	s31 =	simm.s32 $0x1400;
	[sflag:s24] =	ssyncadd.s32 $0xFFFF8000  }
0x35: {  	[spmem:s3] =	stream.indirect.scatter.add.f32 [tilespmem:s23], [sflag:$0x2], $0x80, s31, s22, $0xb8;
	[tilespmem:$0x1FC00] =	vst v63  }
0x36: {  	_ =	swait.ge [sflag:s18], $0x8000  }
0x37: {  	s26 =	simm.s32 $0x800;
	s25 =	simm.s32 $0x400;
	[sflag:s18] =	ssyncset.done $0x0  }
.LBB2_8:
0x38: {  	s28 =	sshra.s32 s25, $0x2  }
0x39: {  	[sflag:s18] =	ssyncadd.s32 $0xFFFF8000;
	s25 =	smov.u32 s26;
	s29 =	sadd.s32 $0x400, s26  }
0x3a: {  	[tilespmem:s23], [sflag:$0x1] =	stream.indirect.gather [hbm4b:s5+s22], $0x80, s28, s22, $0xb8;
	[tilespmem:$0x1FC00] =	vst v63  }
0x3b: {  	p1 =	sne.s32 s26, $0x4C00;
	_ =	swait.ge [sflag:s24], $0x8000  }
.Ltmp3:
0x3c: {  	[sflag:s24] =	ssyncset.done $0x0;
	(pc) =	sbr.rel @p1 .LBB2_8-.Ltmp3, $4  }
0x3d: {  	s26 =	sadd.s32 $0x1400, s28;
	[sflag:s24] =	ssyncadd.s32 $0xFFFF8000  }
0x3e: {  	[spmem:s3] =	stream.indirect.scatter.add.f32 [tilespmem:s23], [sflag:$0x2], $0x80, s26, s22, $0xb8;
	[tilespmem:$0x1FC00] =	vst v63  }
0x3f: {  	_ =	swait.ge [sflag:s18], $0x8000  }
0x40: {  	s26 =	smov.u32 s29;
	[sflag:s18] =	ssyncset.done $0x0  }
0x41: {  	s25 =	sshra.s32 s25, $0x2;
	[sflag:s18] =	ssyncadd.s32 $0xFFFF8000  }
0x42: {  	[tilespmem:s23], [sflag:$0x1] =	stream.indirect.gather [hbm4b:s5+s22], $0x80, s25, s22, $0xb8;
	[tilespmem:$0x1FC00] =	vst v63  }
0x43: {  	_ =	swait.ge [sflag:s24], $0x8000  }
0x44: {  	[sflag:s24] =	ssyncset.done $0x0  }
0x45: {  	s25 =	sadd.s32 $0x1400, s25;
	[sflag:s24] =	ssyncadd.s32 $0xFFFF8000  }
0x46: {  	[spmem:s3] =	stream.indirect.scatter.add.f32 [tilespmem:s23], [sflag:$0x2], $0x80, s25, s22, $0xb8;
	[tilespmem:$0x1FC00] =	vst v63  }
0x47: {  	_ =	swait.ge [sflag:s18], $0x8000  }
0x48: {  	[sflag:s18] =	ssyncset.done $0x0  }
0x49: {  	s29 =	simm.s32 $0x0;
	[sflag:s18] =	ssyncadd.s32 $0xFFFF8000  }
0x4a: {  	[tilespmem:s29], [sflag:$0x2] =	stream.strided.gather [hbm4b:s14+s19], $0x1400, s20, s19, $0x38;
	[tilespmem:$0x1FC00] =	vst v63  }
0x4b: {  	_ =	swait.ge [sflag:s18], $0x1400  }
0x4c: {  	[sflag:s18] =	ssyncset.done $0x0  }
0x4d: {  	s30 =	simm.s32 $0x0;
	[sflag:s18] =	ssyncadd.s32 $0xFFFFEC00  }
0x4e: {  	[tilespmem:s23], [sflag:$0x1] =	stream.indirect.gather [hbm4b:s5+s22], $0x80, s30, s22, $0xb8;
	[tilespmem:$0x1FC00] =	vst v63  }
0x4f: {  	_ =	swait.ge [sflag:s24], $0x8000  }
0x50: {  	[sflag:s24] =	ssyncset.done $0x0  }
0x51: {  	s31 =	simm.s32 $0x2800;
	[sflag:s24] =	ssyncadd.s32 $0xFFFF8000  }
0x52: {  	[spmem:s3] =	stream.indirect.scatter.add.f32 [tilespmem:s23], [sflag:$0x2], $0x80, s31, s22, $0xb8;
	[tilespmem:$0x1FC00] =	vst v63  }
0x53: {  	_ =	swait.ge [sflag:s18], $0x8000  }
0x54: {  	s26 =	simm.s32 $0x800;
	s25 =	simm.s32 $0x400;
	[sflag:s18] =	ssyncset.done $0x0  }
.LBB2_10:
0x55: {  	s28 =	sshra.s32 s25, $0x2  }
0x56: {  	[sflag:s18] =	ssyncadd.s32 $0xFFFF8000;
	s25 =	smov.u32 s26;
	s29 =	sadd.s32 $0x400, s26  }
0x57: {  	[tilespmem:s23], [sflag:$0x1] =	stream.indirect.gather [hbm4b:s5+s22], $0x80, s28, s22, $0xb8;
	[tilespmem:$0x1FC00] =	vst v63  }
0x58: {  	p1 =	sne.s32 s26, $0x4C00;
	_ =	swait.ge [sflag:s24], $0x8000  }
.Ltmp4:
0x59: {  	[sflag:s24] =	ssyncset.done $0x0;
	(pc) =	sbr.rel @p1 .LBB2_10-.Ltmp4, $4  }
0x5a: {  	s26 =	sadd.s32 $0x2800, s28;
	[sflag:s24] =	ssyncadd.s32 $0xFFFF8000  }
0x5b: {  	[spmem:s3] =	stream.indirect.scatter.add.f32 [tilespmem:s23], [sflag:$0x2], $0x80, s26, s22, $0xb8;
	[tilespmem:$0x1FC00] =	vst v63  }
0x5c: {  	_ =	swait.ge [sflag:s18], $0x8000  }
0x5d: {  	s26 =	smov.u32 s29;
	[sflag:s18] =	ssyncset.done $0x0  }
.Ltmp5:
0x5e: {  	_ = 	snop;
	(pc) =	sbr.rel .LBB2_11-.Ltmp5, $1  }
0x5f: {  	_ =	sdelay $0x3  }
.LBB2_2:
0x60: {  	s25 =	sor.u32 $0x1C02, s15  }
0x61: {  	[spmem:s17], [sflag:s25] =	dma.local [hbm:s9], $0x2800  }
0x62: {  	_ =	swait.ge [sflag:s18], $0x2800  }
0x63: {  	[sflag:s18] =	ssyncset.done $0x0  }
0x64: {  	[sflag:s18] =	ssyncadd.s32 $0xFFFFD800  }
0x65: {  	[bflag:$0x0] =	sbarrier.arrive $0xFFFF  }
0x66: {  	[tilespmem:s21], [sflag:$0x2] =	stream.strided.gather [hbm4b:s10+s19], $0x2800, s20, s19, $0x38;
	[tilespmem:$0x1FC00] =	vst v63  }
0x67: {  	_ =	swait.ge [sflag:s18], $0x2800  }
0x68: {  	[sflag:s18] =	ssyncset.done $0x0  }
0x69: {  	s26 =	simm.s32 $0x0;
	[sflag:s18] =	ssyncadd.s32 $0xFFFFD800  }
0x6a: {  	[tilespmem:s26], [sflag:$0x2] =	stream.strided.gather [hbm4b:s13+s19], $0x1400, s20, s19, $0x38;
	[tilespmem:$0x1FC00] =	vst v63  }
0x6b: {  	_ =	swait.ge [sflag:s18], $0x1400  }
0x6c: {  	[sflag:s18] =	ssyncset.done $0x0  }
0x6d: {  	s30 =	simm.s32 $0x0;
	[sflag:s18] =	ssyncadd.s32 $0xFFFFEC00  }
0x6e: {  	[tilespmem:s23], [sflag:$0x1] =	stream.indirect.gather [hbm4b:s2+s22], $0x80, s30, s22, $0xb8;
	[tilespmem:$0x1FC00] =	vst v63  }
0x6f: {  	_ =	swait.ge [sflag:s24], $0x8000  }
0x70: {  	[sflag:s24] =	ssyncset.done $0x0  }
0x71: {  	s31 =	simm.s32 $0x1400;
	[sflag:s24] =	ssyncadd.s32 $0xFFFF8000  }
0x72: {  	[spmem:s3] =	stream.indirect.scatter.add.f32 [tilespmem:s23], [sflag:$0x2], $0x80, s31, s22, $0xb8;
	[tilespmem:$0x1FC00] =	vst v63  }
0x73: {  	_ =	swait.ge [sflag:s18], $0x8000  }
0x74: {  	s28 =	simm.s32 $0x800;
	s26 =	simm.s32 $0x400;
	[sflag:s18] =	ssyncset.done $0x0  }
.LBB2_3:
0x75: {  	s29 =	sshra.s32 s26, $0x2  }
0x76: {  	[sflag:s18] =	ssyncadd.s32 $0xFFFF8000;
	s26 =	smov.u32 s28;
	s30 =	sadd.s32 $0x400, s28  }
0x77: {  	[tilespmem:s23], [sflag:$0x1] =	stream.indirect.gather [hbm4b:s2+s22], $0x80, s29, s22, $0xb8;
	[tilespmem:$0x1FC00] =	vst v63  }
0x78: {  	p1 =	sne.s32 s28, $0x4C00;
	_ =	swait.ge [sflag:s24], $0x8000  }
.Ltmp6:
0x79: {  	[sflag:s24] =	ssyncset.done $0x0;
	(pc) =	sbr.rel @p1 .LBB2_3-.Ltmp6, $4  }
0x7a: {  	s28 =	sadd.s32 $0x1400, s29;
	[sflag:s24] =	ssyncadd.s32 $0xFFFF8000  }
0x7b: {  	[spmem:s3] =	stream.indirect.scatter.add.f32 [tilespmem:s23], [sflag:$0x2], $0x80, s28, s22, $0xb8;
	[tilespmem:$0x1FC00] =	vst v63  }
0x7c: {  	_ =	swait.ge [sflag:s18], $0x8000  }
0x7d: {  	s28 =	smov.u32 s30;
	[sflag:s18] =	ssyncset.done $0x0  }
0x7e: {  	s26 =	sshra.s32 s26, $0x2;
	[sflag:s18] =	ssyncadd.s32 $0xFFFF8000  }
0x7f: {  	[tilespmem:s23], [sflag:$0x1] =	stream.indirect.gather [hbm4b:s2+s22], $0x80, s26, s22, $0xb8;
	[tilespmem:$0x1FC00] =	vst v63  }
0x80: {  	_ =	swait.ge [sflag:s24], $0x8000  }
0x81: {  	[sflag:s24] =	ssyncset.done $0x0  }
0x82: {  	s26 =	sadd.s32 $0x1400, s26;
	[sflag:s24] =	ssyncadd.s32 $0xFFFF8000  }
0x83: {  	[spmem:s3] =	stream.indirect.scatter.add.f32 [tilespmem:s23], [sflag:$0x2], $0x80, s26, s22, $0xb8;
	[tilespmem:$0x1FC00] =	vst v63  }
0x84: {  	_ =	swait.ge [sflag:s18], $0x8000  }
0x85: {  	[sflag:s18] =	ssyncset.done $0x0  }
0x86: {  	s29 =	simm.s32 $0x0;
	[sflag:s18] =	ssyncadd.s32 $0xFFFF8000  }
0x87: {  	[tilespmem:s29], [sflag:$0x2] =	stream.strided.gather [hbm4b:s14+s19], $0x1400, s20, s19, $0x38;
	[tilespmem:$0x1FC00] =	vst v63  }
0x88: {  	_ =	swait.ge [sflag:s18], $0x1400  }
0x89: {  	[sflag:s18] =	ssyncset.done $0x0  }
0x8a: {  	s30 =	simm.s32 $0x0;
	[sflag:s18] =	ssyncadd.s32 $0xFFFFEC00  }
0x8b: {  	[tilespmem:s23], [sflag:$0x1] =	stream.indirect.gather [hbm4b:s2+s22], $0x80, s30, s22, $0xb8;
	[tilespmem:$0x1FC00] =	vst v63  }
0x8c: {  	_ =	swait.ge [sflag:s24], $0x8000  }
0x8d: {  	[sflag:s24] =	ssyncset.done $0x0  }
0x8e: {  	s31 =	simm.s32 $0x2800;
	[sflag:s24] =	ssyncadd.s32 $0xFFFF8000  }
0x8f: {  	[spmem:s3] =	stream.indirect.scatter.add.f32 [tilespmem:s23], [sflag:$0x2], $0x80, s31, s22, $0xb8;
	[tilespmem:$0x1FC00] =	vst v63  }
0x90: {  	_ =	swait.ge [sflag:s18], $0x8000  }
0x91: {  	s28 =	simm.s32 $0x800;
	s26 =	simm.s32 $0x400;
	[sflag:s18] =	ssyncset.done $0x0  }
.LBB2_5:
0x92: {  	s29 =	sshra.s32 s26, $0x2  }
0x93: {  	[sflag:s18] =	ssyncadd.s32 $0xFFFF8000;
	s26 =	smov.u32 s28;
	s30 =	sadd.s32 $0x400, s28  }
0x94: {  	[tilespmem:s23], [sflag:$0x1] =	stream.indirect.gather [hbm4b:s2+s22], $0x80, s29, s22, $0xb8;
	[tilespmem:$0x1FC00] =	vst v63  }
0x95: {  	p1 =	seq.s32 s28, $0x4C00;
	_ =	swait.ge [sflag:s24], $0x8000  }
.Ltmp7:
0x96: {  	[sflag:s24] =	ssyncset.done $0x0;
	(pc) =	sbr.rel @!p1 .LBB2_5-.Ltmp7, $4  }
0x97: {  	s28 =	sadd.s32 $0x2800, s29;
	[sflag:s24] =	ssyncadd.s32 $0xFFFF8000  }
0x98: {  	[spmem:s3] =	stream.indirect.scatter.add.f32 [tilespmem:s23], [sflag:$0x2], $0x80, s28, s22, $0xb8;
	[tilespmem:$0x1FC00] =	vst v63  }
0x99: {  	_ =	swait.ge [sflag:s18], $0x8000  }
0x9a: {  	s28 =	smov.u32 s30;
	[sflag:s18] =	ssyncset.done $0x0  }
0x9b: {  	s26 =	sshra.s32 s26, $0x2;
	[sflag:s18] =	ssyncadd.s32 $0xFFFF8000  }
0x9c: {  	[tilespmem:s23], [sflag:$0x1] =	stream.indirect.gather [hbm4b:s2+s22], $0x80, s26, s22, $0xb8;
	[tilespmem:$0x1FC00] =	vst v63  }
0x9d: {  	_ =	swait.ge [sflag:s24], $0x8000  }
0x9e: {  	[sflag:s24] =	ssyncset.done $0x0  }
.Ltmp8:
0x9f: {  	s26 =	sadd.s32 $0x2800, s26;
	[sflag:s24] =	ssyncadd.s32 $0xFFFF8000;
	(pc) =	sbr.rel .LBB2_12-.Ltmp8, $4  }
0xa0: {  	[spmem:s3] =	stream.indirect.scatter.add.f32 [tilespmem:s23], [sflag:$0x2], $0x80, s26, s22, $0xb8;
	[tilespmem:$0x1FC00] =	vst v63  }
0xa1: {  	_ =	swait.ge [sflag:s18], $0x8000  }
0xa2: {  	[sflag:s18] =	ssyncset.done $0x0  }
0xa3: {  	s26 =	smov.u32 s6;
	[sflag:s18] =	ssyncadd.s32 $0xFFFF8000  }
.LBB2_13:
0xa4: {  	_ =	sfence.sel $0x180000  }
0xa5: {  	[bflag:$0x0] =	sbarrier.arrive $0xFFFF  }
0xa6: {  	p0 =	sne.s32 s1, $0x0;
	_ =	strace $0x9000004D  }
0xa7: {  	s0 =	sadd.s32 @!p0 $0x100000, s0;
	[bflag:$0x2] =	sbarrier.arrive $0xFFFF  }
0xa8: {  	[sflag:s0] =	ssyncadd.tile.s32 @!p0 $0x1;
	_ =	shalt  }
.Lfunc_end2:
_tile_overlayer_lowered:
.L_overlay_start_2:
0xa9: {  	(tag) =	ssettag $0x2  }
0xaa: {  	s0 =	rddreg [dreg:$0x0];
	s2 =	stileid.u32  }
0xab: {  	s1 =	rddreg [dreg:$0x1];
	p0 =	sne.s32 s2, $0x0  }
0xac: {  	s3 =	rddreg [dreg:$0x2];
	[bflag:$0x3] =	sbarrier.arrive $0xFFFF;
	s2 =	simm.s32 @!p0 $0x1C02  }
0xad: {  	[timem:s3], [sflag:s2] =	dma.local @!p0 [hbm:s0], s1  }
0xae: {  	s0 =	simm.s32 @!p0 $0x2  }
0xaf: {  	_ =	swait.ge @!p0 [sflag:s0], s1  }
0xb0: {  	s1 =	ssub.s32 @!p0 $0x0, s1;
	[sflag:s0] =	ssyncset.done @!p0 $0x0  }
0xb1: {  	[sflag:s0] =	ssyncadd.s32 @!p0 s1  }
0xb2: {  	[bflag:$0x3] =	sbarrier.arrive $0xFFFF  }
0xb3: {  	_ =	shalt  }

// kernel: kernel.19.cloned.1.call-start
scs
__scs_entry_jumppad:
0x0: {  	(pc) =	sbr.rel $0x88, $3  }
0x1: {  	(tag) =	ssettag $0x0;
	lr =	simm.s32 $0x1  }
0x2: {  	[smem:$0x3F99] =	sst lr;
	_ =	strace $0xD0000000  }
0x3: {  	_ = 	snop  }
0x4: {  	_ = 	snop  }
0x5: {  	_ = 	snop  }
0x6: {  	_ = 	snop  }
0x7: {  	_ = 	snop  }
__scs_overlays_trampoline_lowered:
0x8: {  	[smem:$0x3FA8] =	sst s0  }
0x9: {  	[smem:$0x3FA9] =	sst s1  }
0xa: {  	[smem:$0x3FAA] =	sst s2  }
0xb: {  	[smem:$0x3FAB] =	sst s3  }
0xc: {  	[smem:$0x3FAC] =	sst s4  }
0xd: {  	[smem:$0x3FAD] =	sst s5  }
0xe: {  	[smem:$0x3FAE] =	sst s6  }
0xf: {  	[smem:$0x3FAF] =	sst s7  }
0x10: {  	[smem:$0x3FB0] =	sst s8  }
0x11: {  	[smem:$0x3FB1] =	sst s9;
	s0 =	simm.s32 @!p0 $0x0  }
0x12: {  	s1 =	sld [smem:$0x3F97];
	s0 =	simm.s32 @p0 $0x1  }
0x13: {  	[smem:$0x3FB2] =	sst s0;
	s0 =	simm.s32 @!p1 $0x0  }
0x14: {  	s2 =	sld [smem:$0x3F96];
	s0 =	simm.s32 @p1 $0x1  }
0x15: {  	[smem:$0x3FB3] =	sst s0;
	s0 =	simm.s32 @!p2 $0x0  }
0x16: {  	s3 =	sld [smem:$0x3FDB];
	s0 =	simm.s32 @p2 $0x1  }
0x17: {  	s4 =	simm.s32 $0x1BF5;
	[smem:$0x3FB5] =	sst s0  }
0x18: {  	s0 =	sld [smem:$0x3F98];
	_ =	swait.ge [sflag:s4], $0x0  }
0x19: {  	s7 =	sld [smem:$0x3F99]  }
0x1a: {  	s8 =	sadd.s32 $0xFFFFE003, lr  }
0x1b: {  	s9 =	sadd.s32 $0xFFFFFEF7, lr;
	s5 =	simm.s32 $0xFFFFFFFF;
	p2 =	slt.u32 s8, $0xFFFFF086  }
0x1c: {  	p1 =	slt.u32 s9, $0xF7A;
	s5 =	simm.s32 @!p2 $0x0  }
0x1d: {  	s5 =	simm.s32 @p1 $0x1;
	p0 =	seq.s32 s7, s2  }
0x1e: {  	s7 =	smul.u32 @!p0 $0xF7A, s2;
	p2 =	seq.s32 @!p0 s5, $0x0  }
0x1f: {  	s9 =	smul.u32 $0xF7A, s1;
	s8 =	simm.s32 @!p0 $0x1BF5;
	p2 =	por !p2, p0  }
0x20: {  	[sflag:s8] =	ssyncset.s32 @!p0 $0xFFFFF086;
	s6 =	sadd.s32 @!p0 s3, s7;
	s7 =	simm.s32 @!p0 $0x108  }
0x21: {  	s3 =	sadd.s32 s3, s9;
	s6 =	sadd.s32 @!p0 $0x88, s6;
	s7 =	simm.s32 @p2 $0x1082  }
0x22: {  	[simem:s7], [sflag:s8] =	dma.local @!p0 [hbm:s6], $0xF7A  }
0x23: {  	s9 =	sor.u32 $0xD0000000, s2;
	s6 =	simm.s32 $0x108;
	_ =	swait.ge @!p0 [sflag:s8], $0x0  }
0x24: {  	s3 =	sadd.s32 $0x88, s3;
	s6 =	simm.s32 @!p1 $0x1082;
	[sflag:s4] =	ssyncset.s32 $0xFFFFF086  }
0x25: {  	[simem:s6], [sflag:s4] =	dma.local [hbm:s3], $0xF7A  }
0x26: {  	[smem:$0x3F99] =	sst s1;
	(tag) =	ssettag s2;
	_ =	strace s9  }
0x27: {  	s1 =	sld [smem:$0x3FA9]  }
0x28: {  	s2 =	sld [smem:$0x3FAA]  }
0x29: {  	s4 =	sld [smem:$0x3FAC]  }
0x2a: {  	p0 =	seq.s32 s5, $0x0;
	s5 =	sld [smem:$0x3FAD]  }
0x2b: {  	s6 =	sld [smem:$0x3FAE]  }
0x2c: {  	s7 =	sld [smem:$0x3FAF]  }
0x2d: {  	s3 =	simm.s32 $0x108;
	s8 =	sld [smem:$0x3FB0]  }
0x2e: {  	s3 =	simm.s32 @!p0 $0x1082;
	s9 =	sld [smem:$0x3FB1]  }
0x2f: {  	lr =	sadd.s32 s0, s3;
	s0 =	sld [smem:$0x3FA8]  }
0x30: {  	s3 =	sld [smem:$0x3FAB]  }
0x31: {  	[smem:$0x3FB4] =	sst s10  }
0x32: {  	s10 =	sld [smem:$0x3FB2];
	_ =	sdelay $0x3  }
0x33: {  	p0 =	seq.s32 s10, $0x1;
	s10 =	sld [smem:$0x3FB4];
	_ =	sdelay $0x3  }
0x34: {  	[smem:$0x3FB4] =	sst s10  }
0x35: {  	s10 =	sld [smem:$0x3FB3];
	_ =	sdelay $0x3  }
0x36: {  	p1 =	seq.s32 s10, $0x1;
	s10 =	sld [smem:$0x3FB4];
	_ =	sdelay $0x3  }
0x37: {  	[smem:$0x3FB4] =	sst s10  }
0x38: {  	s10 =	sld [smem:$0x3FB5]  }
0x39: {  	_ = 	snop;
	(pc) =	sbr.ind lr, $3  }
0x3a: {  	_ = 	snop  }
0x3b: {  	_ = 	snop  }
0x3c: {  	p2 =	seq.s32 s10, $0x1;
	s10 =	sld [smem:$0x3FB4]  }
0x3d: {  	_ =	shalt  }
0x3e: {  	_ =	shalt  }
0x3f: {  	_ =	shalt  }
0x40: {  	_ =	shalt  }
0x41: {  	_ =	shalt  }
0x42: {  	_ =	shalt  }
0x43: {  	_ =	shalt  }
0x44: {  	_ =	shalt  }
0x45: {  	_ =	shalt  }
0x46: {  	_ =	shalt  }
0x47: {  	_ =	shalt  }
0x48: {  	_ =	shalt  }
0x49: {  	_ =	shalt  }
0x4a: {  	_ =	shalt  }
0x4b: {  	_ =	shalt  }
0x4c: {  	_ =	shalt  }
0x4d: {  	_ =	shalt  }
0x4e: {  	_ =	shalt  }
0x4f: {  	_ =	shalt  }
0x50: {  	_ =	shalt  }
0x51: {  	_ =	shalt  }
0x52: {  	_ =	shalt  }
0x53: {  	_ =	shalt  }
0x54: {  	_ =	shalt  }
0x55: {  	_ =	shalt  }
0x56: {  	_ =	shalt  }
0x57: {  	_ =	shalt  }
0x58: {  	_ =	shalt  }
0x59: {  	_ =	shalt  }
0x5a: {  	_ =	shalt  }
0x5b: {  	_ =	shalt  }
0x5c: {  	_ =	shalt  }
0x5d: {  	_ =	shalt  }
0x5e: {  	_ =	shalt  }
0x5f: {  	_ =	shalt  }
0x60: {  	_ =	shalt  }
0x61: {  	_ =	shalt  }
0x62: {  	_ =	shalt  }
0x63: {  	_ =	shalt  }
0x64: {  	_ =	shalt  }
0x65: {  	_ =	shalt  }
0x66: {  	_ =	shalt  }
0x67: {  	_ =	shalt  }
0x68: {  	_ =	shalt  }
0x69: {  	_ =	shalt  }
0x6a: {  	_ =	shalt  }
0x6b: {  	_ =	shalt  }
0x6c: {  	_ =	shalt  }
0x6d: {  	_ =	shalt  }
0x6e: {  	_ =	shalt  }
0x6f: {  	_ =	shalt  }
0x70: {  	_ =	shalt  }
0x71: {  	_ =	shalt  }
0x72: {  	_ =	shalt  }
0x73: {  	_ =	shalt  }
0x74: {  	_ =	shalt  }
0x75: {  	_ =	shalt  }
0x76: {  	_ =	shalt  }
0x77: {  	_ =	shalt  }
0x78: {  	_ =	shalt  }
0x79: {  	_ =	shalt  }
0x7a: {  	_ =	shalt  }
0x7b: {  	_ =	shalt  }
0x7c: {  	_ =	shalt  }
0x7d: {  	_ =	shalt  }
0x7e: {  	_ =	shalt  }
0x7f: {  	_ =	shalt  }
0x80: {  	_ =	shalt  }
0x81: {  	_ =	shalt  }
0x82: {  	_ =	shalt  }
0x83: {  	_ =	shalt  }
0x84: {  	_ =	shalt  }
0x85: {  	_ =	shalt  }
0x86: {  	_ =	shalt  }
0x87: {  	_ =	shalt  }
.Lfunc_end0:
.L_simem_size_0:
called_computation.3_lowered:
.L_overlay_start_0:
0x88: {  	s2 =	sld [smem:$0x3FD9]  }
0x89: {  	s3 =	sld [smem:$0x3FFE];
	_ =	sdelay $0x1  }
0x8a: {  	s1 =	srdreg.scid  }
0x8b: {  	s0 =	sand.u32 $0x1, s1  }
0x8c: {  	s17 =	sshll.u32 s0, $0xA;
	s2 =	sadd.s32 s3, s2  }
0x8d: {  	s2 =	sadd.s32 s2, s17  }
0x8e: {  	[smem:$0x3FC0] =	sst s2  }
0x8f: {  	_ = 	snop  }
0x90: {  	s2 =	sld [smem:$0x3FD0];
	(tm) =	ssettm $0x1  }
0x91: {  	s18 =	sld [smem:$0x3FFB];
	_ =	sdelay $0x3  }
0x92: {  	_ =	strace s18  }
0x93: {  	s3 =	sld [smem:$0x3FFC];
	_ =	sdelay $0x3  }
0x94: {  	_ =	strace s3  }
0x95: {  	s3 =	sld [smem:$0x3FFD];
	_ =	sdelay $0x3  }
0x96: {  	_ =	strace s3  }
0x97: {  	_ =	strace $0x8FFFFFFF  }
0x98: {  	s19 =	sld [smem:$0x3FDB];
	_ =	sdelay $0x1  }
0x99: {  	s4 =	simm.s32 $_scs_section_size  }
0x9a: {  	s5 =	simm.s32 $_size__tile_overlayer_lowered;
	s6 =	simm.s32 $_tile_overlayer_lowered  }
0x9b: {  	s22 =	simm.s32 $0x1BFF;
	s21 =	sshll.u32 s6, $0x1;
	s3 =	sadd.s32 s4, s19  }
0x9c: {  	s7 =	simm.s32 $0x0;
	s20 =	sshll.u32 s5, $0x1;
	s5 =	sadd.s32 s21, s3  }
0x9d: {  	[timem:s7], [sflag:s22] =	dma.local [hbm:s5], s20  }
0x9e: {  	_ =	swait.ge [sflag:s22], s20  }
0x9f: {  	s4 =	ssub.s32 $0x0, s20;
	[sflag:s22] =	ssyncset.done $0x0  }
0xa0: {  	[sflag:s22] =	ssyncadd.s32 s4;
	_ =	sdelay $0x1  }
0xa1: {  	s23 =	simm.s32 $0x1B8B  }
0xa2: {  	_ =	swait.ge [sflag:s23], $0x1  }
0xa3: {  	[sflag:s23] =	ssyncset.done $0x0  }
0xa4: {  	s25 =	simm.s32 $0x1B8E;
	s24 =	sld [smem:$0x3FFE];
	[sflag:s23] =	ssyncadd.s32 $0xFFFFFFFF  }
0xa5: {  	s26 =	simm.s32 $execute0_lowered;
	[smem:$0x3FD2] =	sst s25  }
0xa6: {  	s5 =	sshll.u32 s26, $0x1;
	_ =	strace $0x8000004F;
	[dreg:$0x1] =	wrdreg $0xFFFFFFFF  }
0xa7: {  	s28 =	simm.s32 $_size_execute0_lowered;
	s3 =	sadd.s32 s3, s5;
	[dreg:$0x0] =	wrdreg $0x0  }
0xa8: {  	s5 =	sshll.u32 s28, $0x1;
	[dreg:$0x2] =	wrdreg s3  }
0xa9: {  	[dreg:$0x3] =	wrdreg s5  }
0xaa: {  	[dreg:$0x4] =	wrdreg $0xC0  }
0xab: {  	_ =	task [dreg:s7], $0x5FFFF  }
0xac: {  	[dreg:$0x1] =	wrdreg $0xFFFFFFFF  }
0xad: {  	[dreg:$0x0] =	wrdreg $0x60  }
0xae: {  	[dreg:$0x2] =	wrdreg s2  }
0xaf: {  	[dreg:$0x3] =	wrdreg s24  }
0xb0: {  	[dreg:$0x4] =	wrdreg $0xBC000  }
0xb1: {  	[dreg:$0x5] =	wrdreg $0x9  }
0xb2: {  	_ =	task.clear_ibuf [dreg:s7], $0x6FFFF;
	_ =	strace $0x9000004F  }
0xb3: {  	s29 =	simm.s32 $0x9;
	_ =	strace $0x80000051  }
0xb4: {  	_ =	swait.ge [sflag:s29], $0x1  }
0xb5: {  	[sflag:s29] =	ssyncadd.s32 $0xFFFFFFFF  }
0xb6: {  	_ =	strace $0x90000051  }
0xb7: {  	_ =	sfence  }
0xb8: {  	s30 =	sld [smem:$0x0];
	_ =	sdelay $0x2  }
0xb9: {  	s31 =	sshll.u32 s1, $0xD;
	s1 =	sshrl.u32 s1, $0x2  }
0xba: {  	s3 =	sand.u32 $0x4000, s31;
	s1 =	sadd.s32 s1, s30  }
0xbb: {  	s0 =	sor.u32 s3, s0;
	s1 =	sshll.u32 s1, $0x11  }
0xbc: {  	s0 =	sor.u32 s1, s0  }
0xbd: {  	s0 =	sadd.s32 $0x8F2B, s0  }
0xbe: {  	[sflag:s0] =	ssyncadd.remote.s32 $0x1  }
0xbf: {  	_ =	sfence.sel $0xFFFF  }
0xc0: {  	[dreg:$0x0] =	wrdreg $0xFFFFFFFF;
	(pc) =	sbr.abs _section_cstart, $3  }
0xc1: {  	[dreg:$0x1] =	wrdreg $0xFFFFFFFF  }
0xc2: {  	_ =	task.clear_ibuf [dreg:s7], $0x2FFFF;
	_ =	strace $0x9FFFFFFF  }
0xc3: {  	(tm) =	ssettm $0x7FFFFFFF  }
tec
execute0_lowered:
.L_overlay_start_1:
0x0: {  	(tag) =	ssettag $0x1  }
0x1: {  	s2 =	rddreg [dreg:$0x0]  }
0x2: {  	s8 =	rddreg [dreg:$0x1]  }
0x3: {  	s3 =	rddreg [dreg:$0x2]  }
0x4: {  	s1 =	stileid.u32;
	s0 =	rddreg [dreg:$0x3];
	s4 =	simm.s32 $0x0  }
0x5: {  	s7 =	srdreg.scid;
	s18 =	simm.s32 $0x2;
	s19 =	simm.s32 $0x80  }
0x6: {  	s20 =	simm.s32 $0x400;
	s21 =	simm.s32 $0x1400;
	s22 =	simm.s32 $0x100  }
0x7: {  	s23 =	simm.s32 $0x3C00;
	s24 =	simm.s32 $0x1;
	s5 =	sshrl.u32 s1, $0x3  }
0x8: {  	s6 =	sshll.u32 s1, $0x7;
	[smem:$0x7FF] =	sst s4;
	s11 =	smul.u32 $0x50000, s1  }
0x9: {  	s9 =	sand.u32 $0x1, s7;
	s7 =	smul.u32 $0x2800, s1;
	s15 =	sshll.u32 s1, $0x6  }
0xa: {  	s5 =	smul.u32 $0x14000, s5;
	s6 =	sand.u32 $0x380, s6;
	_ =	strace $0x80000050  }
0xb: {  	s10 =	ssub.s32 $0x2, s9;
	p0 =	seq.s32 s9, $0x1;
	s16 =	sor.u32 $0x1C02, s15  }
0xc: {  	s12 =	sshrl.u32 s10, $0x1;
	s31 =	sshrl.u32 s11, $0x2;
	s9 =	sadd.s32 s2, s7  }
.Ltmp0:
0xd: {  	s6 =	sor.u32 s6, s5;
	s5 =	sadd.s32 $0x65000, s8;
	(pc) =	sbr.rel .LBB2_1-.Ltmp0, $4  }
0xe: {  	s12 =	ssub.s32 s10, s12;
	s17 =	sadd.s32 s31, s3;
	s6 =	sshrl.u32 s6, $0x3  }
0xf: {  	s11 =	sadd.s32 s5, s7;
	s12 =	smax.u32 s12, $0x1;
	s17 =	sshrl.u32 s17, $0x3  }
0x10: {  	s14 =	sadd.s32 s6, s8;
	s6 =	sadd.s32 $0x8D000, s8;
	s8 =	sadd.s32 $0xB5000, s8  }
0x11: {  	s10 =	sadd.s32 $0x60000, s14;
	s13 =	sadd.s32 $0x5B000, s14;
	s14 =	sadd.s32 $0x5C400, s14  }
.LBB2_11:
0x12: {  	s25 =	sshra.s32 s25, $0x2;
	[sflag:s18] =	ssyncadd.s32 $0xFFFF8000  }
0x13: {  	[tilespmem:s23], [sflag:$0x1] =	stream.indirect.gather [hbm4b:s5+s22], $0x80, s25, s22, $0xb8;
	[tilespmem:$0x1FC00] =	vst v63  }
0x14: {  	_ =	swait.ge [sflag:s24], $0x8000  }
0x15: {  	[sflag:s24] =	ssyncset.done $0x0  }
0x16: {  	s25 =	sadd.s32 $0x2800, s25;
	[sflag:s24] =	ssyncadd.s32 $0xFFFF8000  }
0x17: {  	[spmem:s3] =	stream.indirect.scatter.add.f32 [tilespmem:s23], [sflag:$0x2], $0x80, s25, s22, $0xb8;
	[tilespmem:$0x1FC00] =	vst v63  }
0x18: {  	_ =	swait.ge [sflag:s18], $0x8000  }
0x19: {  	[sflag:s18] =	ssyncset.done $0x0  }
0x1a: {  	s26 =	smov.u32 s8;
	s25 =	smov.u32 s16;
	[sflag:s18] =	ssyncadd.s32 $0xFFFF8000  }
.LBB2_12:
0x1b: {  	s4 =	sadd.s32 $0x1, s4  }
0x1c: {  	p1 =	sne.s32 s4, s12  }
.Ltmp1:
0x1d: {  	s26 =	sadd.s32 s26, s7;
	[bflag:$0x0] =	sbarrier.arrive $0xFFFF;
	(pc) =	sbr.rel @!p1 .LBB2_13-.Ltmp1, $4  }
0x1e: {  	[hbm:s26], [sflag:s25] =	dma.local [spmem:s17], $0x2800  }
0x1f: {  	_ =	swait.ge [sflag:s18], $0x2800  }
0x20: {  	[sflag:s18] =	ssyncset.done $0x0  }
0x21: {  	[sflag:s18] =	ssyncadd.s32 $0xFFFFD800  }
.LBB2_1:
.Ltmp2:
0x22: {  	(pc) =	sbr.rel @!p0 .LBB2_2-.Ltmp2, $1  }
0x23: {  	_ =	sdelay $0x3  }
0x24: {  	[spmem:s17], [sflag:s16] =	dma.local [hbm:s11], $0x2800  }
0x25: {  	_ =	swait.ge [sflag:s18], $0x2800  }
0x26: {  	[sflag:s18] =	ssyncset.done $0x0  }
0x27: {  	[sflag:s18] =	ssyncadd.s32 $0xFFFFD800  }
0x28: {  	[bflag:$0x0] =	sbarrier.arrive $0xFFFF  }
0x29: {  	[tilespmem:s21], [sflag:$0x2] =	stream.strided.gather [hbm4b:s10+s19], $0x2800, s20, s19, $0x38;
	[tilespmem:$0x1FC00] =	vst v63  }
0x2a: {  	_ =	swait.ge [sflag:s18], $0x2800  }
0x2b: {  	[sflag:s18] =	ssyncset.done $0x0  }
0x2c: {  	s25 =	simm.s32 $0x0;
	[sflag:s18] =	ssyncadd.s32 $0xFFFFD800  }
0x2d: {  	[tilespmem:s25], [sflag:$0x2] =	stream.strided.gather [hbm4b:s13+s19], $0x1400, s20, s19, $0x38;
	[tilespmem:$0x1FC00] =	vst v63  }
0x2e: {  	_ =	swait.ge [sflag:s18], $0x1400  }
0x2f: {  	[sflag:s18] =	ssyncset.done $0x0  }
0x30: {  	s30 =	simm.s32 $0x0;
	[sflag:s18] =	ssyncadd.s32 $0xFFFFEC00  }
0x31: {  	[tilespmem:s23], [sflag:$0x1] =	stream.indirect.gather [hbm4b:s5+s22], $0x80, s30, s22, $0xb8;
	[tilespmem:$0x1FC00] =	vst v63  }
0x32: {  	_ =	swait.ge [sflag:s24], $0x8000  }
0x33: {  	[sflag:s24] =	ssyncset.done $0x0  }
0x34: {  	s31 =	simm.s32 $0x1400;
	[sflag:s24] =	ssyncadd.s32 $0xFFFF8000  }
0x35: {  	[spmem:s3] =	stream.indirect.scatter.add.f32 [tilespmem:s23], [sflag:$0x2], $0x80, s31, s22, $0xb8;
	[tilespmem:$0x1FC00] =	vst v63  }
0x36: {  	_ =	swait.ge [sflag:s18], $0x8000  }
0x37: {  	s26 =	simm.s32 $0x800;
	s25 =	simm.s32 $0x400;
	[sflag:s18] =	ssyncset.done $0x0  }
.LBB2_8:
0x38: {  	s28 =	sshra.s32 s25, $0x2  }
0x39: {  	[sflag:s18] =	ssyncadd.s32 $0xFFFF8000;
	s25 =	smov.u32 s26;
	s29 =	sadd.s32 $0x400, s26  }
0x3a: {  	[tilespmem:s23], [sflag:$0x1] =	stream.indirect.gather [hbm4b:s5+s22], $0x80, s28, s22, $0xb8;
	[tilespmem:$0x1FC00] =	vst v63  }
0x3b: {  	p1 =	sne.s32 s26, $0x4C00;
	_ =	swait.ge [sflag:s24], $0x8000  }
.Ltmp3:
0x3c: {  	[sflag:s24] =	ssyncset.done $0x0;
	(pc) =	sbr.rel @p1 .LBB2_8-.Ltmp3, $4  }
0x3d: {  	s26 =	sadd.s32 $0x1400, s28;
	[sflag:s24] =	ssyncadd.s32 $0xFFFF8000  }
0x3e: {  	[spmem:s3] =	stream.indirect.scatter.add.f32 [tilespmem:s23], [sflag:$0x2], $0x80, s26, s22, $0xb8;
	[tilespmem:$0x1FC00] =	vst v63  }
0x3f: {  	_ =	swait.ge [sflag:s18], $0x8000  }
0x40: {  	s26 =	smov.u32 s29;
	[sflag:s18] =	ssyncset.done $0x0  }
0x41: {  	s25 =	sshra.s32 s25, $0x2;
	[sflag:s18] =	ssyncadd.s32 $0xFFFF8000  }
0x42: {  	[tilespmem:s23], [sflag:$0x1] =	stream.indirect.gather [hbm4b:s5+s22], $0x80, s25, s22, $0xb8;
	[tilespmem:$0x1FC00] =	vst v63  }
0x43: {  	_ =	swait.ge [sflag:s24], $0x8000  }
0x44: {  	[sflag:s24] =	ssyncset.done $0x0  }
0x45: {  	s25 =	sadd.s32 $0x1400, s25;
	[sflag:s24] =	ssyncadd.s32 $0xFFFF8000  }
0x46: {  	[spmem:s3] =	stream.indirect.scatter.add.f32 [tilespmem:s23], [sflag:$0x2], $0x80, s25, s22, $0xb8;
	[tilespmem:$0x1FC00] =	vst v63  }
0x47: {  	_ =	swait.ge [sflag:s18], $0x8000  }
0x48: {  	[sflag:s18] =	ssyncset.done $0x0  }
0x49: {  	s29 =	simm.s32 $0x0;
	[sflag:s18] =	ssyncadd.s32 $0xFFFF8000  }
0x4a: {  	[tilespmem:s29], [sflag:$0x2] =	stream.strided.gather [hbm4b:s14+s19], $0x1400, s20, s19, $0x38;
	[tilespmem:$0x1FC00] =	vst v63  }
0x4b: {  	_ =	swait.ge [sflag:s18], $0x1400  }
0x4c: {  	[sflag:s18] =	ssyncset.done $0x0  }
0x4d: {  	s30 =	simm.s32 $0x0;
	[sflag:s18] =	ssyncadd.s32 $0xFFFFEC00  }
0x4e: {  	[tilespmem:s23], [sflag:$0x1] =	stream.indirect.gather [hbm4b:s5+s22], $0x80, s30, s22, $0xb8;
	[tilespmem:$0x1FC00] =	vst v63  }
0x4f: {  	_ =	swait.ge [sflag:s24], $0x8000  }
0x50: {  	[sflag:s24] =	ssyncset.done $0x0  }
0x51: {  	s31 =	simm.s32 $0x2800;
	[sflag:s24] =	ssyncadd.s32 $0xFFFF8000  }
0x52: {  	[spmem:s3] =	stream.indirect.scatter.add.f32 [tilespmem:s23], [sflag:$0x2], $0x80, s31, s22, $0xb8;
	[tilespmem:$0x1FC00] =	vst v63  }
0x53: {  	_ =	swait.ge [sflag:s18], $0x8000  }
0x54: {  	s26 =	simm.s32 $0x800;
	s25 =	simm.s32 $0x400;
	[sflag:s18] =	ssyncset.done $0x0  }
.LBB2_10:
0x55: {  	s28 =	sshra.s32 s25, $0x2  }
0x56: {  	[sflag:s18] =	ssyncadd.s32 $0xFFFF8000;
	s25 =	smov.u32 s26;
	s29 =	sadd.s32 $0x400, s26  }
0x57: {  	[tilespmem:s23], [sflag:$0x1] =	stream.indirect.gather [hbm4b:s5+s22], $0x80, s28, s22, $0xb8;
	[tilespmem:$0x1FC00] =	vst v63  }
0x58: {  	p1 =	sne.s32 s26, $0x4C00;
	_ =	swait.ge [sflag:s24], $0x8000  }
.Ltmp4:
0x59: {  	[sflag:s24] =	ssyncset.done $0x0;
	(pc) =	sbr.rel @p1 .LBB2_10-.Ltmp4, $4  }
0x5a: {  	s26 =	sadd.s32 $0x2800, s28;
	[sflag:s24] =	ssyncadd.s32 $0xFFFF8000  }
0x5b: {  	[spmem:s3] =	stream.indirect.scatter.add.f32 [tilespmem:s23], [sflag:$0x2], $0x80, s26, s22, $0xb8;
	[tilespmem:$0x1FC00] =	vst v63  }
0x5c: {  	_ =	swait.ge [sflag:s18], $0x8000  }
0x5d: {  	s26 =	smov.u32 s29;
	[sflag:s18] =	ssyncset.done $0x0  }
.Ltmp5:
0x5e: {  	_ = 	snop;
	(pc) =	sbr.rel .LBB2_11-.Ltmp5, $1  }
0x5f: {  	_ =	sdelay $0x3  }
.LBB2_2:
0x60: {  	s25 =	sor.u32 $0x1C02, s15  }
0x61: {  	[spmem:s17], [sflag:s25] =	dma.local [hbm:s9], $0x2800  }
0x62: {  	_ =	swait.ge [sflag:s18], $0x2800  }
0x63: {  	[sflag:s18] =	ssyncset.done $0x0  }
0x64: {  	[sflag:s18] =	ssyncadd.s32 $0xFFFFD800  }
0x65: {  	[bflag:$0x0] =	sbarrier.arrive $0xFFFF  }
0x66: {  	[tilespmem:s21], [sflag:$0x2] =	stream.strided.gather [hbm4b:s10+s19], $0x2800, s20, s19, $0x38;
	[tilespmem:$0x1FC00] =	vst v63  }
0x67: {  	_ =	swait.ge [sflag:s18], $0x2800  }
0x68: {  	[sflag:s18] =	ssyncset.done $0x0  }
0x69: {  	s26 =	simm.s32 $0x0;
	[sflag:s18] =	ssyncadd.s32 $0xFFFFD800  }
0x6a: {  	[tilespmem:s26], [sflag:$0x2] =	stream.strided.gather [hbm4b:s13+s19], $0x1400, s20, s19, $0x38;
	[tilespmem:$0x1FC00] =	vst v63  }
0x6b: {  	_ =	swait.ge [sflag:s18], $0x1400  }
0x6c: {  	[sflag:s18] =	ssyncset.done $0x0  }
0x6d: {  	s30 =	simm.s32 $0x0;
	[sflag:s18] =	ssyncadd.s32 $0xFFFFEC00  }
0x6e: {  	[tilespmem:s23], [sflag:$0x1] =	stream.indirect.gather [hbm4b:s2+s22], $0x80, s30, s22, $0xb8;
	[tilespmem:$0x1FC00] =	vst v63  }
0x6f: {  	_ =	swait.ge [sflag:s24], $0x8000  }
0x70: {  	[sflag:s24] =	ssyncset.done $0x0  }
0x71: {  	s31 =	simm.s32 $0x1400;
	[sflag:s24] =	ssyncadd.s32 $0xFFFF8000  }
0x72: {  	[spmem:s3] =	stream.indirect.scatter.add.f32 [tilespmem:s23], [sflag:$0x2], $0x80, s31, s22, $0xb8;
	[tilespmem:$0x1FC00] =	vst v63  }
0x73: {  	_ =	swait.ge [sflag:s18], $0x8000  }
0x74: {  	s28 =	simm.s32 $0x800;
	s26 =	simm.s32 $0x400;
	[sflag:s18] =	ssyncset.done $0x0  }
.LBB2_3:
0x75: {  	s29 =	sshra.s32 s26, $0x2  }
0x76: {  	[sflag:s18] =	ssyncadd.s32 $0xFFFF8000;
	s26 =	smov.u32 s28;
	s30 =	sadd.s32 $0x400, s28  }
0x77: {  	[tilespmem:s23], [sflag:$0x1] =	stream.indirect.gather [hbm4b:s2+s22], $0x80, s29, s22, $0xb8;
	[tilespmem:$0x1FC00] =	vst v63  }
0x78: {  	p1 =	sne.s32 s28, $0x4C00;
	_ =	swait.ge [sflag:s24], $0x8000  }
.Ltmp6:
0x79: {  	[sflag:s24] =	ssyncset.done $0x0;
	(pc) =	sbr.rel @p1 .LBB2_3-.Ltmp6, $4  }
0x7a: {  	s28 =	sadd.s32 $0x1400, s29;
	[sflag:s24] =	ssyncadd.s32 $0xFFFF8000  }
0x7b: {  	[spmem:s3] =	stream.indirect.scatter.add.f32 [tilespmem:s23], [sflag:$0x2], $0x80, s28, s22, $0xb8;
	[tilespmem:$0x1FC00] =	vst v63  }
0x7c: {  	_ =	swait.ge [sflag:s18], $0x8000  }
0x7d: {  	s28 =	smov.u32 s30;
	[sflag:s18] =	ssyncset.done $0x0  }
0x7e: {  	s26 =	sshra.s32 s26, $0x2;
	[sflag:s18] =	ssyncadd.s32 $0xFFFF8000  }
0x7f: {  	[tilespmem:s23], [sflag:$0x1] =	stream.indirect.gather [hbm4b:s2+s22], $0x80, s26, s22, $0xb8;
	[tilespmem:$0x1FC00] =	vst v63  }
0x80: {  	_ =	swait.ge [sflag:s24], $0x8000  }
0x81: {  	[sflag:s24] =	ssyncset.done $0x0  }
0x82: {  	s26 =	sadd.s32 $0x1400, s26;
	[sflag:s24] =	ssyncadd.s32 $0xFFFF8000  }
0x83: {  	[spmem:s3] =	stream.indirect.scatter.add.f32 [tilespmem:s23], [sflag:$0x2], $0x80, s26, s22, $0xb8;
	[tilespmem:$0x1FC00] =	vst v63  }
0x84: {  	_ =	swait.ge [sflag:s18], $0x8000  }
0x85: {  	[sflag:s18] =	ssyncset.done $0x0  }
0x86: {  	s29 =	simm.s32 $0x0;
	[sflag:s18] =	ssyncadd.s32 $0xFFFF8000  }
0x87: {  	[tilespmem:s29], [sflag:$0x2] =	stream.strided.gather [hbm4b:s14+s19], $0x1400, s20, s19, $0x38;
	[tilespmem:$0x1FC00] =	vst v63  }
0x88: {  	_ =	swait.ge [sflag:s18], $0x1400  }
0x89: {  	[sflag:s18] =	ssyncset.done $0x0  }
0x8a: {  	s30 =	simm.s32 $0x0;
	[sflag:s18] =	ssyncadd.s32 $0xFFFFEC00  }
0x8b: {  	[tilespmem:s23], [sflag:$0x1] =	stream.indirect.gather [hbm4b:s2+s22], $0x80, s30, s22, $0xb8;
	[tilespmem:$0x1FC00] =	vst v63  }
0x8c: {  	_ =	swait.ge [sflag:s24], $0x8000  }
0x8d: {  	[sflag:s24] =	ssyncset.done $0x0  }
0x8e: {  	s31 =	simm.s32 $0x2800;
	[sflag:s24] =	ssyncadd.s32 $0xFFFF8000  }
0x8f: {  	[spmem:s3] =	stream.indirect.scatter.add.f32 [tilespmem:s23], [sflag:$0x2], $0x80, s31, s22, $0xb8;
	[tilespmem:$0x1FC00] =	vst v63  }
0x90: {  	_ =	swait.ge [sflag:s18], $0x8000  }
0x91: {  	s28 =	simm.s32 $0x800;
	s26 =	simm.s32 $0x400;
	[sflag:s18] =	ssyncset.done $0x0  }
.LBB2_5:
0x92: {  	s29 =	sshra.s32 s26, $0x2  }
0x93: {  	[sflag:s18] =	ssyncadd.s32 $0xFFFF8000;
	s26 =	smov.u32 s28;
	s30 =	sadd.s32 $0x400, s28  }
0x94: {  	[tilespmem:s23], [sflag:$0x1] =	stream.indirect.gather [hbm4b:s2+s22], $0x80, s29, s22, $0xb8;
	[tilespmem:$0x1FC00] =	vst v63  }
0x95: {  	p1 =	seq.s32 s28, $0x4C00;
	_ =	swait.ge [sflag:s24], $0x8000  }
.Ltmp7:
0x96: {  	[sflag:s24] =	ssyncset.done $0x0;
	(pc) =	sbr.rel @!p1 .LBB2_5-.Ltmp7, $4  }
0x97: {  	s28 =	sadd.s32 $0x2800, s29;
	[sflag:s24] =	ssyncadd.s32 $0xFFFF8000  }
0x98: {  	[spmem:s3] =	stream.indirect.scatter.add.f32 [tilespmem:s23], [sflag:$0x2], $0x80, s28, s22, $0xb8;
	[tilespmem:$0x1FC00] =	vst v63  }
0x99: {  	_ =	swait.ge [sflag:s18], $0x8000  }
0x9a: {  	s28 =	smov.u32 s30;
	[sflag:s18] =	ssyncset.done $0x0  }
0x9b: {  	s26 =	sshra.s32 s26, $0x2;
	[sflag:s18] =	ssyncadd.s32 $0xFFFF8000  }
0x9c: {  	[tilespmem:s23], [sflag:$0x1] =	stream.indirect.gather [hbm4b:s2+s22], $0x80, s26, s22, $0xb8;
	[tilespmem:$0x1FC00] =	vst v63  }
0x9d: {  	_ =	swait.ge [sflag:s24], $0x8000  }
0x9e: {  	[sflag:s24] =	ssyncset.done $0x0  }
.Ltmp8:
0x9f: {  	s26 =	sadd.s32 $0x2800, s26;
	[sflag:s24] =	ssyncadd.s32 $0xFFFF8000;
	(pc) =	sbr.rel .LBB2_12-.Ltmp8, $4  }
0xa0: {  	[spmem:s3] =	stream.indirect.scatter.add.f32 [tilespmem:s23], [sflag:$0x2], $0x80, s26, s22, $0xb8;
	[tilespmem:$0x1FC00] =	vst v63  }
0xa1: {  	_ =	swait.ge [sflag:s18], $0x8000  }
0xa2: {  	[sflag:s18] =	ssyncset.done $0x0  }
0xa3: {  	s26 =	smov.u32 s6;
	[sflag:s18] =	ssyncadd.s32 $0xFFFF8000  }
.LBB2_13:
0xa4: {  	_ =	sfence.sel $0x180000  }
0xa5: {  	[bflag:$0x0] =	sbarrier.arrive $0xFFFF  }
0xa6: {  	p0 =	sne.s32 s1, $0x0;
	_ =	strace $0x90000050  }
0xa7: {  	s0 =	sadd.s32 @!p0 $0x100000, s0;
	[bflag:$0x2] =	sbarrier.arrive $0xFFFF  }
0xa8: {  	[sflag:s0] =	ssyncadd.tile.s32 @!p0 $0x1;
	_ =	shalt  }
.Lfunc_end2:
_tile_overlayer_lowered:
.L_overlay_start_2:
0xa9: {  	(tag) =	ssettag $0x2  }
0xaa: {  	s0 =	rddreg [dreg:$0x0];
	s2 =	stileid.u32  }
0xab: {  	s1 =	rddreg [dreg:$0x1];
	p0 =	sne.s32 s2, $0x0  }
0xac: {  	s3 =	rddreg [dreg:$0x2];
	[bflag:$0x3] =	sbarrier.arrive $0xFFFF;
	s2 =	simm.s32 @!p0 $0x1C02  }
0xad: {  	[timem:s3], [sflag:s2] =	dma.local @!p0 [hbm:s0], s1  }
0xae: {  	s0 =	simm.s32 @!p0 $0x2  }
0xaf: {  	_ =	swait.ge @!p0 [sflag:s0], s1  }
0xb0: {  	s1 =	ssub.s32 @!p0 $0x0, s1;
	[sflag:s0] =	ssyncset.done @!p0 $0x0  }
0xb1: {  	[sflag:s0] =	ssyncadd.s32 @!p0 s1  }
0xb2: {  	[bflag:$0x3] =	sbarrier.arrive $0xFFFF  }
0xb3: {  	_ =	shalt  }

</sc_bundles>
